<compile_context>
chip_gen: v7x
topology: tpu7x:2x2x1
jax: 0.10.2.dev20260603
libtpu: 0.0.44.dev20260713+nightly
codegen_flags: <defaults>
</compile_context>

<pallas_src>
import functools

import jax
import jax.numpy as jnp
from jax import lax
from jax.experimental import pallas as pl
from jax.experimental.pallas import tpu as pltpu
from jax.experimental.pallas import tpu_sc as plsc

_NBUF = 2
_LANES = 16


@functools.lru_cache(maxsize=None)
def _make_gather(batch, hist, d):
    info = plsc.get_sparse_core_info()
    num_cores, num_subcores = info.num_cores, info.num_subcores
    num_workers = num_cores * num_subcores
    ent_w = batch // num_workers
    n_r = d // 8
    n_k = ent_w // _LANES
    assert ent_w * num_workers == batch and ent_w == 128
    assert hist % _NBUF == 0 and d % 8 == 0

    mesh = plsc.VectorSubcoreMesh(core_axis_name="c", subcore_axis_name="s")

    @functools.partial(
        pl.kernel,
        out_type=jax.ShapeDtypeStruct(
            (hist, n_r, num_workers, 8, 128), jnp.float32
        ),
        mesh=mesh,
        scratch_types=[
            pltpu.VMEM((ent_w, hist), jnp.int32),
            pltpu.VMEM((hist, ent_w), jnp.int32),
            pltpu.VMEM((_NBUF, ent_w, d), jnp.float32),
            pltpu.VMEM((_NBUF, ent_w, d + 1), jnp.float32),
            pltpu.VMEM((_NBUF, d, 128), jnp.float32),
        ]
        + [pltpu.SemaphoreType.DMA] * (2 * _NBUF),
        compiler_params=pltpu.CompilerParams(
            use_tc_tiling_on_sc=False, needs_layout_passes=False
        ),
    )
    def gather_kernel(
        table_hbm, idx_hbm, out_hbm, idx_v, idx_t, rows_v, rows_p, tbuf, *sems
    ):
        gsem = sems[:_NBUF]
        ssem = sems[_NBUF:]
        wid = lax.axis_index("s") * num_cores + lax.axis_index("c")
        e0 = wid * ent_w
        iota = lax.iota(jnp.int32, _LANES)
        pltpu.sync_copy(idx_hbm.at[pl.ds(e0, ent_w)], idx_v)

        def idx_transpose(h, carry):
            for k in range(n_k):
                vals = plsc.load_gather(
                    idx_v, [iota + _LANES * k, jnp.full((_LANES,), 0, jnp.int32) + h]
                )
                idx_t[h, pl.ds(_LANES * k, _LANES)] = vals
            return carry

        lax.fori_loop(0, hist, idx_transpose, 0)

        def gath(j, b):
            return pltpu.make_async_copy(
                table_hbm.at[idx_t.at[j]], rows_v.at[b], gsem[b]
            )

        def stores(j, b):
            return [
                pltpu.make_async_copy(
                    tbuf.at[b, pl.ds(8 * r, 8)],
                    out_hbm.at[j, r, wid],
                    ssem[b],
                )
                for r in range(n_r)
            ]

        for b in range(_NBUF):
            gath(b, b).start()

        def outer(g, carry):
            for b in range(_NBUF):
                j = g * _NBUF + b
                gath(j, b).wait()

                @pl.when(j >= _NBUF)
                def _():
                    for c in stores(j - _NBUF, b):
                        c.wait()

                @plsc.parallel_loop(0, ent_w, unroll=8)
                def _(l):
                    for g in range(d // _LANES):
                        rows_p[b, l, pl.ds(_LANES * g, _LANES)] = rows_v[
                            b, l, pl.ds(_LANES * g, _LANES)
                        ]

                @plsc.parallel_loop(0, d, unroll=8)
                def _(e):
                    for k in range(n_k):
                        vals = plsc.load_gather(
                            rows_p.at[b],
                            [
                                iota + _LANES * k,
                                jnp.full((_LANES,), 0, jnp.int32) + e,
                            ],
                        )
                        tbuf[b, e, pl.ds(_LANES * k, _LANES)] = vals
                for c in stores(j, b):
                    c.start()
                nxt = j + _NBUF

                @pl.when(nxt < hist)
                def _():
                    gath(nxt, b).start()

            return carry

        lax.fori_loop(0, hist // _NBUF, outer, 0)
        for b in range(_NBUF):
            for c in stores(hist - _NBUF + b, b):
                c.wait()

    return gather_kernel


def kernel(matrix, node_seq_id, G=0):
    batch, hist = node_seq_id.shape
    d = matrix.shape[1]
    out5 = _make_gather(batch, hist, d)(matrix, node_seq_id)
    return out5.transpose(2, 4, 0, 1, 3).reshape(batch, hist, d)

# --- scband reference (transcript-rebuilt; emitter-appended) ---
"""Pipeline reference for scband-node-embedder-6588479832256 (READ-ONLY COPY).

The authoritative reference and input builder live on the scoring server;
editing this copy changes nothing except your own understanding.
"""

import jax, jax.numpy as jnp
import numpy as np

VOCAB = 1000000
EMBED_DIM = 64
BATCH = 4096
HIST_LEN = 50


def setup_inputs(seed: int = 0) -> dict:
    key = jax.random.key(seed)
    k1, k2 = jax.random.split(key)
    matrix = jax.random.normal(k1, (VOCAB, EMBED_DIM), dtype=jnp.float32)
    node_seq_id = jax.random.randint(k2, (BATCH, HIST_LEN), 0, VOCAB, dtype=jnp.int32)
    return {"matrix": matrix, "node_seq_id": node_seq_id, "G": 0}


def reference(matrix, node_seq_id, G=0):
    # Faithful translation of: self.matrix[node_seq['id']]
    # G is an unused graph handle in the original forward.
    return jnp.take(matrix, node_seq_id, axis=0)

if __name__ == "__main__":
    import jax
    _d = setup_inputs()
    print(jax.jit(kernel)(*tuple(_d.values())))

</pallas_src>

<mosaic_0001>
#map = affine_map<(d0, d1) -> (0, 0)>
#map1 = affine_map<(d0, d1) -> (0, 0, 0, 0, 0)>
module attributes {stable_mosaic.version = 14 : i64} {
  func.func @gather_kernel(%arg0: i32, %arg1: i32, %arg2: memref<1000000x64xf32, #tpu.memory_space<hbm>>, %arg3: memref<4096x50xi32, #tpu.memory_space<hbm>>, %arg4: memref<50x8x32x8x128xf32, #tpu.memory_space<hbm>>, %arg5: memref<128x50xi32, #tpu.memory_space<vmem>>, %arg6: memref<50x128xi32, #tpu.memory_space<vmem>>, %arg7: memref<2x128x64xf32, #tpu.memory_space<vmem>>, %arg8: memref<2x128x65xf32, #tpu.memory_space<vmem>>, %arg9: memref<2x64x128xf32, #tpu.memory_space<vmem>>, %arg10: memref<!tpu.dma_semaphore, #tpu.memory_space<semaphore_mem>>, %arg11: memref<!tpu.dma_semaphore, #tpu.memory_space<semaphore_mem>>, %arg12: memref<!tpu.dma_semaphore, #tpu.memory_space<semaphore_mem>>, %arg13: memref<!tpu.dma_semaphore, #tpu.memory_space<semaphore_mem>>) attributes {dimension_semantics = [#tpu.dimension_semantics<core_parallel>, #tpu.dimension_semantics<subcore_parallel>], iteration_bounds = array<i64: 2, 16>, scalar_prefetch = 0 : i64, scratch_operands = 9 : i64, tpu.core_type = #tpu.core_type<sc_vector_subcore>, window_params = [{transform_indices = #map}, {transform_indices = #map}, {transform_indices = #map1}]} {
    %mul3A = arith.constant 2 : i32
    %mul3A_0 = arith.muli %arg1, %mul3A : i32
    %add3A = arith.addi %mul3A_0, %arg0 : i32
    %mul3A_1 = arith.constant 128 : i32
    %mul3A_2 = arith.muli %add3A, %mul3A_1 : i32
    %iota3A = tpu.iota {dimensions = array<i32: 0>} : vector<16xi32>
    "tpu.region"() ({
      %run_scoped3A = tpu.sem_alloc : memref<!tpu.dma_semaphore, #tpu.memory_space<semaphore_mem>>
      %dma_start3A_340 = arith.constant 0 : i32
      %dma_start3A_341 = tpu.memref_slice %arg3[%mul3A_2, %dma_start3A_340] : memref<4096x50xi32, #tpu.memory_space<hbm>> -> memref<128x50xi32, #tpu.memory_space<hbm>>
      %dma_start3A_342 = arith.constant 0 : i32
      %dma_start3A_343 = tpu.memref_slice %arg3[%mul3A_2, %dma_start3A_342] : memref<4096x50xi32, #tpu.memory_space<hbm>> -> memref<128x50xi32, #tpu.memory_space<hbm>>
      tpu.enqueue_dma source(%dma_start3A_343 : memref<128x50xi32, #tpu.memory_space<hbm>>) target(%arg5 : memref<128x50xi32, #tpu.memory_space<vmem>>) target_semaphore(%run_scoped3A : memref<!tpu.dma_semaphore, #tpu.memory_space<semaphore_mem>>)
      %dma_wait3A_344 = arith.constant 0 : i32
      %dma_wait3A_345 = tpu.memref_slice %arg3[%mul3A_2, %dma_wait3A_344] : memref<4096x50xi32, #tpu.memory_space<hbm>> -> memref<128x50xi32, #tpu.memory_space<hbm>>
      %dma_wait3A_346 = arith.constant 0 : i32
      %dma_wait3A_347 = tpu.memref_slice %arg3[%mul3A_2, %dma_wait3A_346] : memref<4096x50xi32, #tpu.memory_space<hbm>> -> memref<128x50xi32, #tpu.memory_space<hbm>>
      tpu.wait_dma2 semaphore(%run_scoped3A : memref<!tpu.dma_semaphore, #tpu.memory_space<semaphore_mem>>) src(%dma_wait3A_347 : memref<128x50xi32, #tpu.memory_space<hbm>>) dst(%arg5 : memref<128x50xi32, #tpu.memory_space<vmem>>)
      tpu.yield
    }) : () -> ()
    %scan3A = arith.constant 0 : i32
    %scan3A_3 = arith.constant 0 : i32
    %scan3A_4 = arith.constant 50 : i32
    %scan3A_5 = arith.addi %scan3A_3, %scan3A_4 : i32
    %scan3A_6 = arith.constant 1 : i32
    scf.for %scan3A_340 = %scan3A_3 to %scan3A_5 step %scan3A_6  : i32 {
      %add3A_341 = arith.constant 0 : i32
      %add3A_342 = vector.broadcast %add3A_341 : i32 to vector<16xi32>
      %add3A_343 = arith.addi %iota3A, %add3A_342 : vector<16xi32>
      %broadcast_in_dim3A = arith.constant 0 : i32
      %broadcast_in_dim3A_344 = vector.broadcast %broadcast_in_dim3A : i32 to vector<16xi32>
      %add3A_345 = vector.broadcast %scan3A_340 : i32 to vector<16xi32>
      %add3A_346 = arith.addi %broadcast_in_dim3A_344, %add3A_345 : vector<16xi32>
      %gather3A = tpu.vector_load_idx %arg5[%add3A_343, %add3A_346] : memref<128x50xi32, #tpu.memory_space<vmem>>[vector<16xi32>, vector<16xi32>], vector<16xi32>,
      %swap3A = arith.index_cast %scan3A_340 : i32 to index
      %swap3A_347 = arith.constant 0 : index
      %swap3A_348 = tpu.vector_load %arg6[%swap3A, %swap3A_347] {strides = array<i32>} : memref<50x128xi32, #tpu.memory_space<vmem>>, vector<16xi32>,
      tpu.vector_store %arg6[%swap3A, %swap3A_347], %gather3A {strides = array<i32>} : memref<50x128xi32, #tpu.memory_space<vmem>>, vector<16xi32>,
      %add3A_349 = arith.constant 16 : i32
      %add3A_350 = vector.broadcast %add3A_349 : i32 to vector<16xi32>
      %add3A_351 = arith.addi %iota3A, %add3A_350 : vector<16xi32>
      %broadcast_in_dim3A_352 = arith.constant 0 : i32
      %broadcast_in_dim3A_353 = vector.broadcast %broadcast_in_dim3A_352 : i32 to vector<16xi32>
      %add3A_354 = vector.broadcast %scan3A_340 : i32 to vector<16xi32>
      %add3A_355 = arith.addi %broadcast_in_dim3A_353, %add3A_354 : vector<16xi32>
      %gather3A_356 = tpu.vector_load_idx %arg5[%add3A_351, %add3A_355] : memref<128x50xi32, #tpu.memory_space<vmem>>[vector<16xi32>, vector<16xi32>], vector<16xi32>,
      %swap3A_357 = arith.index_cast %scan3A_340 : i32 to index
      %swap3A_358 = arith.constant 16 : index
      %swap3A_359 = tpu.vector_load %arg6[%swap3A_357, %swap3A_358] {strides = array<i32>} : memref<50x128xi32, #tpu.memory_space<vmem>>, vector<16xi32>,
      tpu.vector_store %arg6[%swap3A_357, %swap3A_358], %gather3A_356 {strides = array<i32>} : memref<50x128xi32, #tpu.memory_space<vmem>>, vector<16xi32>,
      %add3A_360 = arith.constant 32 : i32
      %add3A_361 = vector.broadcast %add3A_360 : i32 to vector<16xi32>
      %add3A_362 = arith.addi %iota3A, %add3A_361 : vector<16xi32>
      %broadcast_in_dim3A_363 = arith.constant 0 : i32
      %broadcast_in_dim3A_364 = vector.broadcast %broadcast_in_dim3A_363 : i32 to vector<16xi32>
      %add3A_365 = vector.broadcast %scan3A_340 : i32 to vector<16xi32>
      %add3A_366 = arith.addi %broadcast_in_dim3A_364, %add3A_365 : vector<16xi32>
      %gather3A_367 = tpu.vector_load_idx %arg5[%add3A_362, %add3A_366] : memref<128x50xi32, #tpu.memory_space<vmem>>[vector<16xi32>, vector<16xi32>], vector<16xi32>,
      %swap3A_368 = arith.index_cast %scan3A_340 : i32 to index
      %swap3A_369 = arith.constant 32 : index
      %swap3A_370 = tpu.vector_load %arg6[%swap3A_368, %swap3A_369] {strides = array<i32>} : memref<50x128xi32, #tpu.memory_space<vmem>>, vector<16xi32>,
      tpu.vector_store %arg6[%swap3A_368, %swap3A_369], %gather3A_367 {strides = array<i32>} : memref<50x128xi32, #tpu.memory_space<vmem>>, vector<16xi32>,
      %add3A_371 = arith.constant 48 : i32
      %add3A_372 = vector.broadcast %add3A_371 : i32 to vector<16xi32>
      %add3A_373 = arith.addi %iota3A, %add3A_372 : vector<16xi32>
      %broadcast_in_dim3A_374 = arith.constant 0 : i32
      %broadcast_in_dim3A_375 = vector.broadcast %broadcast_in_dim3A_374 : i32 to vector<16xi32>
      %add3A_376 = vector.broadcast %scan3A_340 : i32 to vector<16xi32>
      %add3A_377 = arith.addi %broadcast_in_dim3A_375, %add3A_376 : vector<16xi32>
      %gather3A_378 = tpu.vector_load_idx %arg5[%add3A_373, %add3A_377] : memref<128x50xi32, #tpu.memory_space<vmem>>[vector<16xi32>, vector<16xi32>], vector<16xi32>,
      %swap3A_379 = arith.index_cast %scan3A_340 : i32 to index
      %swap3A_380 = arith.constant 48 : index
      %swap3A_381 = tpu.vector_load %arg6[%swap3A_379, %swap3A_380] {strides = array<i32>} : memref<50x128xi32, #tpu.memory_space<vmem>>, vector<16xi32>,
      tpu.vector_store %arg6[%swap3A_379, %swap3A_380], %gather3A_378 {strides = array<i32>} : memref<50x128xi32, #tpu.memory_space<vmem>>, vector<16xi32>,
      %add3A_382 = arith.constant 64 : i32
      %add3A_383 = vector.broadcast %add3A_382 : i32 to vector<16xi32>
      %add3A_384 = arith.addi %iota3A, %add3A_383 : vector<16xi32>
      %broadcast_in_dim3A_385 = arith.constant 0 : i32
      %broadcast_in_dim3A_386 = vector.broadcast %broadcast_in_dim3A_385 : i32 to vector<16xi32>
      %add3A_387 = vector.broadcast %scan3A_340 : i32 to vector<16xi32>
      %add3A_388 = arith.addi %broadcast_in_dim3A_386, %add3A_387 : vector<16xi32>
      %gather3A_389 = tpu.vector_load_idx %arg5[%add3A_384, %add3A_388] : memref<128x50xi32, #tpu.memory_space<vmem>>[vector<16xi32>, vector<16xi32>], vector<16xi32>,
      %swap3A_390 = arith.index_cast %scan3A_340 : i32 to index
      %swap3A_391 = arith.constant 64 : index
      %swap3A_392 = tpu.vector_load %arg6[%swap3A_390, %swap3A_391] {strides = array<i32>} : memref<50x128xi32, #tpu.memory_space<vmem>>, vector<16xi32>,
      tpu.vector_store %arg6[%swap3A_390, %swap3A_391], %gather3A_389 {strides = array<i32>} : memref<50x128xi32, #tpu.memory_space<vmem>>, vector<16xi32>,
      %add3A_393 = arith.constant 80 : i32
      %add3A_394 = vector.broadcast %add3A_393 : i32 to vector<16xi32>
      %add3A_395 = arith.addi %iota3A, %add3A_394 : vector<16xi32>
      %broadcast_in_dim3A_396 = arith.constant 0 : i32
      %broadcast_in_dim3A_397 = vector.broadcast %broadcast_in_dim3A_396 : i32 to vector<16xi32>
      %add3A_398 = vector.broadcast %scan3A_340 : i32 to vector<16xi32>
      %add3A_399 = arith.addi %broadcast_in_dim3A_397, %add3A_398 : vector<16xi32>
      %gather3A_400 = tpu.vector_load_idx %arg5[%add3A_395, %add3A_399] : memref<128x50xi32, #tpu.memory_space<vmem>>[vector<16xi32>, vector<16xi32>], vector<16xi32>,
      %swap3A_401 = arith.index_cast %scan3A_340 : i32 to index
      %swap3A_402 = arith.constant 80 : index
      %swap3A_403 = tpu.vector_load %arg6[%swap3A_401, %swap3A_402] {strides = array<i32>} : memref<50x128xi32, #tpu.memory_space<vmem>>, vector<16xi32>,
      tpu.vector_store %arg6[%swap3A_401, %swap3A_402], %gather3A_400 {strides = array<i32>} : memref<50x128xi32, #tpu.memory_space<vmem>>, vector<16xi32>,
      %add3A_404 = arith.constant 96 : i32
      %add3A_405 = vector.broadcast %add3A_404 : i32 to vector<16xi32>
      %add3A_406 = arith.addi %iota3A, %add3A_405 : vector<16xi32>
      %broadcast_in_dim3A_407 = arith.constant 0 : i32
      %broadcast_in_dim3A_408 = vector.broadcast %broadcast_in_dim3A_407 : i32 to vector<16xi32>
      %add3A_409 = vector.broadcast %scan3A_340 : i32 to vector<16xi32>
      %add3A_410 = arith.addi %broadcast_in_dim3A_408, %add3A_409 : vector<16xi32>
      %gather3A_411 = tpu.vector_load_idx %arg5[%add3A_406, %add3A_410] : memref<128x50xi32, #tpu.memory_space<vmem>>[vector<16xi32>, vector<16xi32>], vector<16xi32>,
      %swap3A_412 = arith.index_cast %scan3A_340 : i32 to index
      %swap3A_413 = arith.constant 96 : index
      %swap3A_414 = tpu.vector_load %arg6[%swap3A_412, %swap3A_413] {strides = array<i32>} : memref<50x128xi32, #tpu.memory_space<vmem>>, vector<16xi32>,
      tpu.vector_store %arg6[%swap3A_412, %swap3A_413], %gather3A_411 {strides = array<i32>} : memref<50x128xi32, #tpu.memory_space<vmem>>, vector<16xi32>,
      %add3A_415 = arith.constant 112 : i32
      %add3A_416 = vector.broadcast %add3A_415 : i32 to vector<16xi32>
      %add3A_417 = arith.addi %iota3A, %add3A_416 : vector<16xi32>
      %broadcast_in_dim3A_418 = arith.constant 0 : i32
      %broadcast_in_dim3A_419 = vector.broadcast %broadcast_in_dim3A_418 : i32 to vector<16xi32>
      %add3A_420 = vector.broadcast %scan3A_340 : i32 to vector<16xi32>
      %add3A_421 = arith.addi %broadcast_in_dim3A_419, %add3A_420 : vector<16xi32>
      %gather3A_422 = tpu.vector_load_idx %arg5[%add3A_417, %add3A_421] : memref<128x50xi32, #tpu.memory_space<vmem>>[vector<16xi32>, vector<16xi32>], vector<16xi32>,
      %swap3A_423 = arith.index_cast %scan3A_340 : i32 to index
      %swap3A_424 = arith.constant 112 : index
      %swap3A_425 = tpu.vector_load %arg6[%swap3A_423, %swap3A_424] {strides = array<i32>} : memref<50x128xi32, #tpu.memory_space<vmem>>, vector<16xi32>,
      tpu.vector_store %arg6[%swap3A_423, %swap3A_424], %gather3A_422 {strides = array<i32>} : memref<50x128xi32, #tpu.memory_space<vmem>>, vector<16xi32>,
    }
    %scan3A_7 = arith.constant 50 : i32
    %dma_start3A = arith.constant 0 : i32
    %dma_start3A_8 = arith.constant 0 : i32
    %dma_start3A_9 = arith.constant 0 : i32
    %dma_start3A_10 = arith.constant 0 : i32
    %dma_start3A_11 = tpu.memref_slice %arg7[%dma_start3A_8, %dma_start3A_9, %dma_start3A_10] : memref<2x128x64xf32, #tpu.memory_space<vmem>> -> memref<1x128x64xf32, #tpu.memory_space<vmem>>
    %dma_start3A_12 = tpu.memref_squeeze %dma_start3A_11 : memref<1x128x64xf32, #tpu.memory_space<vmem>> -> memref<128x64xf32, #tpu.memory_space<vmem>>
    %dma_start3A_13 = arith.constant 0 : i32
    %dma_start3A_14 = tpu.memref_slice %arg6[%dma_start3A, %dma_start3A_13] : memref<50x128xi32, #tpu.memory_space<vmem>> -> memref<1x128xi32, #tpu.memory_space<vmem>>
    %dma_start3A_15 = tpu.memref_squeeze %dma_start3A_14 : memref<1x128xi32, #tpu.memory_space<vmem>> -> memref<128xi32, #tpu.memory_space<vmem>>
    %dma_start3A_16 = arith.constant 0 : i32
    %dma_start3A_17 = arith.constant 0 : i32
    %dma_start3A_18 = tpu.memref_slice %arg2[%dma_start3A_16, %dma_start3A_17] : memref<1000000x64xf32, #tpu.memory_space<hbm>> -> memref<1000000x64xf32, #tpu.memory_space<hbm>>
    tpu.enqueue_indirect_dma source(%dma_start3A_18 : memref<1000000x64xf32, #tpu.memory_space<hbm>>) target(%dma_start3A_12 : memref<128x64xf32, #tpu.memory_space<vmem>>) offsets(%dma_start3A_15 : memref<128xi32, #tpu.memory_space<vmem>>) semaphore(%arg10 : memref<!tpu.dma_semaphore, #tpu.memory_space<semaphore_mem>>)
    %dma_start3A_19 = arith.constant 1 : i32
    %dma_start3A_20 = arith.constant 1 : i32
    %dma_start3A_21 = arith.constant 0 : i32
    %dma_start3A_22 = arith.constant 0 : i32
    %dma_start3A_23 = tpu.memref_slice %arg7[%dma_start3A_20, %dma_start3A_21, %dma_start3A_22] : memref<2x128x64xf32, #tpu.memory_space<vmem>> -> memref<1x128x64xf32, #tpu.memory_space<vmem>>
    %dma_start3A_24 = tpu.memref_squeeze %dma_start3A_23 : memref<1x128x64xf32, #tpu.memory_space<vmem>> -> memref<128x64xf32, #tpu.memory_space<vmem>>
    %dma_start3A_25 = arith.constant 0 : i32
    %dma_start3A_26 = tpu.memref_slice %arg6[%dma_start3A_19, %dma_start3A_25] : memref<50x128xi32, #tpu.memory_space<vmem>> -> memref<1x128xi32, #tpu.memory_space<vmem>>
    %dma_start3A_27 = tpu.memref_squeeze %dma_start3A_26 : memref<1x128xi32, #tpu.memory_space<vmem>> -> memref<128xi32, #tpu.memory_space<vmem>>
    %dma_start3A_28 = arith.constant 0 : i32
    %dma_start3A_29 = arith.constant 0 : i32
    %dma_start3A_30 = tpu.memref_slice %arg2[%dma_start3A_28, %dma_start3A_29] : memref<1000000x64xf32, #tpu.memory_space<hbm>> -> memref<1000000x64xf32, #tpu.memory_space<hbm>>
    tpu.enqueue_indirect_dma source(%dma_start3A_30 : memref<1000000x64xf32, #tpu.memory_space<hbm>>) target(%dma_start3A_24 : memref<128x64xf32, #tpu.memory_space<vmem>>) offsets(%dma_start3A_27 : memref<128xi32, #tpu.memory_space<vmem>>) semaphore(%arg11 : memref<!tpu.dma_semaphore, #tpu.memory_space<semaphore_mem>>)
    %scan3A_31 = arith.constant 0 : i32
    %scan3A_32 = arith.constant 0 : i32
    %scan3A_33 = arith.constant 25 : i32
    %scan3A_34 = arith.addi %scan3A_32, %scan3A_33 : i32
    %scan3A_35 = arith.constant 1 : i32
    scf.for %scan3A_340 = %scan3A_32 to %scan3A_34 step %scan3A_35  : i32 {
      %mul3A_341 = arith.constant 2 : i32
      %mul3A_342 = arith.muli %scan3A_340, %mul3A_341 : i32
      %add3A_343 = arith.constant 0 : i32
      %add3A_344 = arith.addi %mul3A_342, %add3A_343 : i32
      %dma_wait3A_345 = arith.constant 0 : i32
      %dma_wait3A_346 = arith.constant 0 : i32
      %dma_wait3A_347 = arith.constant 0 : i32
      %dma_wait3A_348 = tpu.memref_slice %arg7[%dma_wait3A_345, %dma_wait3A_346, %dma_wait3A_347] : memref<2x128x64xf32, #tpu.memory_space<vmem>> -> memref<1x128x64xf32, #tpu.memory_space<vmem>>
      %dma_wait3A_349 = tpu.memref_squeeze %dma_wait3A_348 : memref<1x128x64xf32, #tpu.memory_space<vmem>> -> memref<128x64xf32, #tpu.memory_space<vmem>>
      %dma_wait3A_350 = arith.constant 0 : i32
      %dma_wait3A_351 = tpu.memref_slice %arg6[%add3A_344, %dma_wait3A_350] : memref<50x128xi32, #tpu.memory_space<vmem>> -> memref<1x128xi32, #tpu.memory_space<vmem>>
      %dma_wait3A_352 = tpu.memref_squeeze %dma_wait3A_351 : memref<1x128xi32, #tpu.memory_space<vmem>> -> memref<128xi32, #tpu.memory_space<vmem>>
      %dma_wait3A_353 = arith.constant 0 : i32
      %dma_wait3A_354 = arith.constant 0 : i32
      %dma_wait3A_355 = tpu.memref_slice %arg2[%dma_wait3A_353, %dma_wait3A_354] : memref<1000000x64xf32, #tpu.memory_space<hbm>> -> memref<1000000x64xf32, #tpu.memory_space<hbm>>
      tpu.wait_indirect_dma semaphore(%arg10 : memref<!tpu.dma_semaphore, #tpu.memory_space<semaphore_mem>>) src(%dma_wait3A_355 : memref<1000000x64xf32, #tpu.memory_space<hbm>>) dst(%dma_wait3A_349 : memref<128x64xf32, #tpu.memory_space<vmem>>)
      %ge3A = arith.constant 2 : i32
      %ge3A_356 = arith.cmpi sge, %add3A_344, %ge3A : i32
      %convert_element_type3A = arith.extui %ge3A_356 : i1 to i32
      %cond3A = arith.constant 0 : i32
      %cond3A_357 = arith.cmpi ne, %convert_element_type3A, %cond3A : i32
      scf.if %cond3A_357 {
        %sub3A = arith.constant 2 : i32
        %sub3A_690 = arith.subi %add3A_344, %sub3A : i32
        %dma_wait3A_691 = arith.constant 0 : i32
        %dma_wait3A_692 = arith.constant 0 : i32
        %dma_wait3A_693 = arith.constant 0 : i32
        %dma_wait3A_694 = arith.constant 0 : i32
        %dma_wait3A_695 = tpu.memref_slice %arg9[%dma_wait3A_691, %dma_wait3A_693, %dma_wait3A_694] : memref<2x64x128xf32, #tpu.memory_space<vmem>> -> memref<1x8x128xf32, #tpu.memory_space<vmem>>
        %dma_wait3A_696 = tpu.memref_squeeze %dma_wait3A_695 : memref<1x8x128xf32, #tpu.memory_space<vmem>> -> memref<8x128xf32, #tpu.memory_space<vmem>>
        %dma_wait3A_697 = arith.constant 0 : i32
        %dma_wait3A_698 = arith.constant 0 : i32
        %dma_wait3A_699 = tpu.memref_slice %arg4[%sub3A_690, %dma_wait3A_692, %add3A, %dma_wait3A_697, %dma_wait3A_698] : memref<50x8x32x8x128xf32, #tpu.memory_space<hbm>> -> memref<1x1x1x8x128xf32, #tpu.memory_space<hbm>>
        %dma_wait3A_700 = tpu.memref_squeeze %dma_wait3A_699 : memref<1x1x1x8x128xf32, #tpu.memory_space<hbm>> -> memref<8x128xf32, #tpu.memory_space<hbm>>
        %dma_wait3A_701 = arith.constant 0 : i32
        %dma_wait3A_702 = arith.constant 0 : i32
        %dma_wait3A_703 = tpu.memref_slice %arg4[%sub3A_690, %dma_wait3A_692, %add3A, %dma_wait3A_701, %dma_wait3A_702] : memref<50x8x32x8x128xf32, #tpu.memory_space<hbm>> -> memref<1x1x1x8x128xf32, #tpu.memory_space<hbm>>
        %dma_wait3A_704 = tpu.memref_squeeze %dma_wait3A_703 : memref<1x1x1x8x128xf32, #tpu.memory_space<hbm>> -> memref<8x128xf32, #tpu.memory_space<hbm>>
        %dma_wait3A_705 = arith.constant 0 : i32
        %dma_wait3A_706 = arith.constant 0 : i32
        %dma_wait3A_707 = tpu.memref_slice %arg9[%dma_wait3A_691, %dma_wait3A_705, %dma_wait3A_706] : memref<2x64x128xf32, #tpu.memory_space<vmem>> -> memref<1x8x128xf32, #tpu.memory_space<vmem>>
        %dma_wait3A_708 = tpu.memref_squeeze %dma_wait3A_707 : memref<1x8x128xf32, #tpu.memory_space<vmem>> -> memref<8x128xf32, #tpu.memory_space<vmem>>
        tpu.wait_dma2 semaphore(%arg12 : memref<!tpu.dma_semaphore, #tpu.memory_space<semaphore_mem>>) src(%dma_wait3A_708 : memref<8x128xf32, #tpu.memory_space<vmem>>) dst(%dma_wait3A_704 : memref<8x128xf32, #tpu.memory_space<hbm>>)
        %dma_wait3A_709 = arith.constant 0 : i32
        %dma_wait3A_710 = arith.constant 1 : i32
        %dma_wait3A_711 = arith.constant 8 : i32
        %dma_wait3A_712 = arith.constant 0 : i32
        %dma_wait3A_713 = tpu.memref_slice %arg9[%dma_wait3A_709, %dma_wait3A_711, %dma_wait3A_712] : memref<2x64x128xf32, #tpu.memory_space<vmem>> -> memref<1x8x128xf32, #tpu.memory_space<vmem>>
        %dma_wait3A_714 = tpu.memref_squeeze %dma_wait3A_713 : memref<1x8x128xf32, #tpu.memory_space<vmem>> -> memref<8x128xf32, #tpu.memory_space<vmem>>
        %dma_wait3A_715 = arith.constant 0 : i32
        %dma_wait3A_716 = arith.constant 0 : i32
        %dma_wait3A_717 = tpu.memref_slice %arg4[%sub3A_690, %dma_wait3A_710, %add3A, %dma_wait3A_715, %dma_wait3A_716] : memref<50x8x32x8x128xf32, #tpu.memory_space<hbm>> -> memref<1x1x1x8x128xf32, #tpu.memory_space<hbm>>
        %dma_wait3A_718 = tpu.memref_squeeze %dma_wait3A_717 : memref<1x1x1x8x128xf32, #tpu.memory_space<hbm>> -> memref<8x128xf32, #tpu.memory_space<hbm>>
        %dma_wait3A_719 = arith.constant 0 : i32
        %dma_wait3A_720 = arith.constant 0 : i32
        %dma_wait3A_721 = tpu.memref_slice %arg4[%sub3A_690, %dma_wait3A_710, %add3A, %dma_wait3A_719, %dma_wait3A_720] : memref<50x8x32x8x128xf32, #tpu.memory_space<hbm>> -> memref<1x1x1x8x128xf32, #tpu.memory_space<hbm>>
        %dma_wait3A_722 = tpu.memref_squeeze %dma_wait3A_721 : memref<1x1x1x8x128xf32, #tpu.memory_space<hbm>> -> memref<8x128xf32, #tpu.memory_space<hbm>>
        %dma_wait3A_723 = arith.constant 8 : i32
        %dma_wait3A_724 = arith.constant 0 : i32
        %dma_wait3A_725 = tpu.memref_slice %arg9[%dma_wait3A_709, %dma_wait3A_723, %dma_wait3A_724] : memref<2x64x128xf32, #tpu.memory_space<vmem>> -> memref<1x8x128xf32, #tpu.memory_space<vmem>>
        %dma_wait3A_726 = tpu.memref_squeeze %dma_wait3A_725 : memref<1x8x128xf32, #tpu.memory_space<vmem>> -> memref<8x128xf32, #tpu.memory_space<vmem>>
        tpu.wait_dma2 semaphore(%arg12 : memref<!tpu.dma_semaphore, #tpu.memory_space<semaphore_mem>>) src(%dma_wait3A_726 : memref<8x128xf32, #tpu.memory_space<vmem>>) dst(%dma_wait3A_722 : memref<8x128xf32, #tpu.memory_space<hbm>>)
        %dma_wait3A_727 = arith.constant 0 : i32
        %dma_wait3A_728 = arith.constant 2 : i32
        %dma_wait3A_729 = arith.constant 16 : i32
        %dma_wait3A_730 = arith.constant 0 : i32
        %dma_wait3A_731 = tpu.memref_slice %arg9[%dma_wait3A_727, %dma_wait3A_729, %dma_wait3A_730] : memref<2x64x128xf32, #tpu.memory_space<vmem>> -> memref<1x8x128xf32, #tpu.memory_space<vmem>>
        %dma_wait3A_732 = tpu.memref_squeeze %dma_wait3A_731 : memref<1x8x128xf32, #tpu.memory_space<vmem>> -> memref<8x128xf32, #tpu.memory_space<vmem>>
        %dma_wait3A_733 = arith.constant 0 : i32
        %dma_wait3A_734 = arith.constant 0 : i32
        %dma_wait3A_735 = tpu.memref_slice %arg4[%sub3A_690, %dma_wait3A_728, %add3A, %dma_wait3A_733, %dma_wait3A_734] : memref<50x8x32x8x128xf32, #tpu.memory_space<hbm>> -> memref<1x1x1x8x128xf32, #tpu.memory_space<hbm>>
        %dma_wait3A_736 = tpu.memref_squeeze %dma_wait3A_735 : memref<1x1x1x8x128xf32, #tpu.memory_space<hbm>> -> memref<8x128xf32, #tpu.memory_space<hbm>>
        %dma_wait3A_737 = arith.constant 0 : i32
        %dma_wait3A_738 = arith.constant 0 : i32
        %dma_wait3A_739 = tpu.memref_slice %arg4[%sub3A_690, %dma_wait3A_728, %add3A, %dma_wait3A_737, %dma_wait3A_738] : memref<50x8x32x8x128xf32, #tpu.memory_space<hbm>> -> memref<1x1x1x8x128xf32, #tpu.memory_space<hbm>>
        %dma_wait3A_740 = tpu.memref_squeeze %dma_wait3A_739 : memref<1x1x1x8x128xf32, #tpu.memory_space<hbm>> -> memref<8x128xf32, #tpu.memory_space<hbm>>
        %dma_wait3A_741 = arith.constant 16 : i32
        %dma_wait3A_742 = arith.constant 0 : i32
        %dma_wait3A_743 = tpu.memref_slice %arg9[%dma_wait3A_727, %dma_wait3A_741, %dma_wait3A_742] : memref<2x64x128xf32, #tpu.memory_space<vmem>> -> memref<1x8x128xf32, #tpu.memory_space<vmem>>
        %dma_wait3A_744 = tpu.memref_squeeze %dma_wait3A_743 : memref<1x8x128xf32, #tpu.memory_space<vmem>> -> memref<8x128xf32, #tpu.memory_space<vmem>>
        tpu.wait_dma2 semaphore(%arg12 : memref<!tpu.dma_semaphore, #tpu.memory_space<semaphore_mem>>) src(%dma_wait3A_744 : memref<8x128xf32, #tpu.memory_space<vmem>>) dst(%dma_wait3A_740 : memref<8x128xf32, #tpu.memory_space<hbm>>)
        %dma_wait3A_745 = arith.constant 0 : i32
        %dma_wait3A_746 = arith.constant 3 : i32
        %dma_wait3A_747 = arith.constant 24 : i32
        %dma_wait3A_748 = arith.constant 0 : i32
        %dma_wait3A_749 = tpu.memref_slice %arg9[%dma_wait3A_745, %dma_wait3A_747, %dma_wait3A_748] : memref<2x64x128xf32, #tpu.memory_space<vmem>> -> memref<1x8x128xf32, #tpu.memory_space<vmem>>
        %dma_wait3A_750 = tpu.memref_squeeze %dma_wait3A_749 : memref<1x8x128xf32, #tpu.memory_space<vmem>> -> memref<8x128xf32, #tpu.memory_space<vmem>>
        %dma_wait3A_751 = arith.constant 0 : i32
        %dma_wait3A_752 = arith.constant 0 : i32
        %dma_wait3A_753 = tpu.memref_slice %arg4[%sub3A_690, %dma_wait3A_746, %add3A, %dma_wait3A_751, %dma_wait3A_752] : memref<50x8x32x8x128xf32, #tpu.memory_space<hbm>> -> memref<1x1x1x8x128xf32, #tpu.memory_space<hbm>>
        %dma_wait3A_754 = tpu.memref_squeeze %dma_wait3A_753 : memref<1x1x1x8x128xf32, #tpu.memory_space<hbm>> -> memref<8x128xf32, #tpu.memory_space<hbm>>
        %dma_wait3A_755 = arith.constant 0 : i32
        %dma_wait3A_756 = arith.constant 0 : i32
        %dma_wait3A_757 = tpu.memref_slice %arg4[%sub3A_690, %dma_wait3A_746, %add3A, %dma_wait3A_755, %dma_wait3A_756] : memref<50x8x32x8x128xf32, #tpu.memory_space<hbm>> -> memref<1x1x1x8x128xf32, #tpu.memory_space<hbm>>
        %dma_wait3A_758 = tpu.memref_squeeze %dma_wait3A_757 : memref<1x1x1x8x128xf32, #tpu.memory_space<hbm>> -> memref<8x128xf32, #tpu.memory_space<hbm>>
        %dma_wait3A_759 = arith.constant 24 : i32
        %dma_wait3A_760 = arith.constant 0 : i32
        %dma_wait3A_761 = tpu.memref_slice %arg9[%dma_wait3A_745, %dma_wait3A_759, %dma_wait3A_760] : memref<2x64x128xf32, #tpu.memory_space<vmem>> -> memref<1x8x128xf32, #tpu.memory_space<vmem>>
        %dma_wait3A_762 = tpu.memref_squeeze %dma_wait3A_761 : memref<1x8x128xf32, #tpu.memory_space<vmem>> -> memref<8x128xf32, #tpu.memory_space<vmem>>
        tpu.wait_dma2 semaphore(%arg12 : memref<!tpu.dma_semaphore, #tpu.memory_space<semaphore_mem>>) src(%dma_wait3A_762 : memref<8x128xf32, #tpu.memory_space<vmem>>) dst(%dma_wait3A_758 : memref<8x128xf32, #tpu.memory_space<hbm>>)
        %dma_wait3A_763 = arith.constant 0 : i32
        %dma_wait3A_764 = arith.constant 4 : i32
        %dma_wait3A_765 = arith.constant 32 : i32
        %dma_wait3A_766 = arith.constant 0 : i32
        %dma_wait3A_767 = tpu.memref_slice %arg9[%dma_wait3A_763, %dma_wait3A_765, %dma_wait3A_766] : memref<2x64x128xf32, #tpu.memory_space<vmem>> -> memref<1x8x128xf32, #tpu.memory_space<vmem>>
        %dma_wait3A_768 = tpu.memref_squeeze %dma_wait3A_767 : memref<1x8x128xf32, #tpu.memory_space<vmem>> -> memref<8x128xf32, #tpu.memory_space<vmem>>
        %dma_wait3A_769 = arith.constant 0 : i32
        %dma_wait3A_770 = arith.constant 0 : i32
        %dma_wait3A_771 = tpu.memref_slice %arg4[%sub3A_690, %dma_wait3A_764, %add3A, %dma_wait3A_769, %dma_wait3A_770] : memref<50x8x32x8x128xf32, #tpu.memory_space<hbm>> -> memref<1x1x1x8x128xf32, #tpu.memory_space<hbm>>
        %dma_wait3A_772 = tpu.memref_squeeze %dma_wait3A_771 : memref<1x1x1x8x128xf32, #tpu.memory_space<hbm>> -> memref<8x128xf32, #tpu.memory_space<hbm>>
        %dma_wait3A_773 = arith.constant 0 : i32
        %dma_wait3A_774 = arith.constant 0 : i32
        %dma_wait3A_775 = tpu.memref_slice %arg4[%sub3A_690, %dma_wait3A_764, %add3A, %dma_wait3A_773, %dma_wait3A_774] : memref<50x8x32x8x128xf32, #tpu.memory_space<hbm>> -> memref<1x1x1x8x128xf32, #tpu.memory_space<hbm>>
        %dma_wait3A_776 = tpu.memref_squeeze %dma_wait3A_775 : memref<1x1x1x8x128xf32, #tpu.memory_space<hbm>> -> memref<8x128xf32, #tpu.memory_space<hbm>>
        %dma_wait3A_777 = arith.constant 32 : i32
        %dma_wait3A_778 = arith.constant 0 : i32
        %dma_wait3A_779 = tpu.memref_slice %arg9[%dma_wait3A_763, %dma_wait3A_777, %dma_wait3A_778] : memref<2x64x128xf32, #tpu.memory_space<vmem>> -> memref<1x8x128xf32, #tpu.memory_space<vmem>>
        %dma_wait3A_780 = tpu.memref_squeeze %dma_wait3A_779 : memref<1x8x128xf32, #tpu.memory_space<vmem>> -> memref<8x128xf32, #tpu.memory_space<vmem>>
        tpu.wait_dma2 semaphore(%arg12 : memref<!tpu.dma_semaphore, #tpu.memory_space<semaphore_mem>>) src(%dma_wait3A_780 : memref<8x128xf32, #tpu.memory_space<vmem>>) dst(%dma_wait3A_776 : memref<8x128xf32, #tpu.memory_space<hbm>>)
        %dma_wait3A_781 = arith.constant 0 : i32
        %dma_wait3A_782 = arith.constant 5 : i32
        %dma_wait3A_783 = arith.constant 40 : i32
        %dma_wait3A_784 = arith.constant 0 : i32
        %dma_wait3A_785 = tpu.memref_slice %arg9[%dma_wait3A_781, %dma_wait3A_783, %dma_wait3A_784] : memref<2x64x128xf32, #tpu.memory_space<vmem>> -> memref<1x8x128xf32, #tpu.memory_space<vmem>>
        %dma_wait3A_786 = tpu.memref_squeeze %dma_wait3A_785 : memref<1x8x128xf32, #tpu.memory_space<vmem>> -> memref<8x128xf32, #tpu.memory_space<vmem>>
        %dma_wait3A_787 = arith.constant 0 : i32
        %dma_wait3A_788 = arith.constant 0 : i32
        %dma_wait3A_789 = tpu.memref_slice %arg4[%sub3A_690, %dma_wait3A_782, %add3A, %dma_wait3A_787, %dma_wait3A_788] : memref<50x8x32x8x128xf32, #tpu.memory_space<hbm>> -> memref<1x1x1x8x128xf32, #tpu.memory_space<hbm>>
        %dma_wait3A_790 = tpu.memref_squeeze %dma_wait3A_789 : memref<1x1x1x8x128xf32, #tpu.memory_space<hbm>> -> memref<8x128xf32, #tpu.memory_space<hbm>>
        %dma_wait3A_791 = arith.constant 0 : i32
        %dma_wait3A_792 = arith.constant 0 : i32
        %dma_wait3A_793 = tpu.memref_slice %arg4[%sub3A_690, %dma_wait3A_782, %add3A, %dma_wait3A_791, %dma_wait3A_792] : memref<50x8x32x8x128xf32, #tpu.memory_space<hbm>> -> memref<1x1x1x8x128xf32, #tpu.memory_space<hbm>>
        %dma_wait3A_794 = tpu.memref_squeeze %dma_wait3A_793 : memref<1x1x1x8x128xf32, #tpu.memory_space<hbm>> -> memref<8x128xf32, #tpu.memory_space<hbm>>
        %dma_wait3A_795 = arith.constant 40 : i32
        %dma_wait3A_796 = arith.constant 0 : i32
        %dma_wait3A_797 = tpu.memref_slice %arg9[%dma_wait3A_781, %dma_wait3A_795, %dma_wait3A_796] : memref<2x64x128xf32, #tpu.memory_space<vmem>> -> memref<1x8x128xf32, #tpu.memory_space<vmem>>
        %dma_wait3A_798 = tpu.memref_squeeze %dma_wait3A_797 : memref<1x8x128xf32, #tpu.memory_space<vmem>> -> memref<8x128xf32, #tpu.memory_space<vmem>>
        tpu.wait_dma2 semaphore(%arg12 : memref<!tpu.dma_semaphore, #tpu.memory_space<semaphore_mem>>) src(%dma_wait3A_798 : memref<8x128xf32, #tpu.memory_space<vmem>>) dst(%dma_wait3A_794 : memref<8x128xf32, #tpu.memory_space<hbm>>)
        %dma_wait3A_799 = arith.constant 0 : i32
        %dma_wait3A_800 = arith.constant 6 : i32
        %dma_wait3A_801 = arith.constant 48 : i32
        %dma_wait3A_802 = arith.constant 0 : i32
        %dma_wait3A_803 = tpu.memref_slice %arg9[%dma_wait3A_799, %dma_wait3A_801, %dma_wait3A_802] : memref<2x64x128xf32, #tpu.memory_space<vmem>> -> memref<1x8x128xf32, #tpu.memory_space<vmem>>
        %dma_wait3A_804 = tpu.memref_squeeze %dma_wait3A_803 : memref<1x8x128xf32, #tpu.memory_space<vmem>> -> memref<8x128xf32, #tpu.memory_space<vmem>>
        %dma_wait3A_805 = arith.constant 0 : i32
        %dma_wait3A_806 = arith.constant 0 : i32
        %dma_wait3A_807 = tpu.memref_slice %arg4[%sub3A_690, %dma_wait3A_800, %add3A, %dma_wait3A_805, %dma_wait3A_806] : memref<50x8x32x8x128xf32, #tpu.memory_space<hbm>> -> memref<1x1x1x8x128xf32, #tpu.memory_space<hbm>>
        %dma_wait3A_808 = tpu.memref_squeeze %dma_wait3A_807 : memref<1x1x1x8x128xf32, #tpu.memory_space<hbm>> -> memref<8x128xf32, #tpu.memory_space<hbm>>
        %dma_wait3A_809 = arith.constant 0 : i32
        %dma_wait3A_810 = arith.constant 0 : i32
        %dma_wait3A_811 = tpu.memref_slice %arg4[%sub3A_690, %dma_wait3A_800, %add3A, %dma_wait3A_809, %dma_wait3A_810] : memref<50x8x32x8x128xf32, #tpu.memory_space<hbm>> -> memref<1x1x1x8x128xf32, #tpu.memory_space<hbm>>
        %dma_wait3A_812 = tpu.memref_squeeze %dma_wait3A_811 : memref<1x1x1x8x128xf32, #tpu.memory_space<hbm>> -> memref<8x128xf32, #tpu.memory_space<hbm>>
        %dma_wait3A_813 = arith.constant 48 : i32
        %dma_wait3A_814 = arith.constant 0 : i32
        %dma_wait3A_815 = tpu.memref_slice %arg9[%dma_wait3A_799, %dma_wait3A_813, %dma_wait3A_814] : memref<2x64x128xf32, #tpu.memory_space<vmem>> -> memref<1x8x128xf32, #tpu.memory_space<vmem>>
        %dma_wait3A_816 = tpu.memref_squeeze %dma_wait3A_815 : memref<1x8x128xf32, #tpu.memory_space<vmem>> -> memref<8x128xf32, #tpu.memory_space<vmem>>
        tpu.wait_dma2 semaphore(%arg12 : memref<!tpu.dma_semaphore, #tpu.memory_space<semaphore_mem>>) src(%dma_wait3A_816 : memref<8x128xf32, #tpu.memory_space<vmem>>) dst(%dma_wait3A_812 : memref<8x128xf32, #tpu.memory_space<hbm>>)
        %dma_wait3A_817 = arith.constant 0 : i32
        %dma_wait3A_818 = arith.constant 7 : i32
        %dma_wait3A_819 = arith.constant 56 : i32
        %dma_wait3A_820 = arith.constant 0 : i32
        %dma_wait3A_821 = tpu.memref_slice %arg9[%dma_wait3A_817, %dma_wait3A_819, %dma_wait3A_820] : memref<2x64x128xf32, #tpu.memory_space<vmem>> -> memref<1x8x128xf32, #tpu.memory_space<vmem>>
        %dma_wait3A_822 = tpu.memref_squeeze %dma_wait3A_821 : memref<1x8x128xf32, #tpu.memory_space<vmem>> -> memref<8x128xf32, #tpu.memory_space<vmem>>
        %dma_wait3A_823 = arith.constant 0 : i32
        %dma_wait3A_824 = arith.constant 0 : i32
        %dma_wait3A_825 = tpu.memref_slice %arg4[%sub3A_690, %dma_wait3A_818, %add3A, %dma_wait3A_823, %dma_wait3A_824] : memref<50x8x32x8x128xf32, #tpu.memory_space<hbm>> -> memref<1x1x1x8x128xf32, #tpu.memory_space<hbm>>
        %dma_wait3A_826 = tpu.memref_squeeze %dma_wait3A_825 : memref<1x1x1x8x128xf32, #tpu.memory_space<hbm>> -> memref<8x128xf32, #tpu.memory_space<hbm>>
        %dma_wait3A_827 = arith.constant 0 : i32
        %dma_wait3A_828 = arith.constant 0 : i32
        %dma_wait3A_829 = tpu.memref_slice %arg4[%sub3A_690, %dma_wait3A_818, %add3A, %dma_wait3A_827, %dma_wait3A_828] : memref<50x8x32x8x128xf32, #tpu.memory_space<hbm>> -> memref<1x1x1x8x128xf32, #tpu.memory_space<hbm>>
        %dma_wait3A_830 = tpu.memref_squeeze %dma_wait3A_829 : memref<1x1x1x8x128xf32, #tpu.memory_space<hbm>> -> memref<8x128xf32, #tpu.memory_space<hbm>>
        %dma_wait3A_831 = arith.constant 56 : i32
        %dma_wait3A_832 = arith.constant 0 : i32
        %dma_wait3A_833 = tpu.memref_slice %arg9[%dma_wait3A_817, %dma_wait3A_831, %dma_wait3A_832] : memref<2x64x128xf32, #tpu.memory_space<vmem>> -> memref<1x8x128xf32, #tpu.memory_space<vmem>>
        %dma_wait3A_834 = tpu.memref_squeeze %dma_wait3A_833 : memref<1x8x128xf32, #tpu.memory_space<vmem>> -> memref<8x128xf32, #tpu.memory_space<vmem>>
        tpu.wait_dma2 semaphore(%arg12 : memref<!tpu.dma_semaphore, #tpu.memory_space<semaphore_mem>>) src(%dma_wait3A_834 : memref<8x128xf32, #tpu.memory_space<vmem>>) dst(%dma_wait3A_830 : memref<8x128xf32, #tpu.memory_space<hbm>>)
      } else {
      }
      %parallel_loop3A = arith.constant 0 : i32
      %parallel_loop3A_358 = arith.constant 128 : i32
      %parallel_loop3A_359 = arith.constant 1 : i32
      scf.for %parallel_loop3A_690 = %parallel_loop3A to %parallel_loop3A_358 step %parallel_loop3A_359  : i32 {
        %parallel_loop3A_691 = arith.constant 0 : i32
        %parallel_loop3A_692 = arith.index_cast %parallel_loop3A_691 : i32 to index
        %parallel_loop3A_693 = arith.index_cast %parallel_loop3A_690 : i32 to index
        %parallel_loop3A_694 = arith.constant 0 : index
        %parallel_loop3A_695 = tpu.vector_load %arg7[%parallel_loop3A_692, %parallel_loop3A_693, %parallel_loop3A_694] {strides = array<i32>} : memref<2x128x64xf32, #tpu.memory_space<vmem>>, vector<16xf32>,
        %parallel_loop3A_696 = arith.constant 0 : i32
        %parallel_loop3A_697 = arith.index_cast %parallel_loop3A_696 : i32 to index
        %parallel_loop3A_698 = arith.index_cast %parallel_loop3A_690 : i32 to index
        %parallel_loop3A_699 = arith.constant 0 : index
        %parallel_loop3A_700 = tpu.vector_load %arg8[%parallel_loop3A_697, %parallel_loop3A_698, %parallel_loop3A_699] {strides = array<i32>} : memref<2x128x65xf32, #tpu.memory_space<vmem>>, vector<16xf32>,
        tpu.vector_store %arg8[%parallel_loop3A_697, %parallel_loop3A_698, %parallel_loop3A_699], %parallel_loop3A_695 {strides = array<i32>} : memref<2x128x65xf32, #tpu.memory_space<vmem>>, vector<16xf32>,
        %parallel_loop3A_701 = arith.constant 0 : i32
        %parallel_loop3A_702 = arith.index_cast %parallel_loop3A_701 : i32 to index
        %parallel_loop3A_703 = arith.index_cast %parallel_loop3A_690 : i32 to index
        %parallel_loop3A_704 = arith.constant 16 : index
        %parallel_loop3A_705 = tpu.vector_load %arg7[%parallel_loop3A_702, %parallel_loop3A_703, %parallel_loop3A_704] {strides = array<i32>} : memref<2x128x64xf32, #tpu.memory_space<vmem>>, vector<16xf32>,
        %parallel_loop3A_706 = arith.constant 0 : i32
        %parallel_loop3A_707 = arith.index_cast %parallel_loop3A_706 : i32 to index
        %parallel_loop3A_708 = arith.index_cast %parallel_loop3A_690 : i32 to index
        %parallel_loop3A_709 = arith.constant 16 : index
        %parallel_loop3A_710 = tpu.vector_load %arg8[%parallel_loop3A_707, %parallel_loop3A_708, %parallel_loop3A_709] {strides = array<i32>} : memref<2x128x65xf32, #tpu.memory_space<vmem>>, vector<16xf32>,
        tpu.vector_store %arg8[%parallel_loop3A_707, %parallel_loop3A_708, %parallel_loop3A_709], %parallel_loop3A_705 {strides = array<i32>} : memref<2x128x65xf32, #tpu.memory_space<vmem>>, vector<16xf32>,
        %parallel_loop3A_711 = arith.constant 0 : i32
        %parallel_loop3A_712 = arith.index_cast %parallel_loop3A_711 : i32 to index
        %parallel_loop3A_713 = arith.index_cast %parallel_loop3A_690 : i32 to index
        %parallel_loop3A_714 = arith.constant 32 : index
        %parallel_loop3A_715 = tpu.vector_load %arg7[%parallel_loop3A_712, %parallel_loop3A_713, %parallel_loop3A_714] {strides = array<i32>} : memref<2x128x64xf32, #tpu.memory_space<vmem>>, vector<16xf32>,
        %parallel_loop3A_716 = arith.constant 0 : i32
        %parallel_loop3A_717 = arith.index_cast %parallel_loop3A_716 : i32 to index
        %parallel_loop3A_718 = arith.index_cast %parallel_loop3A_690 : i32 to index
        %parallel_loop3A_719 = arith.constant 32 : index
        %parallel_loop3A_720 = tpu.vector_load %arg8[%parallel_loop3A_717, %parallel_loop3A_718, %parallel_loop3A_719] {strides = array<i32>} : memref<2x128x65xf32, #tpu.memory_space<vmem>>, vector<16xf32>,
        tpu.vector_store %arg8[%parallel_loop3A_717, %parallel_loop3A_718, %parallel_loop3A_719], %parallel_loop3A_715 {strides = array<i32>} : memref<2x128x65xf32, #tpu.memory_space<vmem>>, vector<16xf32>,
        %parallel_loop3A_721 = arith.constant 0 : i32
        %parallel_loop3A_722 = arith.index_cast %parallel_loop3A_721 : i32 to index
        %parallel_loop3A_723 = arith.index_cast %parallel_loop3A_690 : i32 to index
        %parallel_loop3A_724 = arith.constant 48 : index
        %parallel_loop3A_725 = tpu.vector_load %arg7[%parallel_loop3A_722, %parallel_loop3A_723, %parallel_loop3A_724] {strides = array<i32>} : memref<2x128x64xf32, #tpu.memory_space<vmem>>, vector<16xf32>,
        %parallel_loop3A_726 = arith.constant 0 : i32
        %parallel_loop3A_727 = arith.index_cast %parallel_loop3A_726 : i32 to index
        %parallel_loop3A_728 = arith.index_cast %parallel_loop3A_690 : i32 to index
        %parallel_loop3A_729 = arith.constant 48 : index
        %parallel_loop3A_730 = tpu.vector_load %arg8[%parallel_loop3A_727, %parallel_loop3A_728, %parallel_loop3A_729] {strides = array<i32>} : memref<2x128x65xf32, #tpu.memory_space<vmem>>, vector<16xf32>,
        tpu.vector_store %arg8[%parallel_loop3A_727, %parallel_loop3A_728, %parallel_loop3A_729], %parallel_loop3A_725 {strides = array<i32>} : memref<2x128x65xf32, #tpu.memory_space<vmem>>, vector<16xf32>,
      } {sc.loop_unroll_factor = 8 : i64, sc.parallel_access}
      %parallel_loop3A_360 = arith.constant 0 : i32
      %parallel_loop3A_361 = arith.constant 64 : i32
      %parallel_loop3A_362 = arith.constant 1 : i32
      scf.for %parallel_loop3A_690 = %parallel_loop3A_360 to %parallel_loop3A_361 step %parallel_loop3A_362  : i32 {
        %parallel_loop3A_691 = arith.constant 0 : i32
        %parallel_loop3A_692 = vector.broadcast %parallel_loop3A_691 : i32 to vector<16xi32>
        %parallel_loop3A_693 = arith.addi %iota3A, %parallel_loop3A_692 : vector<16xi32>
        %parallel_loop3A_694 = arith.constant 0 : i32
        %parallel_loop3A_695 = vector.broadcast %parallel_loop3A_694 : i32 to vector<16xi32>
        %parallel_loop3A_696 = vector.broadcast %parallel_loop3A_690 : i32 to vector<16xi32>
        %parallel_loop3A_697 = arith.addi %parallel_loop3A_695, %parallel_loop3A_696 : vector<16xi32>
        %parallel_loop3A_698 = arith.constant 0 : i32
        %parallel_loop3A_699 = arith.constant 0 : i32
        %parallel_loop3A_700 = arith.constant 0 : i32
        %parallel_loop3A_701 = tpu.memref_slice %arg8[%parallel_loop3A_698, %parallel_loop3A_699, %parallel_loop3A_700] : memref<2x128x65xf32, #tpu.memory_space<vmem>> -> memref<1x128x65xf32, #tpu.memory_space<vmem>>
        %parallel_loop3A_702 = tpu.memref_squeeze %parallel_loop3A_701 : memref<1x128x65xf32, #tpu.memory_space<vmem>> -> memref<128x65xf32, #tpu.memory_space<vmem>>
        %parallel_loop3A_703 = tpu.vector_load_idx %parallel_loop3A_702[%parallel_loop3A_693, %parallel_loop3A_697] : memref<128x65xf32, #tpu.memory_space<vmem>>[vector<16xi32>, vector<16xi32>], vector<16xf32>,
        %parallel_loop3A_704 = arith.constant 0 : i32
        %parallel_loop3A_705 = arith.index_cast %parallel_loop3A_704 : i32 to index
        %parallel_loop3A_706 = arith.index_cast %parallel_loop3A_690 : i32 to index
        %parallel_loop3A_707 = arith.constant 0 : index
        %parallel_loop3A_708 = tpu.vector_load %arg9[%parallel_loop3A_705, %parallel_loop3A_706, %parallel_loop3A_707] {strides = array<i32>} : memref<2x64x128xf32, #tpu.memory_space<vmem>>, vector<16xf32>,
        tpu.vector_store %arg9[%parallel_loop3A_705, %parallel_loop3A_706, %parallel_loop3A_707], %parallel_loop3A_703 {strides = array<i32>} : memref<2x64x128xf32, #tpu.memory_space<vmem>>, vector<16xf32>,
        %parallel_loop3A_709 = arith.constant 16 : i32
        %parallel_loop3A_710 = vector.broadcast %parallel_loop3A_709 : i32 to vector<16xi32>
        %parallel_loop3A_711 = arith.addi %iota3A, %parallel_loop3A_710 : vector<16xi32>
        %parallel_loop3A_712 = arith.constant 0 : i32
        %parallel_loop3A_713 = vector.broadcast %parallel_loop3A_712 : i32 to vector<16xi32>
        %parallel_loop3A_714 = vector.broadcast %parallel_loop3A_690 : i32 to vector<16xi32>
        %parallel_loop3A_715 = arith.addi %parallel_loop3A_713, %parallel_loop3A_714 : vector<16xi32>
        %parallel_loop3A_716 = arith.constant 0 : i32
        %parallel_loop3A_717 = arith.constant 0 : i32
        %parallel_loop3A_718 = arith.constant 0 : i32
        %parallel_loop3A_719 = tpu.memref_slice %arg8[%parallel_loop3A_716, %parallel_loop3A_717, %parallel_loop3A_718] : memref<2x128x65xf32, #tpu.memory_space<vmem>> -> memref<1x128x65xf32, #tpu.memory_space<vmem>>
        %parallel_loop3A_720 = tpu.memref_squeeze %parallel_loop3A_719 : memref<1x128x65xf32, #tpu.memory_space<vmem>> -> memref<128x65xf32, #tpu.memory_space<vmem>>
        %parallel_loop3A_721 = tpu.vector_load_idx %parallel_loop3A_720[%parallel_loop3A_711, %parallel_loop3A_715] : memref<128x65xf32, #tpu.memory_space<vmem>>[vector<16xi32>, vector<16xi32>], vector<16xf32>,
        %parallel_loop3A_722 = arith.constant 0 : i32
        %parallel_loop3A_723 = arith.index_cast %parallel_loop3A_722 : i32 to index
        %parallel_loop3A_724 = arith.index_cast %parallel_loop3A_690 : i32 to index
        %parallel_loop3A_725 = arith.constant 16 : index
        %parallel_loop3A_726 = tpu.vector_load %arg9[%parallel_loop3A_723, %parallel_loop3A_724, %parallel_loop3A_725] {strides = array<i32>} : memref<2x64x128xf32, #tpu.memory_space<vmem>>, vector<16xf32>,
        tpu.vector_store %arg9[%parallel_loop3A_723, %parallel_loop3A_724, %parallel_loop3A_725], %parallel_loop3A_721 {strides = array<i32>} : memref<2x64x128xf32, #tpu.memory_space<vmem>>, vector<16xf32>,
        %parallel_loop3A_727 = arith.constant 32 : i32
        %parallel_loop3A_728 = vector.broadcast %parallel_loop3A_727 : i32 to vector<16xi32>
        %parallel_loop3A_729 = arith.addi %iota3A, %parallel_loop3A_728 : vector<16xi32>
        %parallel_loop3A_730 = arith.constant 0 : i32
        %parallel_loop3A_731 = vector.broadcast %parallel_loop3A_730 : i32 to vector<16xi32>
        %parallel_loop3A_732 = vector.broadcast %parallel_loop3A_690 : i32 to vector<16xi32>
        %parallel_loop3A_733 = arith.addi %parallel_loop3A_731, %parallel_loop3A_732 : vector<16xi32>
        %parallel_loop3A_734 = arith.constant 0 : i32
        %parallel_loop3A_735 = arith.constant 0 : i32
        %parallel_loop3A_736 = arith.constant 0 : i32
        %parallel_loop3A_737 = tpu.memref_slice %arg8[%parallel_loop3A_734, %parallel_loop3A_735, %parallel_loop3A_736] : memref<2x128x65xf32, #tpu.memory_space<vmem>> -> memref<1x128x65xf32, #tpu.memory_space<vmem>>
        %parallel_loop3A_738 = tpu.memref_squeeze %parallel_loop3A_737 : memref<1x128x65xf32, #tpu.memory_space<vmem>> -> memref<128x65xf32, #tpu.memory_space<vmem>>
        %parallel_loop3A_739 = tpu.vector_load_idx %parallel_loop3A_738[%parallel_loop3A_729, %parallel_loop3A_733] : memref<128x65xf32, #tpu.memory_space<vmem>>[vector<16xi32>, vector<16xi32>], vector<16xf32>,
        %parallel_loop3A_740 = arith.constant 0 : i32
        %parallel_loop3A_741 = arith.index_cast %parallel_loop3A_740 : i32 to index
        %parallel_loop3A_742 = arith.index_cast %parallel_loop3A_690 : i32 to index
        %parallel_loop3A_743 = arith.constant 32 : index
        %parallel_loop3A_744 = tpu.vector_load %arg9[%parallel_loop3A_741, %parallel_loop3A_742, %parallel_loop3A_743] {strides = array<i32>} : memref<2x64x128xf32, #tpu.memory_space<vmem>>, vector<16xf32>,
        tpu.vector_store %arg9[%parallel_loop3A_741, %parallel_loop3A_742, %parallel_loop3A_743], %parallel_loop3A_739 {strides = array<i32>} : memref<2x64x128xf32, #tpu.memory_space<vmem>>, vector<16xf32>,
        %parallel_loop3A_745 = arith.constant 48 : i32
        %parallel_loop3A_746 = vector.broadcast %parallel_loop3A_745 : i32 to vector<16xi32>
        %parallel_loop3A_747 = arith.addi %iota3A, %parallel_loop3A_746 : vector<16xi32>
        %parallel_loop3A_748 = arith.constant 0 : i32
        %parallel_loop3A_749 = vector.broadcast %parallel_loop3A_748 : i32 to vector<16xi32>
        %parallel_loop3A_750 = vector.broadcast %parallel_loop3A_690 : i32 to vector<16xi32>
        %parallel_loop3A_751 = arith.addi %parallel_loop3A_749, %parallel_loop3A_750 : vector<16xi32>
        %parallel_loop3A_752 = arith.constant 0 : i32
        %parallel_loop3A_753 = arith.constant 0 : i32
        %parallel_loop3A_754 = arith.constant 0 : i32
        %parallel_loop3A_755 = tpu.memref_slice %arg8[%parallel_loop3A_752, %parallel_loop3A_753, %parallel_loop3A_754] : memref<2x128x65xf32, #tpu.memory_space<vmem>> -> memref<1x128x65xf32, #tpu.memory_space<vmem>>
        %parallel_loop3A_756 = tpu.memref_squeeze %parallel_loop3A_755 : memref<1x128x65xf32, #tpu.memory_space<vmem>> -> memref<128x65xf32, #tpu.memory_space<vmem>>
        %parallel_loop3A_757 = tpu.vector_load_idx %parallel_loop3A_756[%parallel_loop3A_747, %parallel_loop3A_751] : memref<128x65xf32, #tpu.memory_space<vmem>>[vector<16xi32>, vector<16xi32>], vector<16xf32>,
        %parallel_loop3A_758 = arith.constant 0 : i32
        %parallel_loop3A_759 = arith.index_cast %parallel_loop3A_758 : i32 to index
        %parallel_loop3A_760 = arith.index_cast %parallel_loop3A_690 : i32 to index
        %parallel_loop3A_761 = arith.constant 48 : index
        %parallel_loop3A_762 = tpu.vector_load %arg9[%parallel_loop3A_759, %parallel_loop3A_760, %parallel_loop3A_761] {strides = array<i32>} : memref<2x64x128xf32, #tpu.memory_space<vmem>>, vector<16xf32>,
        tpu.vector_store %arg9[%parallel_loop3A_759, %parallel_loop3A_760, %parallel_loop3A_761], %parallel_loop3A_757 {strides = array<i32>} : memref<2x64x128xf32, #tpu.memory_space<vmem>>, vector<16xf32>,
        %parallel_loop3A_763 = arith.constant 64 : i32
        %parallel_loop3A_764 = vector.broadcast %parallel_loop3A_763 : i32 to vector<16xi32>
        %parallel_loop3A_765 = arith.addi %iota3A, %parallel_loop3A_764 : vector<16xi32>
        %parallel_loop3A_766 = arith.constant 0 : i32
        %parallel_loop3A_767 = vector.broadcast %parallel_loop3A_766 : i32 to vector<16xi32>
        %parallel_loop3A_768 = vector.broadcast %parallel_loop3A_690 : i32 to vector<16xi32>
        %parallel_loop3A_769 = arith.addi %parallel_loop3A_767, %parallel_loop3A_768 : vector<16xi32>
        %parallel_loop3A_770 = arith.constant 0 : i32
        %parallel_loop3A_771 = arith.constant 0 : i32
        %parallel_loop3A_772 = arith.constant 0 : i32
        %parallel_loop3A_773 = tpu.memref_slice %arg8[%parallel_loop3A_770, %parallel_loop3A_771, %parallel_loop3A_772] : memref<2x128x65xf32, #tpu.memory_space<vmem>> -> memref<1x128x65xf32, #tpu.memory_space<vmem>>
        %parallel_loop3A_774 = tpu.memref_squeeze %parallel_loop3A_773 : memref<1x128x65xf32, #tpu.memory_space<vmem>> -> memref<128x65xf32, #tpu.memory_space<vmem>>
        %parallel_loop3A_775 = tpu.vector_load_idx %parallel_loop3A_774[%parallel_loop3A_765, %parallel_loop3A_769] : memref<128x65xf32, #tpu.memory_space<vmem>>[vector<16xi32>, vector<16xi32>], vector<16xf32>,
        %parallel_loop3A_776 = arith.constant 0 : i32
        %parallel_loop3A_777 = arith.index_cast %parallel_loop3A_776 : i32 to index
        %parallel_loop3A_778 = arith.index_cast %parallel_loop3A_690 : i32 to index
        %parallel_loop3A_779 = arith.constant 64 : index
        %parallel_loop3A_780 = tpu.vector_load %arg9[%parallel_loop3A_777, %parallel_loop3A_778, %parallel_loop3A_779] {strides = array<i32>} : memref<2x64x128xf32, #tpu.memory_space<vmem>>, vector<16xf32>,
        tpu.vector_store %arg9[%parallel_loop3A_777, %parallel_loop3A_778, %parallel_loop3A_779], %parallel_loop3A_775 {strides = array<i32>} : memref<2x64x128xf32, #tpu.memory_space<vmem>>, vector<16xf32>,
        %parallel_loop3A_781 = arith.constant 80 : i32
        %parallel_loop3A_782 = vector.broadcast %parallel_loop3A_781 : i32 to vector<16xi32>
        %parallel_loop3A_783 = arith.addi %iota3A, %parallel_loop3A_782 : vector<16xi32>
        %parallel_loop3A_784 = arith.constant 0 : i32
        %parallel_loop3A_785 = vector.broadcast %parallel_loop3A_784 : i32 to vector<16xi32>
        %parallel_loop3A_786 = vector.broadcast %parallel_loop3A_690 : i32 to vector<16xi32>
        %parallel_loop3A_787 = arith.addi %parallel_loop3A_785, %parallel_loop3A_786 : vector<16xi32>
        %parallel_loop3A_788 = arith.constant 0 : i32
        %parallel_loop3A_789 = arith.constant 0 : i32
        %parallel_loop3A_790 = arith.constant 0 : i32
        %parallel_loop3A_791 = tpu.memref_slice %arg8[%parallel_loop3A_788, %parallel_loop3A_789, %parallel_loop3A_790] : memref<2x128x65xf32, #tpu.memory_space<vmem>> -> memref<1x128x65xf32, #tpu.memory_space<vmem>>
        %parallel_loop3A_792 = tpu.memref_squeeze %parallel_loop3A_791 : memref<1x128x65xf32, #tpu.memory_space<vmem>> -> memref<128x65xf32, #tpu.memory_space<vmem>>
        %parallel_loop3A_793 = tpu.vector_load_idx %parallel_loop3A_792[%parallel_loop3A_783, %parallel_loop3A_787] : memref<128x65xf32, #tpu.memory_space<vmem>>[vector<16xi32>, vector<16xi32>], vector<16xf32>,
        %parallel_loop3A_794 = arith.constant 0 : i32
        %parallel_loop3A_795 = arith.index_cast %parallel_loop3A_794 : i32 to index
        %parallel_loop3A_796 = arith.index_cast %parallel_loop3A_690 : i32 to index
        %parallel_loop3A_797 = arith.constant 80 : index
        %parallel_loop3A_798 = tpu.vector_load %arg9[%parallel_loop3A_795, %parallel_loop3A_796, %parallel_loop3A_797] {strides = array<i32>} : memref<2x64x128xf32, #tpu.memory_space<vmem>>, vector<16xf32>,
        tpu.vector_store %arg9[%parallel_loop3A_795, %parallel_loop3A_796, %parallel_loop3A_797], %parallel_loop3A_793 {strides = array<i32>} : memref<2x64x128xf32, #tpu.memory_space<vmem>>, vector<16xf32>,
        %parallel_loop3A_799 = arith.constant 96 : i32
        %parallel_loop3A_800 = vector.broadcast %parallel_loop3A_799 : i32 to vector<16xi32>
        %parallel_loop3A_801 = arith.addi %iota3A, %parallel_loop3A_800 : vector<16xi32>
        %parallel_loop3A_802 = arith.constant 0 : i32
        %parallel_loop3A_803 = vector.broadcast %parallel_loop3A_802 : i32 to vector<16xi32>
        %parallel_loop3A_804 = vector.broadcast %parallel_loop3A_690 : i32 to vector<16xi32>
        %parallel_loop3A_805 = arith.addi %parallel_loop3A_803, %parallel_loop3A_804 : vector<16xi32>
        %parallel_loop3A_806 = arith.constant 0 : i32
        %parallel_loop3A_807 = arith.constant 0 : i32
        %parallel_loop3A_808 = arith.constant 0 : i32
        %parallel_loop3A_809 = tpu.memref_slice %arg8[%parallel_loop3A_806, %parallel_loop3A_807, %parallel_loop3A_808] : memref<2x128x65xf32, #tpu.memory_space<vmem>> -> memref<1x128x65xf32, #tpu.memory_space<vmem>>
        %parallel_loop3A_810 = tpu.memref_squeeze %parallel_loop3A_809 : memref<1x128x65xf32, #tpu.memory_space<vmem>> -> memref<128x65xf32, #tpu.memory_space<vmem>>
        %parallel_loop3A_811 = tpu.vector_load_idx %parallel_loop3A_810[%parallel_loop3A_801, %parallel_loop3A_805] : memref<128x65xf32, #tpu.memory_space<vmem>>[vector<16xi32>, vector<16xi32>], vector<16xf32>,
        %parallel_loop3A_812 = arith.constant 0 : i32
        %parallel_loop3A_813 = arith.index_cast %parallel_loop3A_812 : i32 to index
        %parallel_loop3A_814 = arith.index_cast %parallel_loop3A_690 : i32 to index
        %parallel_loop3A_815 = arith.constant 96 : index
        %parallel_loop3A_816 = tpu.vector_load %arg9[%parallel_loop3A_813, %parallel_loop3A_814, %parallel_loop3A_815] {strides = array<i32>} : memref<2x64x128xf32, #tpu.memory_space<vmem>>, vector<16xf32>,
        tpu.vector_store %arg9[%parallel_loop3A_813, %parallel_loop3A_814, %parallel_loop3A_815], %parallel_loop3A_811 {strides = array<i32>} : memref<2x64x128xf32, #tpu.memory_space<vmem>>, vector<16xf32>,
        %parallel_loop3A_817 = arith.constant 112 : i32
        %parallel_loop3A_818 = vector.broadcast %parallel_loop3A_817 : i32 to vector<16xi32>
        %parallel_loop3A_819 = arith.addi %iota3A, %parallel_loop3A_818 : vector<16xi32>
        %parallel_loop3A_820 = arith.constant 0 : i32
        %parallel_loop3A_821 = vector.broadcast %parallel_loop3A_820 : i32 to vector<16xi32>
        %parallel_loop3A_822 = vector.broadcast %parallel_loop3A_690 : i32 to vector<16xi32>
        %parallel_loop3A_823 = arith.addi %parallel_loop3A_821, %parallel_loop3A_822 : vector<16xi32>
        %parallel_loop3A_824 = arith.constant 0 : i32
        %parallel_loop3A_825 = arith.constant 0 : i32
        %parallel_loop3A_826 = arith.constant 0 : i32
        %parallel_loop3A_827 = tpu.memref_slice %arg8[%parallel_loop3A_824, %parallel_loop3A_825, %parallel_loop3A_826] : memref<2x128x65xf32, #tpu.memory_space<vmem>> -> memref<1x128x65xf32, #tpu.memory_space<vmem>>
        %parallel_loop3A_828 = tpu.memref_squeeze %parallel_loop3A_827 : memref<1x128x65xf32, #tpu.memory_space<vmem>> -> memref<128x65xf32, #tpu.memory_space<vmem>>
        %parallel_loop3A_829 = tpu.vector_load_idx %parallel_loop3A_828[%parallel_loop3A_819, %parallel_loop3A_823] : memref<128x65xf32, #tpu.memory_space<vmem>>[vector<16xi32>, vector<16xi32>], vector<16xf32>,
        %parallel_loop3A_830 = arith.constant 0 : i32
        %parallel_loop3A_831 = arith.index_cast %parallel_loop3A_830 : i32 to index
        %parallel_loop3A_832 = arith.index_cast %parallel_loop3A_690 : i32 to index
        %parallel_loop3A_833 = arith.constant 112 : index
        %parallel_loop3A_834 = tpu.vector_load %arg9[%parallel_loop3A_831, %parallel_loop3A_832, %parallel_loop3A_833] {strides = array<i32>} : memref<2x64x128xf32, #tpu.memory_space<vmem>>, vector<16xf32>,
        tpu.vector_store %arg9[%parallel_loop3A_831, %parallel_loop3A_832, %parallel_loop3A_833], %parallel_loop3A_829 {strides = array<i32>} : memref<2x64x128xf32, #tpu.memory_space<vmem>>, vector<16xf32>,
      } {sc.loop_unroll_factor = 8 : i64, sc.parallel_access}
      %dma_start3A_363 = arith.constant 0 : i32
      %dma_start3A_364 = arith.constant 0 : i32
      %dma_start3A_365 = arith.constant 0 : i32
      %dma_start3A_366 = arith.constant 0 : i32
      %dma_start3A_367 = tpu.memref_slice %arg9[%dma_start3A_363, %dma_start3A_365, %dma_start3A_366] : memref<2x64x128xf32, #tpu.memory_space<vmem>> -> memref<1x8x128xf32, #tpu.memory_space<vmem>>
      %dma_start3A_368 = tpu.memref_squeeze %dma_start3A_367 : memref<1x8x128xf32, #tpu.memory_space<vmem>> -> memref<8x128xf32, #tpu.memory_space<vmem>>
      %dma_start3A_369 = arith.constant 0 : i32
      %dma_start3A_370 = arith.constant 0 : i32
      %dma_start3A_371 = tpu.memref_slice %arg4[%add3A_344, %dma_start3A_364, %add3A, %dma_start3A_369, %dma_start3A_370] : memref<50x8x32x8x128xf32, #tpu.memory_space<hbm>> -> memref<1x1x1x8x128xf32, #tpu.memory_space<hbm>>
      %dma_start3A_372 = tpu.memref_squeeze %dma_start3A_371 : memref<1x1x1x8x128xf32, #tpu.memory_space<hbm>> -> memref<8x128xf32, #tpu.memory_space<hbm>>
      %dma_start3A_373 = arith.constant 0 : i32
      %dma_start3A_374 = arith.constant 0 : i32
      %dma_start3A_375 = tpu.memref_slice %arg4[%add3A_344, %dma_start3A_364, %add3A, %dma_start3A_373, %dma_start3A_374] : memref<50x8x32x8x128xf32, #tpu.memory_space<hbm>> -> memref<1x1x1x8x128xf32, #tpu.memory_space<hbm>>
      %dma_start3A_376 = tpu.memref_squeeze %dma_start3A_375 : memref<1x1x1x8x128xf32, #tpu.memory_space<hbm>> -> memref<8x128xf32, #tpu.memory_space<hbm>>
      %dma_start3A_377 = arith.constant 0 : i32
      %dma_start3A_378 = arith.constant 0 : i32
      %dma_start3A_379 = tpu.memref_slice %arg9[%dma_start3A_363, %dma_start3A_377, %dma_start3A_378] : memref<2x64x128xf32, #tpu.memory_space<vmem>> -> memref<1x8x128xf32, #tpu.memory_space<vmem>>
      %dma_start3A_380 = tpu.memref_squeeze %dma_start3A_379 : memref<1x8x128xf32, #tpu.memory_space<vmem>> -> memref<8x128xf32, #tpu.memory_space<vmem>>
      tpu.enqueue_dma source(%dma_start3A_380 : memref<8x128xf32, #tpu.memory_space<vmem>>) target(%dma_start3A_376 : memref<8x128xf32, #tpu.memory_space<hbm>>) target_semaphore(%arg12 : memref<!tpu.dma_semaphore, #tpu.memory_space<semaphore_mem>>)
      %dma_start3A_381 = arith.constant 0 : i32
      %dma_start3A_382 = arith.constant 1 : i32
      %dma_start3A_383 = arith.constant 8 : i32
      %dma_start3A_384 = arith.constant 0 : i32
      %dma_start3A_385 = tpu.memref_slice %arg9[%dma_start3A_381, %dma_start3A_383, %dma_start3A_384] : memref<2x64x128xf32, #tpu.memory_space<vmem>> -> memref<1x8x128xf32, #tpu.memory_space<vmem>>
      %dma_start3A_386 = tpu.memref_squeeze %dma_start3A_385 : memref<1x8x128xf32, #tpu.memory_space<vmem>> -> memref<8x128xf32, #tpu.memory_space<vmem>>
      %dma_start3A_387 = arith.constant 0 : i32
      %dma_start3A_388 = arith.constant 0 : i32
      %dma_start3A_389 = tpu.memref_slice %arg4[%add3A_344, %dma_start3A_382, %add3A, %dma_start3A_387, %dma_start3A_388] : memref<50x8x32x8x128xf32, #tpu.memory_space<hbm>> -> memref<1x1x1x8x128xf32, #tpu.memory_space<hbm>>
      %dma_start3A_390 = tpu.memref_squeeze %dma_start3A_389 : memref<1x1x1x8x128xf32, #tpu.memory_space<hbm>> -> memref<8x128xf32, #tpu.memory_space<hbm>>
      %dma_start3A_391 = arith.constant 0 : i32
      %dma_start3A_392 = arith.constant 0 : i32
      %dma_start3A_393 = tpu.memref_slice %arg4[%add3A_344, %dma_start3A_382, %add3A, %dma_start3A_391, %dma_start3A_392] : memref<50x8x32x8x128xf32, #tpu.memory_space<hbm>> -> memref<1x1x1x8x128xf32, #tpu.memory_space<hbm>>
      %dma_start3A_394 = tpu.memref_squeeze %dma_start3A_393 : memref<1x1x1x8x128xf32, #tpu.memory_space<hbm>> -> memref<8x128xf32, #tpu.memory_space<hbm>>
      %dma_start3A_395 = arith.constant 8 : i32
      %dma_start3A_396 = arith.constant 0 : i32
      %dma_start3A_397 = tpu.memref_slice %arg9[%dma_start3A_381, %dma_start3A_395, %dma_start3A_396] : memref<2x64x128xf32, #tpu.memory_space<vmem>> -> memref<1x8x128xf32, #tpu.memory_space<vmem>>
      %dma_start3A_398 = tpu.memref_squeeze %dma_start3A_397 : memref<1x8x128xf32, #tpu.memory_space<vmem>> -> memref<8x128xf32, #tpu.memory_space<vmem>>
      tpu.enqueue_dma source(%dma_start3A_398 : memref<8x128xf32, #tpu.memory_space<vmem>>) target(%dma_start3A_394 : memref<8x128xf32, #tpu.memory_space<hbm>>) target_semaphore(%arg12 : memref<!tpu.dma_semaphore, #tpu.memory_space<semaphore_mem>>)
      %dma_start3A_399 = arith.constant 0 : i32
      %dma_start3A_400 = arith.constant 2 : i32
      %dma_start3A_401 = arith.constant 16 : i32
      %dma_start3A_402 = arith.constant 0 : i32
      %dma_start3A_403 = tpu.memref_slice %arg9[%dma_start3A_399, %dma_start3A_401, %dma_start3A_402] : memref<2x64x128xf32, #tpu.memory_space<vmem>> -> memref<1x8x128xf32, #tpu.memory_space<vmem>>
      %dma_start3A_404 = tpu.memref_squeeze %dma_start3A_403 : memref<1x8x128xf32, #tpu.memory_space<vmem>> -> memref<8x128xf32, #tpu.memory_space<vmem>>
      %dma_start3A_405 = arith.constant 0 : i32
      %dma_start3A_406 = arith.constant 0 : i32
      %dma_start3A_407 = tpu.memref_slice %arg4[%add3A_344, %dma_start3A_400, %add3A, %dma_start3A_405, %dma_start3A_406] : memref<50x8x32x8x128xf32, #tpu.memory_space<hbm>> -> memref<1x1x1x8x128xf32, #tpu.memory_space<hbm>>
      %dma_start3A_408 = tpu.memref_squeeze %dma_start3A_407 : memref<1x1x1x8x128xf32, #tpu.memory_space<hbm>> -> memref<8x128xf32, #tpu.memory_space<hbm>>
      %dma_start3A_409 = arith.constant 0 : i32
      %dma_start3A_410 = arith.constant 0 : i32
      %dma_start3A_411 = tpu.memref_slice %arg4[%add3A_344, %dma_start3A_400, %add3A, %dma_start3A_409, %dma_start3A_410] : memref<50x8x32x8x128xf32, #tpu.memory_space<hbm>> -> memref<1x1x1x8x128xf32, #tpu.memory_space<hbm>>
      %dma_start3A_412 = tpu.memref_squeeze %dma_start3A_411 : memref<1x1x1x8x128xf32, #tpu.memory_space<hbm>> -> memref<8x128xf32, #tpu.memory_space<hbm>>
      %dma_start3A_413 = arith.constant 16 : i32
      %dma_start3A_414 = arith.constant 0 : i32
      %dma_start3A_415 = tpu.memref_slice %arg9[%dma_start3A_399, %dma_start3A_413, %dma_start3A_414] : memref<2x64x128xf32, #tpu.memory_space<vmem>> -> memref<1x8x128xf32, #tpu.memory_space<vmem>>
      %dma_start3A_416 = tpu.memref_squeeze %dma_start3A_415 : memref<1x8x128xf32, #tpu.memory_space<vmem>> -> memref<8x128xf32, #tpu.memory_space<vmem>>
      tpu.enqueue_dma source(%dma_start3A_416 : memref<8x128xf32, #tpu.memory_space<vmem>>) target(%dma_start3A_412 : memref<8x128xf32, #tpu.memory_space<hbm>>) target_semaphore(%arg12 : memref<!tpu.dma_semaphore, #tpu.memory_space<semaphore_mem>>)
      %dma_start3A_417 = arith.constant 0 : i32
      %dma_start3A_418 = arith.constant 3 : i32
      %dma_start3A_419 = arith.constant 24 : i32
      %dma_start3A_420 = arith.constant 0 : i32
      %dma_start3A_421 = tpu.memref_slice %arg9[%dma_start3A_417, %dma_start3A_419, %dma_start3A_420] : memref<2x64x128xf32, #tpu.memory_space<vmem>> -> memref<1x8x128xf32, #tpu.memory_space<vmem>>
      %dma_start3A_422 = tpu.memref_squeeze %dma_start3A_421 : memref<1x8x128xf32, #tpu.memory_space<vmem>> -> memref<8x128xf32, #tpu.memory_space<vmem>>
      %dma_start3A_423 = arith.constant 0 : i32
      %dma_start3A_424 = arith.constant 0 : i32
      %dma_start3A_425 = tpu.memref_slice %arg4[%add3A_344, %dma_start3A_418, %add3A, %dma_start3A_423, %dma_start3A_424] : memref<50x8x32x8x128xf32, #tpu.memory_space<hbm>> -> memref<1x1x1x8x128xf32, #tpu.memory_space<hbm>>
      %dma_start3A_426 = tpu.memref_squeeze %dma_start3A_425 : memref<1x1x1x8x128xf32, #tpu.memory_space<hbm>> -> memref<8x128xf32, #tpu.memory_space<hbm>>
      %dma_start3A_427 = arith.constant 0 : i32
      %dma_start3A_428 = arith.constant 0 : i32
      %dma_start3A_429 = tpu.memref_slice %arg4[%add3A_344, %dma_start3A_418, %add3A, %dma_start3A_427, %dma_start3A_428] : memref<50x8x32x8x128xf32, #tpu.memory_space<hbm>> -> memref<1x1x1x8x128xf32, #tpu.memory_space<hbm>>
      %dma_start3A_430 = tpu.memref_squeeze %dma_start3A_429 : memref<1x1x1x8x128xf32, #tpu.memory_space<hbm>> -> memref<8x128xf32, #tpu.memory_space<hbm>>
      %dma_start3A_431 = arith.constant 24 : i32
      %dma_start3A_432 = arith.constant 0 : i32
      %dma_start3A_433 = tpu.memref_slice %arg9[%dma_start3A_417, %dma_start3A_431, %dma_start3A_432] : memref<2x64x128xf32, #tpu.memory_space<vmem>> -> memref<1x8x128xf32, #tpu.memory_space<vmem>>
      %dma_start3A_434 = tpu.memref_squeeze %dma_start3A_433 : memref<1x8x128xf32, #tpu.memory_space<vmem>> -> memref<8x128xf32, #tpu.memory_space<vmem>>
      tpu.enqueue_dma source(%dma_start3A_434 : memref<8x128xf32, #tpu.memory_space<vmem>>) target(%dma_start3A_430 : memref<8x128xf32, #tpu.memory_space<hbm>>) target_semaphore(%arg12 : memref<!tpu.dma_semaphore, #tpu.memory_space<semaphore_mem>>)
      %dma_start3A_435 = arith.constant 0 : i32
      %dma_start3A_436 = arith.constant 4 : i32
      %dma_start3A_437 = arith.constant 32 : i32
      %dma_start3A_438 = arith.constant 0 : i32
      %dma_start3A_439 = tpu.memref_slice %arg9[%dma_start3A_435, %dma_start3A_437, %dma_start3A_438] : memref<2x64x128xf32, #tpu.memory_space<vmem>> -> memref<1x8x128xf32, #tpu.memory_space<vmem>>
      %dma_start3A_440 = tpu.memref_squeeze %dma_start3A_439 : memref<1x8x128xf32, #tpu.memory_space<vmem>> -> memref<8x128xf32, #tpu.memory_space<vmem>>
      %dma_start3A_441 = arith.constant 0 : i32
      %dma_start3A_442 = arith.constant 0 : i32
      %dma_start3A_443 = tpu.memref_slice %arg4[%add3A_344, %dma_start3A_436, %add3A, %dma_start3A_441, %dma_start3A_442] : memref<50x8x32x8x128xf32, #tpu.memory_space<hbm>> -> memref<1x1x1x8x128xf32, #tpu.memory_space<hbm>>
      %dma_start3A_444 = tpu.memref_squeeze %dma_start3A_443 : memref<1x1x1x8x128xf32, #tpu.memory_space<hbm>> -> memref<8x128xf32, #tpu.memory_space<hbm>>
      %dma_start3A_445 = arith.constant 0 : i32
      %dma_start3A_446 = arith.constant 0 : i32
      %dma_start3A_447 = tpu.memref_slice %arg4[%add3A_344, %dma_start3A_436, %add3A, %dma_start3A_445, %dma_start3A_446] : memref<50x8x32x8x128xf32, #tpu.memory_space<hbm>> -> memref<1x1x1x8x128xf32, #tpu.memory_space<hbm>>
      %dma_start3A_448 = tpu.memref_squeeze %dma_start3A_447 : memref<1x1x1x8x128xf32, #tpu.memory_space<hbm>> -> memref<8x128xf32, #tpu.memory_space<hbm>>
      %dma_start3A_449 = arith.constant 32 : i32
      %dma_start3A_450 = arith.constant 0 : i32
      %dma_start3A_451 = tpu.memref_slice %arg9[%dma_start3A_435, %dma_start3A_449, %dma_start3A_450] : memref<2x64x128xf32, #tpu.memory_space<vmem>> -> memref<1x8x128xf32, #tpu.memory_space<vmem>>
      %dma_start3A_452 = tpu.memref_squeeze %dma_start3A_451 : memref<1x8x128xf32, #tpu.memory_space<vmem>> -> memref<8x128xf32, #tpu.memory_space<vmem>>
      tpu.enqueue_dma source(%dma_start3A_452 : memref<8x128xf32, #tpu.memory_space<vmem>>) target(%dma_start3A_448 : memref<8x128xf32, #tpu.memory_space<hbm>>) target_semaphore(%arg12 : memref<!tpu.dma_semaphore, #tpu.memory_space<semaphore_mem>>)
      %dma_start3A_453 = arith.constant 0 : i32
      %dma_start3A_454 = arith.constant 5 : i32
      %dma_start3A_455 = arith.constant 40 : i32
      %dma_start3A_456 = arith.constant 0 : i32
      %dma_start3A_457 = tpu.memref_slice %arg9[%dma_start3A_453, %dma_start3A_455, %dma_start3A_456] : memref<2x64x128xf32, #tpu.memory_space<vmem>> -> memref<1x8x128xf32, #tpu.memory_space<vmem>>
      %dma_start3A_458 = tpu.memref_squeeze %dma_start3A_457 : memref<1x8x128xf32, #tpu.memory_space<vmem>> -> memref<8x128xf32, #tpu.memory_space<vmem>>
      %dma_start3A_459 = arith.constant 0 : i32
      %dma_start3A_460 = arith.constant 0 : i32
      %dma_start3A_461 = tpu.memref_slice %arg4[%add3A_344, %dma_start3A_454, %add3A, %dma_start3A_459, %dma_start3A_460] : memref<50x8x32x8x128xf32, #tpu.memory_space<hbm>> -> memref<1x1x1x8x128xf32, #tpu.memory_space<hbm>>
      %dma_start3A_462 = tpu.memref_squeeze %dma_start3A_461 : memref<1x1x1x8x128xf32, #tpu.memory_space<hbm>> -> memref<8x128xf32, #tpu.memory_space<hbm>>
      %dma_start3A_463 = arith.constant 0 : i32
      %dma_start3A_464 = arith.constant 0 : i32
      %dma_start3A_465 = tpu.memref_slice %arg4[%add3A_344, %dma_start3A_454, %add3A, %dma_start3A_463, %dma_start3A_464] : memref<50x8x32x8x128xf32, #tpu.memory_space<hbm>> -> memref<1x1x1x8x128xf32, #tpu.memory_space<hbm>>
      %dma_start3A_466 = tpu.memref_squeeze %dma_start3A_465 : memref<1x1x1x8x128xf32, #tpu.memory_space<hbm>> -> memref<8x128xf32, #tpu.memory_space<hbm>>
      %dma_start3A_467 = arith.constant 40 : i32
      %dma_start3A_468 = arith.constant 0 : i32
      %dma_start3A_469 = tpu.memref_slice %arg9[%dma_start3A_453, %dma_start3A_467, %dma_start3A_468] : memref<2x64x128xf32, #tpu.memory_space<vmem>> -> memref<1x8x128xf32, #tpu.memory_space<vmem>>
      %dma_start3A_470 = tpu.memref_squeeze %dma_start3A_469 : memref<1x8x128xf32, #tpu.memory_space<vmem>> -> memref<8x128xf32, #tpu.memory_space<vmem>>
      tpu.enqueue_dma source(%dma_start3A_470 : memref<8x128xf32, #tpu.memory_space<vmem>>) target(%dma_start3A_466 : memref<8x128xf32, #tpu.memory_space<hbm>>) target_semaphore(%arg12 : memref<!tpu.dma_semaphore, #tpu.memory_space<semaphore_mem>>)
      %dma_start3A_471 = arith.constant 0 : i32
      %dma_start3A_472 = arith.constant 6 : i32
      %dma_start3A_473 = arith.constant 48 : i32
      %dma_start3A_474 = arith.constant 0 : i32
      %dma_start3A_475 = tpu.memref_slice %arg9[%dma_start3A_471, %dma_start3A_473, %dma_start3A_474] : memref<2x64x128xf32, #tpu.memory_space<vmem>> -> memref<1x8x128xf32, #tpu.memory_space<vmem>>
      %dma_start3A_476 = tpu.memref_squeeze %dma_start3A_475 : memref<1x8x128xf32, #tpu.memory_space<vmem>> -> memref<8x128xf32, #tpu.memory_space<vmem>>
      %dma_start3A_477 = arith.constant 0 : i32
      %dma_start3A_478 = arith.constant 0 : i32
      %dma_start3A_479 = tpu.memref_slice %arg4[%add3A_344, %dma_start3A_472, %add3A, %dma_start3A_477, %dma_start3A_478] : memref<50x8x32x8x128xf32, #tpu.memory_space<hbm>> -> memref<1x1x1x8x128xf32, #tpu.memory_space<hbm>>
      %dma_start3A_480 = tpu.memref_squeeze %dma_start3A_479 : memref<1x1x1x8x128xf32, #tpu.memory_space<hbm>> -> memref<8x128xf32, #tpu.memory_space<hbm>>
      %dma_start3A_481 = arith.constant 0 : i32
      %dma_start3A_482 = arith.constant 0 : i32
      %dma_start3A_483 = tpu.memref_slice %arg4[%add3A_344, %dma_start3A_472, %add3A, %dma_start3A_481, %dma_start3A_482] : memref<50x8x32x8x128xf32, #tpu.memory_space<hbm>> -> memref<1x1x1x8x128xf32, #tpu.memory_space<hbm>>
      %dma_start3A_484 = tpu.memref_squeeze %dma_start3A_483 : memref<1x1x1x8x128xf32, #tpu.memory_space<hbm>> -> memref<8x128xf32, #tpu.memory_space<hbm>>
      %dma_start3A_485 = arith.constant 48 : i32
      %dma_start3A_486 = arith.constant 0 : i32
      %dma_start3A_487 = tpu.memref_slice %arg9[%dma_start3A_471, %dma_start3A_485, %dma_start3A_486] : memref<2x64x128xf32, #tpu.memory_space<vmem>> -> memref<1x8x128xf32, #tpu.memory_space<vmem>>
      %dma_start3A_488 = tpu.memref_squeeze %dma_start3A_487 : memref<1x8x128xf32, #tpu.memory_space<vmem>> -> memref<8x128xf32, #tpu.memory_space<vmem>>
      tpu.enqueue_dma source(%dma_start3A_488 : memref<8x128xf32, #tpu.memory_space<vmem>>) target(%dma_start3A_484 : memref<8x128xf32, #tpu.memory_space<hbm>>) target_semaphore(%arg12 : memref<!tpu.dma_semaphore, #tpu.memory_space<semaphore_mem>>)
      %dma_start3A_489 = arith.constant 0 : i32
      %dma_start3A_490 = arith.constant 7 : i32
      %dma_start3A_491 = arith.constant 56 : i32
      %dma_start3A_492 = arith.constant 0 : i32
      %dma_start3A_493 = tpu.memref_slice %arg9[%dma_start3A_489, %dma_start3A_491, %dma_start3A_492] : memref<2x64x128xf32, #tpu.memory_space<vmem>> -> memref<1x8x128xf32, #tpu.memory_space<vmem>>
      %dma_start3A_494 = tpu.memref_squeeze %dma_start3A_493 : memref<1x8x128xf32, #tpu.memory_space<vmem>> -> memref<8x128xf32, #tpu.memory_space<vmem>>
      %dma_start3A_495 = arith.constant 0 : i32
      %dma_start3A_496 = arith.constant 0 : i32
      %dma_start3A_497 = tpu.memref_slice %arg4[%add3A_344, %dma_start3A_490, %add3A, %dma_start3A_495, %dma_start3A_496] : memref<50x8x32x8x128xf32, #tpu.memory_space<hbm>> -> memref<1x1x1x8x128xf32, #tpu.memory_space<hbm>>
      %dma_start3A_498 = tpu.memref_squeeze %dma_start3A_497 : memref<1x1x1x8x128xf32, #tpu.memory_space<hbm>> -> memref<8x128xf32, #tpu.memory_space<hbm>>
      %dma_start3A_499 = arith.constant 0 : i32
      %dma_start3A_500 = arith.constant 0 : i32
      %dma_start3A_501 = tpu.memref_slice %arg4[%add3A_344, %dma_start3A_490, %add3A, %dma_start3A_499, %dma_start3A_500] : memref<50x8x32x8x128xf32, #tpu.memory_space<hbm>> -> memref<1x1x1x8x128xf32, #tpu.memory_space<hbm>>
      %dma_start3A_502 = tpu.memref_squeeze %dma_start3A_501 : memref<1x1x1x8x128xf32, #tpu.memory_space<hbm>> -> memref<8x128xf32, #tpu.memory_space<hbm>>
      %dma_start3A_503 = arith.constant 56 : i32
      %dma_start3A_504 = arith.constant 0 : i32
      %dma_start3A_505 = tpu.memref_slice %arg9[%dma_start3A_489, %dma_start3A_503, %dma_start3A_504] : memref<2x64x128xf32, #tpu.memory_space<vmem>> -> memref<1x8x128xf32, #tpu.memory_space<vmem>>
      %dma_start3A_506 = tpu.memref_squeeze %dma_start3A_505 : memref<1x8x128xf32, #tpu.memory_space<vmem>> -> memref<8x128xf32, #tpu.memory_space<vmem>>
      tpu.enqueue_dma source(%dma_start3A_506 : memref<8x128xf32, #tpu.memory_space<vmem>>) target(%dma_start3A_502 : memref<8x128xf32, #tpu.memory_space<hbm>>) target_semaphore(%arg12 : memref<!tpu.dma_semaphore, #tpu.memory_space<semaphore_mem>>)
      %add3A_507 = arith.constant 2 : i32
      %add3A_508 = arith.addi %add3A_344, %add3A_507 : i32
      %lt3A = arith.constant 50 : i32
      %lt3A_509 = arith.cmpi slt, %add3A_508, %lt3A : i32
      %convert_element_type3A_510 = arith.extui %lt3A_509 : i1 to i32
      %cond3A_511 = arith.constant 0 : i32
      %cond3A_512 = arith.cmpi ne, %convert_element_type3A_510, %cond3A_511 : i32
      scf.if %cond3A_512 {
        %dma_start3A_690 = arith.constant 0 : i32
        %dma_start3A_691 = arith.constant 0 : i32
        %dma_start3A_692 = arith.constant 0 : i32
        %dma_start3A_693 = tpu.memref_slice %arg7[%dma_start3A_690, %dma_start3A_691, %dma_start3A_692] : memref<2x128x64xf32, #tpu.memory_space<vmem>> -> memref<1x128x64xf32, #tpu.memory_space<vmem>>
        %dma_start3A_694 = tpu.memref_squeeze %dma_start3A_693 : memref<1x128x64xf32, #tpu.memory_space<vmem>> -> memref<128x64xf32, #tpu.memory_space<vmem>>
        %dma_start3A_695 = arith.constant 0 : i32
        %dma_start3A_696 = tpu.memref_slice %arg6[%add3A_508, %dma_start3A_695] : memref<50x128xi32, #tpu.memory_space<vmem>> -> memref<1x128xi32, #tpu.memory_space<vmem>>
        %dma_start3A_697 = tpu.memref_squeeze %dma_start3A_696 : memref<1x128xi32, #tpu.memory_space<vmem>> -> memref<128xi32, #tpu.memory_space<vmem>>
        %dma_start3A_698 = arith.constant 0 : i32
        %dma_start3A_699 = arith.constant 0 : i32
        %dma_start3A_700 = tpu.memref_slice %arg2[%dma_start3A_698, %dma_start3A_699] : memref<1000000x64xf32, #tpu.memory_space<hbm>> -> memref<1000000x64xf32, #tpu.memory_space<hbm>>
        tpu.enqueue_indirect_dma source(%dma_start3A_700 : memref<1000000x64xf32, #tpu.memory_space<hbm>>) target(%dma_start3A_694 : memref<128x64xf32, #tpu.memory_space<vmem>>) offsets(%dma_start3A_697 : memref<128xi32, #tpu.memory_space<vmem>>) semaphore(%arg10 : memref<!tpu.dma_semaphore, #tpu.memory_space<semaphore_mem>>)
      } else {
      }
      %mul3A_513 = arith.constant 2 : i32
      %mul3A_514 = arith.muli %scan3A_340, %mul3A_513 : i32
      %add3A_515 = arith.constant 1 : i32
      %add3A_516 = arith.addi %mul3A_514, %add3A_515 : i32
      %dma_wait3A_517 = arith.constant 1 : i32
      %dma_wait3A_518 = arith.constant 0 : i32
      %dma_wait3A_519 = arith.constant 0 : i32
      %dma_wait3A_520 = tpu.memref_slice %arg7[%dma_wait3A_517, %dma_wait3A_518, %dma_wait3A_519] : memref<2x128x64xf32, #tpu.memory_space<vmem>> -> memref<1x128x64xf32, #tpu.memory_space<vmem>>
      %dma_wait3A_521 = tpu.memref_squeeze %dma_wait3A_520 : memref<1x128x64xf32, #tpu.memory_space<vmem>> -> memref<128x64xf32, #tpu.memory_space<vmem>>
      %dma_wait3A_522 = arith.constant 0 : i32
      %dma_wait3A_523 = tpu.memref_slice %arg6[%add3A_516, %dma_wait3A_522] : memref<50x128xi32, #tpu.memory_space<vmem>> -> memref<1x128xi32, #tpu.memory_space<vmem>>
      %dma_wait3A_524 = tpu.memref_squeeze %dma_wait3A_523 : memref<1x128xi32, #tpu.memory_space<vmem>> -> memref<128xi32, #tpu.memory_space<vmem>>
      %dma_wait3A_525 = arith.constant 0 : i32
      %dma_wait3A_526 = arith.constant 0 : i32
      %dma_wait3A_527 = tpu.memref_slice %arg2[%dma_wait3A_525, %dma_wait3A_526] : memref<1000000x64xf32, #tpu.memory_space<hbm>> -> memref<1000000x64xf32, #tpu.memory_space<hbm>>
      tpu.wait_indirect_dma semaphore(%arg11 : memref<!tpu.dma_semaphore, #tpu.memory_space<semaphore_mem>>) src(%dma_wait3A_527 : memref<1000000x64xf32, #tpu.memory_space<hbm>>) dst(%dma_wait3A_521 : memref<128x64xf32, #tpu.memory_space<vmem>>)
      %ge3A_528 = arith.constant 2 : i32
      %ge3A_529 = arith.cmpi sge, %add3A_516, %ge3A_528 : i32
      %convert_element_type3A_530 = arith.extui %ge3A_529 : i1 to i32
      %cond3A_531 = arith.constant 0 : i32
      %cond3A_532 = arith.cmpi ne, %convert_element_type3A_530, %cond3A_531 : i32
      scf.if %cond3A_532 {
        %sub3A = arith.constant 2 : i32
        %sub3A_690 = arith.subi %add3A_516, %sub3A : i32
        %dma_wait3A_691 = arith.constant 1 : i32
        %dma_wait3A_692 = arith.constant 0 : i32
        %dma_wait3A_693 = arith.constant 0 : i32
        %dma_wait3A_694 = arith.constant 0 : i32
        %dma_wait3A_695 = tpu.memref_slice %arg9[%dma_wait3A_691, %dma_wait3A_693, %dma_wait3A_694] : memref<2x64x128xf32, #tpu.memory_space<vmem>> -> memref<1x8x128xf32, #tpu.memory_space<vmem>>
        %dma_wait3A_696 = tpu.memref_squeeze %dma_wait3A_695 : memref<1x8x128xf32, #tpu.memory_space<vmem>> -> memref<8x128xf32, #tpu.memory_space<vmem>>
        %dma_wait3A_697 = arith.constant 0 : i32
        %dma_wait3A_698 = arith.constant 0 : i32
        %dma_wait3A_699 = tpu.memref_slice %arg4[%sub3A_690, %dma_wait3A_692, %add3A, %dma_wait3A_697, %dma_wait3A_698] : memref<50x8x32x8x128xf32, #tpu.memory_space<hbm>> -> memref<1x1x1x8x128xf32, #tpu.memory_space<hbm>>
        %dma_wait3A_700 = tpu.memref_squeeze %dma_wait3A_699 : memref<1x1x1x8x128xf32, #tpu.memory_space<hbm>> -> memref<8x128xf32, #tpu.memory_space<hbm>>
        %dma_wait3A_701 = arith.constant 0 : i32
        %dma_wait3A_702 = arith.constant 0 : i32
        %dma_wait3A_703 = tpu.memref_slice %arg4[%sub3A_690, %dma_wait3A_692, %add3A, %dma_wait3A_701, %dma_wait3A_702] : memref<50x8x32x8x128xf32, #tpu.memory_space<hbm>> -> memref<1x1x1x8x128xf32, #tpu.memory_space<hbm>>
        %dma_wait3A_704 = tpu.memref_squeeze %dma_wait3A_703 : memref<1x1x1x8x128xf32, #tpu.memory_space<hbm>> -> memref<8x128xf32, #tpu.memory_space<hbm>>
        %dma_wait3A_705 = arith.constant 0 : i32
        %dma_wait3A_706 = arith.constant 0 : i32
        %dma_wait3A_707 = tpu.memref_slice %arg9[%dma_wait3A_691, %dma_wait3A_705, %dma_wait3A_706] : memref<2x64x128xf32, #tpu.memory_space<vmem>> -> memref<1x8x128xf32, #tpu.memory_space<vmem>>
        %dma_wait3A_708 = tpu.memref_squeeze %dma_wait3A_707 : memref<1x8x128xf32, #tpu.memory_space<vmem>> -> memref<8x128xf32, #tpu.memory_space<vmem>>
        tpu.wait_dma2 semaphore(%arg13 : memref<!tpu.dma_semaphore, #tpu.memory_space<semaphore_mem>>) src(%dma_wait3A_708 : memref<8x128xf32, #tpu.memory_space<vmem>>) dst(%dma_wait3A_704 : memref<8x128xf32, #tpu.memory_space<hbm>>)
        %dma_wait3A_709 = arith.constant 1 : i32
        %dma_wait3A_710 = arith.constant 1 : i32
        %dma_wait3A_711 = arith.constant 8 : i32
        %dma_wait3A_712 = arith.constant 0 : i32
        %dma_wait3A_713 = tpu.memref_slice %arg9[%dma_wait3A_709, %dma_wait3A_711, %dma_wait3A_712] : memref<2x64x128xf32, #tpu.memory_space<vmem>> -> memref<1x8x128xf32, #tpu.memory_space<vmem>>
        %dma_wait3A_714 = tpu.memref_squeeze %dma_wait3A_713 : memref<1x8x128xf32, #tpu.memory_space<vmem>> -> memref<8x128xf32, #tpu.memory_space<vmem>>
        %dma_wait3A_715 = arith.constant 0 : i32
        %dma_wait3A_716 = arith.constant 0 : i32
        %dma_wait3A_717 = tpu.memref_slice %arg4[%sub3A_690, %dma_wait3A_710, %add3A, %dma_wait3A_715, %dma_wait3A_716] : memref<50x8x32x8x128xf32, #tpu.memory_space<hbm>> -> memref<1x1x1x8x128xf32, #tpu.memory_space<hbm>>
        %dma_wait3A_718 = tpu.memref_squeeze %dma_wait3A_717 : memref<1x1x1x8x128xf32, #tpu.memory_space<hbm>> -> memref<8x128xf32, #tpu.memory_space<hbm>>
        %dma_wait3A_719 = arith.constant 0 : i32
        %dma_wait3A_720 = arith.constant 0 : i32
        %dma_wait3A_721 = tpu.memref_slice %arg4[%sub3A_690, %dma_wait3A_710, %add3A, %dma_wait3A_719, %dma_wait3A_720] : memref<50x8x32x8x128xf32, #tpu.memory_space<hbm>> -> memref<1x1x1x8x128xf32, #tpu.memory_space<hbm>>
        %dma_wait3A_722 = tpu.memref_squeeze %dma_wait3A_721 : memref<1x1x1x8x128xf32, #tpu.memory_space<hbm>> -> memref<8x128xf32, #tpu.memory_space<hbm>>
        %dma_wait3A_723 = arith.constant 8 : i32
        %dma_wait3A_724 = arith.constant 0 : i32
        %dma_wait3A_725 = tpu.memref_slice %arg9[%dma_wait3A_709, %dma_wait3A_723, %dma_wait3A_724] : memref<2x64x128xf32, #tpu.memory_space<vmem>> -> memref<1x8x128xf32, #tpu.memory_space<vmem>>
        %dma_wait3A_726 = tpu.memref_squeeze %dma_wait3A_725 : memref<1x8x128xf32, #tpu.memory_space<vmem>> -> memref<8x128xf32, #tpu.memory_space<vmem>>
        tpu.wait_dma2 semaphore(%arg13 : memref<!tpu.dma_semaphore, #tpu.memory_space<semaphore_mem>>) src(%dma_wait3A_726 : memref<8x128xf32, #tpu.memory_space<vmem>>) dst(%dma_wait3A_722 : memref<8x128xf32, #tpu.memory_space<hbm>>)
        %dma_wait3A_727 = arith.constant 1 : i32
        %dma_wait3A_728 = arith.constant 2 : i32
        %dma_wait3A_729 = arith.constant 16 : i32
        %dma_wait3A_730 = arith.constant 0 : i32
        %dma_wait3A_731 = tpu.memref_slice %arg9[%dma_wait3A_727, %dma_wait3A_729, %dma_wait3A_730] : memref<2x64x128xf32, #tpu.memory_space<vmem>> -> memref<1x8x128xf32, #tpu.memory_space<vmem>>
        %dma_wait3A_732 = tpu.memref_squeeze %dma_wait3A_731 : memref<1x8x128xf32, #tpu.memory_space<vmem>> -> memref<8x128xf32, #tpu.memory_space<vmem>>
        %dma_wait3A_733 = arith.constant 0 : i32
        %dma_wait3A_734 = arith.constant 0 : i32
        %dma_wait3A_735 = tpu.memref_slice %arg4[%sub3A_690, %dma_wait3A_728, %add3A, %dma_wait3A_733, %dma_wait3A_734] : memref<50x8x32x8x128xf32, #tpu.memory_space<hbm>> -> memref<1x1x1x8x128xf32, #tpu.memory_space<hbm>>
        %dma_wait3A_736 = tpu.memref_squeeze %dma_wait3A_735 : memref<1x1x1x8x128xf32, #tpu.memory_space<hbm>> -> memref<8x128xf32, #tpu.memory_space<hbm>>
        %dma_wait3A_737 = arith.constant 0 : i32
        %dma_wait3A_738 = arith.constant 0 : i32
        %dma_wait3A_739 = tpu.memref_slice %arg4[%sub3A_690, %dma_wait3A_728, %add3A, %dma_wait3A_737, %dma_wait3A_738] : memref<50x8x32x8x128xf32, #tpu.memory_space<hbm>> -> memref<1x1x1x8x128xf32, #tpu.memory_space<hbm>>
        %dma_wait3A_740 = tpu.memref_squeeze %dma_wait3A_739 : memref<1x1x1x8x128xf32, #tpu.memory_space<hbm>> -> memref<8x128xf32, #tpu.memory_space<hbm>>
        %dma_wait3A_741 = arith.constant 16 : i32
        %dma_wait3A_742 = arith.constant 0 : i32
        %dma_wait3A_743 = tpu.memref_slice %arg9[%dma_wait3A_727, %dma_wait3A_741, %dma_wait3A_742] : memref<2x64x128xf32, #tpu.memory_space<vmem>> -> memref<1x8x128xf32, #tpu.memory_space<vmem>>
        %dma_wait3A_744 = tpu.memref_squeeze %dma_wait3A_743 : memref<1x8x128xf32, #tpu.memory_space<vmem>> -> memref<8x128xf32, #tpu.memory_space<vmem>>
        tpu.wait_dma2 semaphore(%arg13 : memref<!tpu.dma_semaphore, #tpu.memory_space<semaphore_mem>>) src(%dma_wait3A_744 : memref<8x128xf32, #tpu.memory_space<vmem>>) dst(%dma_wait3A_740 : memref<8x128xf32, #tpu.memory_space<hbm>>)
        %dma_wait3A_745 = arith.constant 1 : i32
        %dma_wait3A_746 = arith.constant 3 : i32
        %dma_wait3A_747 = arith.constant 24 : i32
        %dma_wait3A_748 = arith.constant 0 : i32
        %dma_wait3A_749 = tpu.memref_slice %arg9[%dma_wait3A_745, %dma_wait3A_747, %dma_wait3A_748] : memref<2x64x128xf32, #tpu.memory_space<vmem>> -> memref<1x8x128xf32, #tpu.memory_space<vmem>>
        %dma_wait3A_750 = tpu.memref_squeeze %dma_wait3A_749 : memref<1x8x128xf32, #tpu.memory_space<vmem>> -> memref<8x128xf32, #tpu.memory_space<vmem>>
        %dma_wait3A_751 = arith.constant 0 : i32
        %dma_wait3A_752 = arith.constant 0 : i32
        %dma_wait3A_753 = tpu.memref_slice %arg4[%sub3A_690, %dma_wait3A_746, %add3A, %dma_wait3A_751, %dma_wait3A_752] : memref<50x8x32x8x128xf32, #tpu.memory_space<hbm>> -> memref<1x1x1x8x128xf32, #tpu.memory_space<hbm>>
        %dma_wait3A_754 = tpu.memref_squeeze %dma_wait3A_753 : memref<1x1x1x8x128xf32, #tpu.memory_space<hbm>> -> memref<8x128xf32, #tpu.memory_space<hbm>>
        %dma_wait3A_755 = arith.constant 0 : i32
        %dma_wait3A_756 = arith.constant 0 : i32
        %dma_wait3A_757 = tpu.memref_slice %arg4[%sub3A_690, %dma_wait3A_746, %add3A, %dma_wait3A_755, %dma_wait3A_756] : memref<50x8x32x8x128xf32, #tpu.memory_space<hbm>> -> memref<1x1x1x8x128xf32, #tpu.memory_space<hbm>>
        %dma_wait3A_758 = tpu.memref_squeeze %dma_wait3A_757 : memref<1x1x1x8x128xf32, #tpu.memory_space<hbm>> -> memref<8x128xf32, #tpu.memory_space<hbm>>
        %dma_wait3A_759 = arith.constant 24 : i32
        %dma_wait3A_760 = arith.constant 0 : i32
        %dma_wait3A_761 = tpu.memref_slice %arg9[%dma_wait3A_745, %dma_wait3A_759, %dma_wait3A_760] : memref<2x64x128xf32, #tpu.memory_space<vmem>> -> memref<1x8x128xf32, #tpu.memory_space<vmem>>
        %dma_wait3A_762 = tpu.memref_squeeze %dma_wait3A_761 : memref<1x8x128xf32, #tpu.memory_space<vmem>> -> memref<8x128xf32, #tpu.memory_space<vmem>>
        tpu.wait_dma2 semaphore(%arg13 : memref<!tpu.dma_semaphore, #tpu.memory_space<semaphore_mem>>) src(%dma_wait3A_762 : memref<8x128xf32, #tpu.memory_space<vmem>>) dst(%dma_wait3A_758 : memref<8x128xf32, #tpu.memory_space<hbm>>)
        %dma_wait3A_763 = arith.constant 1 : i32
        %dma_wait3A_764 = arith.constant 4 : i32
        %dma_wait3A_765 = arith.constant 32 : i32
        %dma_wait3A_766 = arith.constant 0 : i32
        %dma_wait3A_767 = tpu.memref_slice %arg9[%dma_wait3A_763, %dma_wait3A_765, %dma_wait3A_766] : memref<2x64x128xf32, #tpu.memory_space<vmem>> -> memref<1x8x128xf32, #tpu.memory_space<vmem>>
        %dma_wait3A_768 = tpu.memref_squeeze %dma_wait3A_767 : memref<1x8x128xf32, #tpu.memory_space<vmem>> -> memref<8x128xf32, #tpu.memory_space<vmem>>
        %dma_wait3A_769 = arith.constant 0 : i32
        %dma_wait3A_770 = arith.constant 0 : i32
        %dma_wait3A_771 = tpu.memref_slice %arg4[%sub3A_690, %dma_wait3A_764, %add3A, %dma_wait3A_769, %dma_wait3A_770] : memref<50x8x32x8x128xf32, #tpu.memory_space<hbm>> -> memref<1x1x1x8x128xf32, #tpu.memory_space<hbm>>
        %dma_wait3A_772 = tpu.memref_squeeze %dma_wait3A_771 : memref<1x1x1x8x128xf32, #tpu.memory_space<hbm>> -> memref<8x128xf32, #tpu.memory_space<hbm>>
        %dma_wait3A_773 = arith.constant 0 : i32
        %dma_wait3A_774 = arith.constant 0 : i32
        %dma_wait3A_775 = tpu.memref_slice %arg4[%sub3A_690, %dma_wait3A_764, %add3A, %dma_wait3A_773, %dma_wait3A_774] : memref<50x8x32x8x128xf32, #tpu.memory_space<hbm>> -> memref<1x1x1x8x128xf32, #tpu.memory_space<hbm>>
        %dma_wait3A_776 = tpu.memref_squeeze %dma_wait3A_775 : memref<1x1x1x8x128xf32, #tpu.memory_space<hbm>> -> memref<8x128xf32, #tpu.memory_space<hbm>>
        %dma_wait3A_777 = arith.constant 32 : i32
        %dma_wait3A_778 = arith.constant 0 : i32
        %dma_wait3A_779 = tpu.memref_slice %arg9[%dma_wait3A_763, %dma_wait3A_777, %dma_wait3A_778] : memref<2x64x128xf32, #tpu.memory_space<vmem>> -> memref<1x8x128xf32, #tpu.memory_space<vmem>>
        %dma_wait3A_780 = tpu.memref_squeeze %dma_wait3A_779 : memref<1x8x128xf32, #tpu.memory_space<vmem>> -> memref<8x128xf32, #tpu.memory_space<vmem>>
        tpu.wait_dma2 semaphore(%arg13 : memref<!tpu.dma_semaphore, #tpu.memory_space<semaphore_mem>>) src(%dma_wait3A_780 : memref<8x128xf32, #tpu.memory_space<vmem>>) dst(%dma_wait3A_776 : memref<8x128xf32, #tpu.memory_space<hbm>>)
        %dma_wait3A_781 = arith.constant 1 : i32
        %dma_wait3A_782 = arith.constant 5 : i32
        %dma_wait3A_783 = arith.constant 40 : i32
        %dma_wait3A_784 = arith.constant 0 : i32
        %dma_wait3A_785 = tpu.memref_slice %arg9[%dma_wait3A_781, %dma_wait3A_783, %dma_wait3A_784] : memref<2x64x128xf32, #tpu.memory_space<vmem>> -> memref<1x8x128xf32, #tpu.memory_space<vmem>>
        %dma_wait3A_786 = tpu.memref_squeeze %dma_wait3A_785 : memref<1x8x128xf32, #tpu.memory_space<vmem>> -> memref<8x128xf32, #tpu.memory_space<vmem>>
        %dma_wait3A_787 = arith.constant 0 : i32
        %dma_wait3A_788 = arith.constant 0 : i32
        %dma_wait3A_789 = tpu.memref_slice %arg4[%sub3A_690, %dma_wait3A_782, %add3A, %dma_wait3A_787, %dma_wait3A_788] : memref<50x8x32x8x128xf32, #tpu.memory_space<hbm>> -> memref<1x1x1x8x128xf32, #tpu.memory_space<hbm>>
        %dma_wait3A_790 = tpu.memref_squeeze %dma_wait3A_789 : memref<1x1x1x8x128xf32, #tpu.memory_space<hbm>> -> memref<8x128xf32, #tpu.memory_space<hbm>>
        %dma_wait3A_791 = arith.constant 0 : i32
        %dma_wait3A_792 = arith.constant 0 : i32
        %dma_wait3A_793 = tpu.memref_slice %arg4[%sub3A_690, %dma_wait3A_782, %add3A, %dma_wait3A_791, %dma_wait3A_792] : memref<50x8x32x8x128xf32, #tpu.memory_space<hbm>> -> memref<1x1x1x8x128xf32, #tpu.memory_space<hbm>>
        %dma_wait3A_794 = tpu.memref_squeeze %dma_wait3A_793 : memref<1x1x1x8x128xf32, #tpu.memory_space<hbm>> -> memref<8x128xf32, #tpu.memory_space<hbm>>
        %dma_wait3A_795 = arith.constant 40 : i32
        %dma_wait3A_796 = arith.constant 0 : i32
        %dma_wait3A_797 = tpu.memref_slice %arg9[%dma_wait3A_781, %dma_wait3A_795, %dma_wait3A_796] : memref<2x64x128xf32, #tpu.memory_space<vmem>> -> memref<1x8x128xf32, #tpu.memory_space<vmem>>
        %dma_wait3A_798 = tpu.memref_squeeze %dma_wait3A_797 : memref<1x8x128xf32, #tpu.memory_space<vmem>> -> memref<8x128xf32, #tpu.memory_space<vmem>>
        tpu.wait_dma2 semaphore(%arg13 : memref<!tpu.dma_semaphore, #tpu.memory_space<semaphore_mem>>) src(%dma_wait3A_798 : memref<8x128xf32, #tpu.memory_space<vmem>>) dst(%dma_wait3A_794 : memref<8x128xf32, #tpu.memory_space<hbm>>)
        %dma_wait3A_799 = arith.constant 1 : i32
        %dma_wait3A_800 = arith.constant 6 : i32
        %dma_wait3A_801 = arith.constant 48 : i32
        %dma_wait3A_802 = arith.constant 0 : i32
        %dma_wait3A_803 = tpu.memref_slice %arg9[%dma_wait3A_799, %dma_wait3A_801, %dma_wait3A_802] : memref<2x64x128xf32, #tpu.memory_space<vmem>> -> memref<1x8x128xf32, #tpu.memory_space<vmem>>
        %dma_wait3A_804 = tpu.memref_squeeze %dma_wait3A_803 : memref<1x8x128xf32, #tpu.memory_space<vmem>> -> memref<8x128xf32, #tpu.memory_space<vmem>>
        %dma_wait3A_805 = arith.constant 0 : i32
        %dma_wait3A_806 = arith.constant 0 : i32
        %dma_wait3A_807 = tpu.memref_slice %arg4[%sub3A_690, %dma_wait3A_800, %add3A, %dma_wait3A_805, %dma_wait3A_806] : memref<50x8x32x8x128xf32, #tpu.memory_space<hbm>> -> memref<1x1x1x8x128xf32, #tpu.memory_space<hbm>>
        %dma_wait3A_808 = tpu.memref_squeeze %dma_wait3A_807 : memref<1x1x1x8x128xf32, #tpu.memory_space<hbm>> -> memref<8x128xf32, #tpu.memory_space<hbm>>
        %dma_wait3A_809 = arith.constant 0 : i32
        %dma_wait3A_810 = arith.constant 0 : i32
        %dma_wait3A_811 = tpu.memref_slice %arg4[%sub3A_690, %dma_wait3A_800, %add3A, %dma_wait3A_809, %dma_wait3A_810] : memref<50x8x32x8x128xf32, #tpu.memory_space<hbm>> -> memref<1x1x1x8x128xf32, #tpu.memory_space<hbm>>
        %dma_wait3A_812 = tpu.memref_squeeze %dma_wait3A_811 : memref<1x1x1x8x128xf32, #tpu.memory_space<hbm>> -> memref<8x128xf32, #tpu.memory_space<hbm>>
        %dma_wait3A_813 = arith.constant 48 : i32
        %dma_wait3A_814 = arith.constant 0 : i32
        %dma_wait3A_815 = tpu.memref_slice %arg9[%dma_wait3A_799, %dma_wait3A_813, %dma_wait3A_814] : memref<2x64x128xf32, #tpu.memory_space<vmem>> -> memref<1x8x128xf32, #tpu.memory_space<vmem>>
        %dma_wait3A_816 = tpu.memref_squeeze %dma_wait3A_815 : memref<1x8x128xf32, #tpu.memory_space<vmem>> -> memref<8x128xf32, #tpu.memory_space<vmem>>
        tpu.wait_dma2 semaphore(%arg13 : memref<!tpu.dma_semaphore, #tpu.memory_space<semaphore_mem>>) src(%dma_wait3A_816 : memref<8x128xf32, #tpu.memory_space<vmem>>) dst(%dma_wait3A_812 : memref<8x128xf32, #tpu.memory_space<hbm>>)
        %dma_wait3A_817 = arith.constant 1 : i32
        %dma_wait3A_818 = arith.constant 7 : i32
        %dma_wait3A_819 = arith.constant 56 : i32
        %dma_wait3A_820 = arith.constant 0 : i32
        %dma_wait3A_821 = tpu.memref_slice %arg9[%dma_wait3A_817, %dma_wait3A_819, %dma_wait3A_820] : memref<2x64x128xf32, #tpu.memory_space<vmem>> -> memref<1x8x128xf32, #tpu.memory_space<vmem>>
        %dma_wait3A_822 = tpu.memref_squeeze %dma_wait3A_821 : memref<1x8x128xf32, #tpu.memory_space<vmem>> -> memref<8x128xf32, #tpu.memory_space<vmem>>
        %dma_wait3A_823 = arith.constant 0 : i32
        %dma_wait3A_824 = arith.constant 0 : i32
        %dma_wait3A_825 = tpu.memref_slice %arg4[%sub3A_690, %dma_wait3A_818, %add3A, %dma_wait3A_823, %dma_wait3A_824] : memref<50x8x32x8x128xf32, #tpu.memory_space<hbm>> -> memref<1x1x1x8x128xf32, #tpu.memory_space<hbm>>
        %dma_wait3A_826 = tpu.memref_squeeze %dma_wait3A_825 : memref<1x1x1x8x128xf32, #tpu.memory_space<hbm>> -> memref<8x128xf32, #tpu.memory_space<hbm>>
        %dma_wait3A_827 = arith.constant 0 : i32
        %dma_wait3A_828 = arith.constant 0 : i32
        %dma_wait3A_829 = tpu.memref_slice %arg4[%sub3A_690, %dma_wait3A_818, %add3A, %dma_wait3A_827, %dma_wait3A_828] : memref<50x8x32x8x128xf32, #tpu.memory_space<hbm>> -> memref<1x1x1x8x128xf32, #tpu.memory_space<hbm>>
        %dma_wait3A_830 = tpu.memref_squeeze %dma_wait3A_829 : memref<1x1x1x8x128xf32, #tpu.memory_space<hbm>> -> memref<8x128xf32, #tpu.memory_space<hbm>>
        %dma_wait3A_831 = arith.constant 56 : i32
        %dma_wait3A_832 = arith.constant 0 : i32
        %dma_wait3A_833 = tpu.memref_slice %arg9[%dma_wait3A_817, %dma_wait3A_831, %dma_wait3A_832] : memref<2x64x128xf32, #tpu.memory_space<vmem>> -> memref<1x8x128xf32, #tpu.memory_space<vmem>>
        %dma_wait3A_834 = tpu.memref_squeeze %dma_wait3A_833 : memref<1x8x128xf32, #tpu.memory_space<vmem>> -> memref<8x128xf32, #tpu.memory_space<vmem>>
        tpu.wait_dma2 semaphore(%arg13 : memref<!tpu.dma_semaphore, #tpu.memory_space<semaphore_mem>>) src(%dma_wait3A_834 : memref<8x128xf32, #tpu.memory_space<vmem>>) dst(%dma_wait3A_830 : memref<8x128xf32, #tpu.memory_space<hbm>>)
      } else {
      }
      %parallel_loop3A_533 = arith.constant 0 : i32
      %parallel_loop3A_534 = arith.constant 128 : i32
      %parallel_loop3A_535 = arith.constant 1 : i32
      scf.for %parallel_loop3A_690 = %parallel_loop3A_533 to %parallel_loop3A_534 step %parallel_loop3A_535  : i32 {
        %parallel_loop3A_691 = arith.constant 1 : i32
        %parallel_loop3A_692 = arith.index_cast %parallel_loop3A_691 : i32 to index
        %parallel_loop3A_693 = arith.index_cast %parallel_loop3A_690 : i32 to index
        %parallel_loop3A_694 = arith.constant 0 : index
        %parallel_loop3A_695 = tpu.vector_load %arg7[%parallel_loop3A_692, %parallel_loop3A_693, %parallel_loop3A_694] {strides = array<i32>} : memref<2x128x64xf32, #tpu.memory_space<vmem>>, vector<16xf32>,
        %parallel_loop3A_696 = arith.constant 1 : i32
        %parallel_loop3A_697 = arith.index_cast %parallel_loop3A_696 : i32 to index
        %parallel_loop3A_698 = arith.index_cast %parallel_loop3A_690 : i32 to index
        %parallel_loop3A_699 = arith.constant 0 : index
        %parallel_loop3A_700 = tpu.vector_load %arg8[%parallel_loop3A_697, %parallel_loop3A_698, %parallel_loop3A_699] {strides = array<i32>} : memref<2x128x65xf32, #tpu.memory_space<vmem>>, vector<16xf32>,
        tpu.vector_store %arg8[%parallel_loop3A_697, %parallel_loop3A_698, %parallel_loop3A_699], %parallel_loop3A_695 {strides = array<i32>} : memref<2x128x65xf32, #tpu.memory_space<vmem>>, vector<16xf32>,
        %parallel_loop3A_701 = arith.constant 1 : i32
        %parallel_loop3A_702 = arith.index_cast %parallel_loop3A_701 : i32 to index
        %parallel_loop3A_703 = arith.index_cast %parallel_loop3A_690 : i32 to index
        %parallel_loop3A_704 = arith.constant 16 : index
        %parallel_loop3A_705 = tpu.vector_load %arg7[%parallel_loop3A_702, %parallel_loop3A_703, %parallel_loop3A_704] {strides = array<i32>} : memref<2x128x64xf32, #tpu.memory_space<vmem>>, vector<16xf32>,
        %parallel_loop3A_706 = arith.constant 1 : i32
        %parallel_loop3A_707 = arith.index_cast %parallel_loop3A_706 : i32 to index
        %parallel_loop3A_708 = arith.index_cast %parallel_loop3A_690 : i32 to index
        %parallel_loop3A_709 = arith.constant 16 : index
        %parallel_loop3A_710 = tpu.vector_load %arg8[%parallel_loop3A_707, %parallel_loop3A_708, %parallel_loop3A_709] {strides = array<i32>} : memref<2x128x65xf32, #tpu.memory_space<vmem>>, vector<16xf32>,
        tpu.vector_store %arg8[%parallel_loop3A_707, %parallel_loop3A_708, %parallel_loop3A_709], %parallel_loop3A_705 {strides = array<i32>} : memref<2x128x65xf32, #tpu.memory_space<vmem>>, vector<16xf32>,
        %parallel_loop3A_711 = arith.constant 1 : i32
        %parallel_loop3A_712 = arith.index_cast %parallel_loop3A_711 : i32 to index
        %parallel_loop3A_713 = arith.index_cast %parallel_loop3A_690 : i32 to index
        %parallel_loop3A_714 = arith.constant 32 : index
        %parallel_loop3A_715 = tpu.vector_load %arg7[%parallel_loop3A_712, %parallel_loop3A_713, %parallel_loop3A_714] {strides = array<i32>} : memref<2x128x64xf32, #tpu.memory_space<vmem>>, vector<16xf32>,
        %parallel_loop3A_716 = arith.constant 1 : i32
        %parallel_loop3A_717 = arith.index_cast %parallel_loop3A_716 : i32 to index
        %parallel_loop3A_718 = arith.index_cast %parallel_loop3A_690 : i32 to index
        %parallel_loop3A_719 = arith.constant 32 : index
        %parallel_loop3A_720 = tpu.vector_load %arg8[%parallel_loop3A_717, %parallel_loop3A_718, %parallel_loop3A_719] {strides = array<i32>} : memref<2x128x65xf32, #tpu.memory_space<vmem>>, vector<16xf32>,
        tpu.vector_store %arg8[%parallel_loop3A_717, %parallel_loop3A_718, %parallel_loop3A_719], %parallel_loop3A_715 {strides = array<i32>} : memref<2x128x65xf32, #tpu.memory_space<vmem>>, vector<16xf32>,
        %parallel_loop3A_721 = arith.constant 1 : i32
        %parallel_loop3A_722 = arith.index_cast %parallel_loop3A_721 : i32 to index
        %parallel_loop3A_723 = arith.index_cast %parallel_loop3A_690 : i32 to index
        %parallel_loop3A_724 = arith.constant 48 : index
        %parallel_loop3A_725 = tpu.vector_load %arg7[%parallel_loop3A_722, %parallel_loop3A_723, %parallel_loop3A_724] {strides = array<i32>} : memref<2x128x64xf32, #tpu.memory_space<vmem>>, vector<16xf32>,
        %parallel_loop3A_726 = arith.constant 1 : i32
        %parallel_loop3A_727 = arith.index_cast %parallel_loop3A_726 : i32 to index
        %parallel_loop3A_728 = arith.index_cast %parallel_loop3A_690 : i32 to index
        %parallel_loop3A_729 = arith.constant 48 : index
        %parallel_loop3A_730 = tpu.vector_load %arg8[%parallel_loop3A_727, %parallel_loop3A_728, %parallel_loop3A_729] {strides = array<i32>} : memref<2x128x65xf32, #tpu.memory_space<vmem>>, vector<16xf32>,
        tpu.vector_store %arg8[%parallel_loop3A_727, %parallel_loop3A_728, %parallel_loop3A_729], %parallel_loop3A_725 {strides = array<i32>} : memref<2x128x65xf32, #tpu.memory_space<vmem>>, vector<16xf32>,
      } {sc.loop_unroll_factor = 8 : i64, sc.parallel_access}
      %parallel_loop3A_536 = arith.constant 0 : i32
      %parallel_loop3A_537 = arith.constant 64 : i32
      %parallel_loop3A_538 = arith.constant 1 : i32
      scf.for %parallel_loop3A_690 = %parallel_loop3A_536 to %parallel_loop3A_537 step %parallel_loop3A_538  : i32 {
        %parallel_loop3A_691 = arith.constant 0 : i32
        %parallel_loop3A_692 = vector.broadcast %parallel_loop3A_691 : i32 to vector<16xi32>
        %parallel_loop3A_693 = arith.addi %iota3A, %parallel_loop3A_692 : vector<16xi32>
        %parallel_loop3A_694 = arith.constant 0 : i32
        %parallel_loop3A_695 = vector.broadcast %parallel_loop3A_694 : i32 to vector<16xi32>
        %parallel_loop3A_696 = vector.broadcast %parallel_loop3A_690 : i32 to vector<16xi32>
        %parallel_loop3A_697 = arith.addi %parallel_loop3A_695, %parallel_loop3A_696 : vector<16xi32>
        %parallel_loop3A_698 = arith.constant 1 : i32
        %parallel_loop3A_699 = arith.constant 0 : i32
        %parallel_loop3A_700 = arith.constant 0 : i32
        %parallel_loop3A_701 = tpu.memref_slice %arg8[%parallel_loop3A_698, %parallel_loop3A_699, %parallel_loop3A_700] : memref<2x128x65xf32, #tpu.memory_space<vmem>> -> memref<1x128x65xf32, #tpu.memory_space<vmem>>
        %parallel_loop3A_702 = tpu.memref_squeeze %parallel_loop3A_701 : memref<1x128x65xf32, #tpu.memory_space<vmem>> -> memref<128x65xf32, #tpu.memory_space<vmem>>
        %parallel_loop3A_703 = tpu.vector_load_idx %parallel_loop3A_702[%parallel_loop3A_693, %parallel_loop3A_697] : memref<128x65xf32, #tpu.memory_space<vmem>>[vector<16xi32>, vector<16xi32>], vector<16xf32>,
        %parallel_loop3A_704 = arith.constant 1 : i32
        %parallel_loop3A_705 = arith.index_cast %parallel_loop3A_704 : i32 to index
        %parallel_loop3A_706 = arith.index_cast %parallel_loop3A_690 : i32 to index
        %parallel_loop3A_707 = arith.constant 0 : index
        %parallel_loop3A_708 = tpu.vector_load %arg9[%parallel_loop3A_705, %parallel_loop3A_706, %parallel_loop3A_707] {strides = array<i32>} : memref<2x64x128xf32, #tpu.memory_space<vmem>>, vector<16xf32>,
        tpu.vector_store %arg9[%parallel_loop3A_705, %parallel_loop3A_706, %parallel_loop3A_707], %parallel_loop3A_703 {strides = array<i32>} : memref<2x64x128xf32, #tpu.memory_space<vmem>>, vector<16xf32>,
        %parallel_loop3A_709 = arith.constant 16 : i32
        %parallel_loop3A_710 = vector.broadcast %parallel_loop3A_709 : i32 to vector<16xi32>
        %parallel_loop3A_711 = arith.addi %iota3A, %parallel_loop3A_710 : vector<16xi32>
        %parallel_loop3A_712 = arith.constant 0 : i32
        %parallel_loop3A_713 = vector.broadcast %parallel_loop3A_712 : i32 to vector<16xi32>
        %parallel_loop3A_714 = vector.broadcast %parallel_loop3A_690 : i32 to vector<16xi32>
        %parallel_loop3A_715 = arith.addi %parallel_loop3A_713, %parallel_loop3A_714 : vector<16xi32>
        %parallel_loop3A_716 = arith.constant 1 : i32
        %parallel_loop3A_717 = arith.constant 0 : i32
        %parallel_loop3A_718 = arith.constant 0 : i32
        %parallel_loop3A_719 = tpu.memref_slice %arg8[%parallel_loop3A_716, %parallel_loop3A_717, %parallel_loop3A_718] : memref<2x128x65xf32, #tpu.memory_space<vmem>> -> memref<1x128x65xf32, #tpu.memory_space<vmem>>
        %parallel_loop3A_720 = tpu.memref_squeeze %parallel_loop3A_719 : memref<1x128x65xf32, #tpu.memory_space<vmem>> -> memref<128x65xf32, #tpu.memory_space<vmem>>
        %parallel_loop3A_721 = tpu.vector_load_idx %parallel_loop3A_720[%parallel_loop3A_711, %parallel_loop3A_715] : memref<128x65xf32, #tpu.memory_space<vmem>>[vector<16xi32>, vector<16xi32>], vector<16xf32>,
        %parallel_loop3A_722 = arith.constant 1 : i32
        %parallel_loop3A_723 = arith.index_cast %parallel_loop3A_722 : i32 to index
        %parallel_loop3A_724 = arith.index_cast %parallel_loop3A_690 : i32 to index
        %parallel_loop3A_725 = arith.constant 16 : index
        %parallel_loop3A_726 = tpu.vector_load %arg9[%parallel_loop3A_723, %parallel_loop3A_724, %parallel_loop3A_725] {strides = array<i32>} : memref<2x64x128xf32, #tpu.memory_space<vmem>>, vector<16xf32>,
        tpu.vector_store %arg9[%parallel_loop3A_723, %parallel_loop3A_724, %parallel_loop3A_725], %parallel_loop3A_721 {strides = array<i32>} : memref<2x64x128xf32, #tpu.memory_space<vmem>>, vector<16xf32>,
        %parallel_loop3A_727 = arith.constant 32 : i32
        %parallel_loop3A_728 = vector.broadcast %parallel_loop3A_727 : i32 to vector<16xi32>
        %parallel_loop3A_729 = arith.addi %iota3A, %parallel_loop3A_728 : vector<16xi32>
        %parallel_loop3A_730 = arith.constant 0 : i32
        %parallel_loop3A_731 = vector.broadcast %parallel_loop3A_730 : i32 to vector<16xi32>
        %parallel_loop3A_732 = vector.broadcast %parallel_loop3A_690 : i32 to vector<16xi32>
        %parallel_loop3A_733 = arith.addi %parallel_loop3A_731, %parallel_loop3A_732 : vector<16xi32>
        %parallel_loop3A_734 = arith.constant 1 : i32
        %parallel_loop3A_735 = arith.constant 0 : i32
        %parallel_loop3A_736 = arith.constant 0 : i32
        %parallel_loop3A_737 = tpu.memref_slice %arg8[%parallel_loop3A_734, %parallel_loop3A_735, %parallel_loop3A_736] : memref<2x128x65xf32, #tpu.memory_space<vmem>> -> memref<1x128x65xf32, #tpu.memory_space<vmem>>
        %parallel_loop3A_738 = tpu.memref_squeeze %parallel_loop3A_737 : memref<1x128x65xf32, #tpu.memory_space<vmem>> -> memref<128x65xf32, #tpu.memory_space<vmem>>
        %parallel_loop3A_739 = tpu.vector_load_idx %parallel_loop3A_738[%parallel_loop3A_729, %parallel_loop3A_733] : memref<128x65xf32, #tpu.memory_space<vmem>>[vector<16xi32>, vector<16xi32>], vector<16xf32>,
        %parallel_loop3A_740 = arith.constant 1 : i32
        %parallel_loop3A_741 = arith.index_cast %parallel_loop3A_740 : i32 to index
        %parallel_loop3A_742 = arith.index_cast %parallel_loop3A_690 : i32 to index
        %parallel_loop3A_743 = arith.constant 32 : index
        %parallel_loop3A_744 = tpu.vector_load %arg9[%parallel_loop3A_741, %parallel_loop3A_742, %parallel_loop3A_743] {strides = array<i32>} : memref<2x64x128xf32, #tpu.memory_space<vmem>>, vector<16xf32>,
        tpu.vector_store %arg9[%parallel_loop3A_741, %parallel_loop3A_742, %parallel_loop3A_743], %parallel_loop3A_739 {strides = array<i32>} : memref<2x64x128xf32, #tpu.memory_space<vmem>>, vector<16xf32>,
        %parallel_loop3A_745 = arith.constant 48 : i32
        %parallel_loop3A_746 = vector.broadcast %parallel_loop3A_745 : i32 to vector<16xi32>
        %parallel_loop3A_747 = arith.addi %iota3A, %parallel_loop3A_746 : vector<16xi32>
        %parallel_loop3A_748 = arith.constant 0 : i32
        %parallel_loop3A_749 = vector.broadcast %parallel_loop3A_748 : i32 to vector<16xi32>
        %parallel_loop3A_750 = vector.broadcast %parallel_loop3A_690 : i32 to vector<16xi32>
        %parallel_loop3A_751 = arith.addi %parallel_loop3A_749, %parallel_loop3A_750 : vector<16xi32>
        %parallel_loop3A_752 = arith.constant 1 : i32
        %parallel_loop3A_753 = arith.constant 0 : i32
        %parallel_loop3A_754 = arith.constant 0 : i32
        %parallel_loop3A_755 = tpu.memref_slice %arg8[%parallel_loop3A_752, %parallel_loop3A_753, %parallel_loop3A_754] : memref<2x128x65xf32, #tpu.memory_space<vmem>> -> memref<1x128x65xf32, #tpu.memory_space<vmem>>
        %parallel_loop3A_756 = tpu.memref_squeeze %parallel_loop3A_755 : memref<1x128x65xf32, #tpu.memory_space<vmem>> -> memref<128x65xf32, #tpu.memory_space<vmem>>
        %parallel_loop3A_757 = tpu.vector_load_idx %parallel_loop3A_756[%parallel_loop3A_747, %parallel_loop3A_751] : memref<128x65xf32, #tpu.memory_space<vmem>>[vector<16xi32>, vector<16xi32>], vector<16xf32>,
        %parallel_loop3A_758 = arith.constant 1 : i32
        %parallel_loop3A_759 = arith.index_cast %parallel_loop3A_758 : i32 to index
        %parallel_loop3A_760 = arith.index_cast %parallel_loop3A_690 : i32 to index
        %parallel_loop3A_761 = arith.constant 48 : index
        %parallel_loop3A_762 = tpu.vector_load %arg9[%parallel_loop3A_759, %parallel_loop3A_760, %parallel_loop3A_761] {strides = array<i32>} : memref<2x64x128xf32, #tpu.memory_space<vmem>>, vector<16xf32>,
        tpu.vector_store %arg9[%parallel_loop3A_759, %parallel_loop3A_760, %parallel_loop3A_761], %parallel_loop3A_757 {strides = array<i32>} : memref<2x64x128xf32, #tpu.memory_space<vmem>>, vector<16xf32>,
        %parallel_loop3A_763 = arith.constant 64 : i32
        %parallel_loop3A_764 = vector.broadcast %parallel_loop3A_763 : i32 to vector<16xi32>
        %parallel_loop3A_765 = arith.addi %iota3A, %parallel_loop3A_764 : vector<16xi32>
        %parallel_loop3A_766 = arith.constant 0 : i32
        %parallel_loop3A_767 = vector.broadcast %parallel_loop3A_766 : i32 to vector<16xi32>
        %parallel_loop3A_768 = vector.broadcast %parallel_loop3A_690 : i32 to vector<16xi32>
        %parallel_loop3A_769 = arith.addi %parallel_loop3A_767, %parallel_loop3A_768 : vector<16xi32>
        %parallel_loop3A_770 = arith.constant 1 : i32
        %parallel_loop3A_771 = arith.constant 0 : i32
        %parallel_loop3A_772 = arith.constant 0 : i32
        %parallel_loop3A_773 = tpu.memref_slice %arg8[%parallel_loop3A_770, %parallel_loop3A_771, %parallel_loop3A_772] : memref<2x128x65xf32, #tpu.memory_space<vmem>> -> memref<1x128x65xf32, #tpu.memory_space<vmem>>
        %parallel_loop3A_774 = tpu.memref_squeeze %parallel_loop3A_773 : memref<1x128x65xf32, #tpu.memory_space<vmem>> -> memref<128x65xf32, #tpu.memory_space<vmem>>
        %parallel_loop3A_775 = tpu.vector_load_idx %parallel_loop3A_774[%parallel_loop3A_765, %parallel_loop3A_769] : memref<128x65xf32, #tpu.memory_space<vmem>>[vector<16xi32>, vector<16xi32>], vector<16xf32>,
        %parallel_loop3A_776 = arith.constant 1 : i32
        %parallel_loop3A_777 = arith.index_cast %parallel_loop3A_776 : i32 to index
        %parallel_loop3A_778 = arith.index_cast %parallel_loop3A_690 : i32 to index
        %parallel_loop3A_779 = arith.constant 64 : index
        %parallel_loop3A_780 = tpu.vector_load %arg9[%parallel_loop3A_777, %parallel_loop3A_778, %parallel_loop3A_779] {strides = array<i32>} : memref<2x64x128xf32, #tpu.memory_space<vmem>>, vector<16xf32>,
        tpu.vector_store %arg9[%parallel_loop3A_777, %parallel_loop3A_778, %parallel_loop3A_779], %parallel_loop3A_775 {strides = array<i32>} : memref<2x64x128xf32, #tpu.memory_space<vmem>>, vector<16xf32>,
        %parallel_loop3A_781 = arith.constant 80 : i32
        %parallel_loop3A_782 = vector.broadcast %parallel_loop3A_781 : i32 to vector<16xi32>
        %parallel_loop3A_783 = arith.addi %iota3A, %parallel_loop3A_782 : vector<16xi32>
        %parallel_loop3A_784 = arith.constant 0 : i32
        %parallel_loop3A_785 = vector.broadcast %parallel_loop3A_784 : i32 to vector<16xi32>
        %parallel_loop3A_786 = vector.broadcast %parallel_loop3A_690 : i32 to vector<16xi32>
        %parallel_loop3A_787 = arith.addi %parallel_loop3A_785, %parallel_loop3A_786 : vector<16xi32>
        %parallel_loop3A_788 = arith.constant 1 : i32
        %parallel_loop3A_789 = arith.constant 0 : i32
        %parallel_loop3A_790 = arith.constant 0 : i32
        %parallel_loop3A_791 = tpu.memref_slice %arg8[%parallel_loop3A_788, %parallel_loop3A_789, %parallel_loop3A_790] : memref<2x128x65xf32, #tpu.memory_space<vmem>> -> memref<1x128x65xf32, #tpu.memory_space<vmem>>
        %parallel_loop3A_792 = tpu.memref_squeeze %parallel_loop3A_791 : memref<1x128x65xf32, #tpu.memory_space<vmem>> -> memref<128x65xf32, #tpu.memory_space<vmem>>
        %parallel_loop3A_793 = tpu.vector_load_idx %parallel_loop3A_792[%parallel_loop3A_783, %parallel_loop3A_787] : memref<128x65xf32, #tpu.memory_space<vmem>>[vector<16xi32>, vector<16xi32>], vector<16xf32>,
        %parallel_loop3A_794 = arith.constant 1 : i32
        %parallel_loop3A_795 = arith.index_cast %parallel_loop3A_794 : i32 to index
        %parallel_loop3A_796 = arith.index_cast %parallel_loop3A_690 : i32 to index
        %parallel_loop3A_797 = arith.constant 80 : index
        %parallel_loop3A_798 = tpu.vector_load %arg9[%parallel_loop3A_795, %parallel_loop3A_796, %parallel_loop3A_797] {strides = array<i32>} : memref<2x64x128xf32, #tpu.memory_space<vmem>>, vector<16xf32>,
        tpu.vector_store %arg9[%parallel_loop3A_795, %parallel_loop3A_796, %parallel_loop3A_797], %parallel_loop3A_793 {strides = array<i32>} : memref<2x64x128xf32, #tpu.memory_space<vmem>>, vector<16xf32>,
        %parallel_loop3A_799 = arith.constant 96 : i32
        %parallel_loop3A_800 = vector.broadcast %parallel_loop3A_799 : i32 to vector<16xi32>
        %parallel_loop3A_801 = arith.addi %iota3A, %parallel_loop3A_800 : vector<16xi32>
        %parallel_loop3A_802 = arith.constant 0 : i32
        %parallel_loop3A_803 = vector.broadcast %parallel_loop3A_802 : i32 to vector<16xi32>
        %parallel_loop3A_804 = vector.broadcast %parallel_loop3A_690 : i32 to vector<16xi32>
        %parallel_loop3A_805 = arith.addi %parallel_loop3A_803, %parallel_loop3A_804 : vector<16xi32>
        %parallel_loop3A_806 = arith.constant 1 : i32
        %parallel_loop3A_807 = arith.constant 0 : i32
        %parallel_loop3A_808 = arith.constant 0 : i32
        %parallel_loop3A_809 = tpu.memref_slice %arg8[%parallel_loop3A_806, %parallel_loop3A_807, %parallel_loop3A_808] : memref<2x128x65xf32, #tpu.memory_space<vmem>> -> memref<1x128x65xf32, #tpu.memory_space<vmem>>
        %parallel_loop3A_810 = tpu.memref_squeeze %parallel_loop3A_809 : memref<1x128x65xf32, #tpu.memory_space<vmem>> -> memref<128x65xf32, #tpu.memory_space<vmem>>
        %parallel_loop3A_811 = tpu.vector_load_idx %parallel_loop3A_810[%parallel_loop3A_801, %parallel_loop3A_805] : memref<128x65xf32, #tpu.memory_space<vmem>>[vector<16xi32>, vector<16xi32>], vector<16xf32>,
        %parallel_loop3A_812 = arith.constant 1 : i32
        %parallel_loop3A_813 = arith.index_cast %parallel_loop3A_812 : i32 to index
        %parallel_loop3A_814 = arith.index_cast %parallel_loop3A_690 : i32 to index
        %parallel_loop3A_815 = arith.constant 96 : index
        %parallel_loop3A_816 = tpu.vector_load %arg9[%parallel_loop3A_813, %parallel_loop3A_814, %parallel_loop3A_815] {strides = array<i32>} : memref<2x64x128xf32, #tpu.memory_space<vmem>>, vector<16xf32>,
        tpu.vector_store %arg9[%parallel_loop3A_813, %parallel_loop3A_814, %parallel_loop3A_815], %parallel_loop3A_811 {strides = array<i32>} : memref<2x64x128xf32, #tpu.memory_space<vmem>>, vector<16xf32>,
        %parallel_loop3A_817 = arith.constant 112 : i32
        %parallel_loop3A_818 = vector.broadcast %parallel_loop3A_817 : i32 to vector<16xi32>
        %parallel_loop3A_819 = arith.addi %iota3A, %parallel_loop3A_818 : vector<16xi32>
        %parallel_loop3A_820 = arith.constant 0 : i32
        %parallel_loop3A_821 = vector.broadcast %parallel_loop3A_820 : i32 to vector<16xi32>
        %parallel_loop3A_822 = vector.broadcast %parallel_loop3A_690 : i32 to vector<16xi32>
        %parallel_loop3A_823 = arith.addi %parallel_loop3A_821, %parallel_loop3A_822 : vector<16xi32>
        %parallel_loop3A_824 = arith.constant 1 : i32
        %parallel_loop3A_825 = arith.constant 0 : i32
        %parallel_loop3A_826 = arith.constant 0 : i32
        %parallel_loop3A_827 = tpu.memref_slice %arg8[%parallel_loop3A_824, %parallel_loop3A_825, %parallel_loop3A_826] : memref<2x128x65xf32, #tpu.memory_space<vmem>> -> memref<1x128x65xf32, #tpu.memory_space<vmem>>
        %parallel_loop3A_828 = tpu.memref_squeeze %parallel_loop3A_827 : memref<1x128x65xf32, #tpu.memory_space<vmem>> -> memref<128x65xf32, #tpu.memory_space<vmem>>
        %parallel_loop3A_829 = tpu.vector_load_idx %parallel_loop3A_828[%parallel_loop3A_819, %parallel_loop3A_823] : memref<128x65xf32, #tpu.memory_space<vmem>>[vector<16xi32>, vector<16xi32>], vector<16xf32>,
        %parallel_loop3A_830 = arith.constant 1 : i32
        %parallel_loop3A_831 = arith.index_cast %parallel_loop3A_830 : i32 to index
        %parallel_loop3A_832 = arith.index_cast %parallel_loop3A_690 : i32 to index
        %parallel_loop3A_833 = arith.constant 112 : index
        %parallel_loop3A_834 = tpu.vector_load %arg9[%parallel_loop3A_831, %parallel_loop3A_832, %parallel_loop3A_833] {strides = array<i32>} : memref<2x64x128xf32, #tpu.memory_space<vmem>>, vector<16xf32>,
        tpu.vector_store %arg9[%parallel_loop3A_831, %parallel_loop3A_832, %parallel_loop3A_833], %parallel_loop3A_829 {strides = array<i32>} : memref<2x64x128xf32, #tpu.memory_space<vmem>>, vector<16xf32>,
      } {sc.loop_unroll_factor = 8 : i64, sc.parallel_access}
      %dma_start3A_539 = arith.constant 1 : i32
      %dma_start3A_540 = arith.constant 0 : i32
      %dma_start3A_541 = arith.constant 0 : i32
      %dma_start3A_542 = arith.constant 0 : i32
      %dma_start3A_543 = tpu.memref_slice %arg9[%dma_start3A_539, %dma_start3A_541, %dma_start3A_542] : memref<2x64x128xf32, #tpu.memory_space<vmem>> -> memref<1x8x128xf32, #tpu.memory_space<vmem>>
      %dma_start3A_544 = tpu.memref_squeeze %dma_start3A_543 : memref<1x8x128xf32, #tpu.memory_space<vmem>> -> memref<8x128xf32, #tpu.memory_space<vmem>>
      %dma_start3A_545 = arith.constant 0 : i32
      %dma_start3A_546 = arith.constant 0 : i32
      %dma_start3A_547 = tpu.memref_slice %arg4[%add3A_516, %dma_start3A_540, %add3A, %dma_start3A_545, %dma_start3A_546] : memref<50x8x32x8x128xf32, #tpu.memory_space<hbm>> -> memref<1x1x1x8x128xf32, #tpu.memory_space<hbm>>
      %dma_start3A_548 = tpu.memref_squeeze %dma_start3A_547 : memref<1x1x1x8x128xf32, #tpu.memory_space<hbm>> -> memref<8x128xf32, #tpu.memory_space<hbm>>
      %dma_start3A_549 = arith.constant 0 : i32
      %dma_start3A_550 = arith.constant 0 : i32
      %dma_start3A_551 = tpu.memref_slice %arg4[%add3A_516, %dma_start3A_540, %add3A, %dma_start3A_549, %dma_start3A_550] : memref<50x8x32x8x128xf32, #tpu.memory_space<hbm>> -> memref<1x1x1x8x128xf32, #tpu.memory_space<hbm>>
      %dma_start3A_552 = tpu.memref_squeeze %dma_start3A_551 : memref<1x1x1x8x128xf32, #tpu.memory_space<hbm>> -> memref<8x128xf32, #tpu.memory_space<hbm>>
      %dma_start3A_553 = arith.constant 0 : i32
      %dma_start3A_554 = arith.constant 0 : i32
      %dma_start3A_555 = tpu.memref_slice %arg9[%dma_start3A_539, %dma_start3A_553, %dma_start3A_554] : memref<2x64x128xf32, #tpu.memory_space<vmem>> -> memref<1x8x128xf32, #tpu.memory_space<vmem>>
      %dma_start3A_556 = tpu.memref_squeeze %dma_start3A_555 : memref<1x8x128xf32, #tpu.memory_space<vmem>> -> memref<8x128xf32, #tpu.memory_space<vmem>>
      tpu.enqueue_dma source(%dma_start3A_556 : memref<8x128xf32, #tpu.memory_space<vmem>>) target(%dma_start3A_552 : memref<8x128xf32, #tpu.memory_space<hbm>>) target_semaphore(%arg13 : memref<!tpu.dma_semaphore, #tpu.memory_space<semaphore_mem>>)
      %dma_start3A_557 = arith.constant 1 : i32
      %dma_start3A_558 = arith.constant 1 : i32
      %dma_start3A_559 = arith.constant 8 : i32
      %dma_start3A_560 = arith.constant 0 : i32
      %dma_start3A_561 = tpu.memref_slice %arg9[%dma_start3A_557, %dma_start3A_559, %dma_start3A_560] : memref<2x64x128xf32, #tpu.memory_space<vmem>> -> memref<1x8x128xf32, #tpu.memory_space<vmem>>
      %dma_start3A_562 = tpu.memref_squeeze %dma_start3A_561 : memref<1x8x128xf32, #tpu.memory_space<vmem>> -> memref<8x128xf32, #tpu.memory_space<vmem>>
      %dma_start3A_563 = arith.constant 0 : i32
      %dma_start3A_564 = arith.constant 0 : i32
      %dma_start3A_565 = tpu.memref_slice %arg4[%add3A_516, %dma_start3A_558, %add3A, %dma_start3A_563, %dma_start3A_564] : memref<50x8x32x8x128xf32, #tpu.memory_space<hbm>> -> memref<1x1x1x8x128xf32, #tpu.memory_space<hbm>>
      %dma_start3A_566 = tpu.memref_squeeze %dma_start3A_565 : memref<1x1x1x8x128xf32, #tpu.memory_space<hbm>> -> memref<8x128xf32, #tpu.memory_space<hbm>>
      %dma_start3A_567 = arith.constant 0 : i32
      %dma_start3A_568 = arith.constant 0 : i32
      %dma_start3A_569 = tpu.memref_slice %arg4[%add3A_516, %dma_start3A_558, %add3A, %dma_start3A_567, %dma_start3A_568] : memref<50x8x32x8x128xf32, #tpu.memory_space<hbm>> -> memref<1x1x1x8x128xf32, #tpu.memory_space<hbm>>
      %dma_start3A_570 = tpu.memref_squeeze %dma_start3A_569 : memref<1x1x1x8x128xf32, #tpu.memory_space<hbm>> -> memref<8x128xf32, #tpu.memory_space<hbm>>
      %dma_start3A_571 = arith.constant 8 : i32
      %dma_start3A_572 = arith.constant 0 : i32
      %dma_start3A_573 = tpu.memref_slice %arg9[%dma_start3A_557, %dma_start3A_571, %dma_start3A_572] : memref<2x64x128xf32, #tpu.memory_space<vmem>> -> memref<1x8x128xf32, #tpu.memory_space<vmem>>
      %dma_start3A_574 = tpu.memref_squeeze %dma_start3A_573 : memref<1x8x128xf32, #tpu.memory_space<vmem>> -> memref<8x128xf32, #tpu.memory_space<vmem>>
      tpu.enqueue_dma source(%dma_start3A_574 : memref<8x128xf32, #tpu.memory_space<vmem>>) target(%dma_start3A_570 : memref<8x128xf32, #tpu.memory_space<hbm>>) target_semaphore(%arg13 : memref<!tpu.dma_semaphore, #tpu.memory_space<semaphore_mem>>)
      %dma_start3A_575 = arith.constant 1 : i32
      %dma_start3A_576 = arith.constant 2 : i32
      %dma_start3A_577 = arith.constant 16 : i32
      %dma_start3A_578 = arith.constant 0 : i32
      %dma_start3A_579 = tpu.memref_slice %arg9[%dma_start3A_575, %dma_start3A_577, %dma_start3A_578] : memref<2x64x128xf32, #tpu.memory_space<vmem>> -> memref<1x8x128xf32, #tpu.memory_space<vmem>>
      %dma_start3A_580 = tpu.memref_squeeze %dma_start3A_579 : memref<1x8x128xf32, #tpu.memory_space<vmem>> -> memref<8x128xf32, #tpu.memory_space<vmem>>
      %dma_start3A_581 = arith.constant 0 : i32
      %dma_start3A_582 = arith.constant 0 : i32
      %dma_start3A_583 = tpu.memref_slice %arg4[%add3A_516, %dma_start3A_576, %add3A, %dma_start3A_581, %dma_start3A_582] : memref<50x8x32x8x128xf32, #tpu.memory_space<hbm>> -> memref<1x1x1x8x128xf32, #tpu.memory_space<hbm>>
      %dma_start3A_584 = tpu.memref_squeeze %dma_start3A_583 : memref<1x1x1x8x128xf32, #tpu.memory_space<hbm>> -> memref<8x128xf32, #tpu.memory_space<hbm>>
      %dma_start3A_585 = arith.constant 0 : i32
      %dma_start3A_586 = arith.constant 0 : i32
      %dma_start3A_587 = tpu.memref_slice %arg4[%add3A_516, %dma_start3A_576, %add3A, %dma_start3A_585, %dma_start3A_586] : memref<50x8x32x8x128xf32, #tpu.memory_space<hbm>> -> memref<1x1x1x8x128xf32, #tpu.memory_space<hbm>>
      %dma_start3A_588 = tpu.memref_squeeze %dma_start3A_587 : memref<1x1x1x8x128xf32, #tpu.memory_space<hbm>> -> memref<8x128xf32, #tpu.memory_space<hbm>>
      %dma_start3A_589 = arith.constant 16 : i32
      %dma_start3A_590 = arith.constant 0 : i32
      %dma_start3A_591 = tpu.memref_slice %arg9[%dma_start3A_575, %dma_start3A_589, %dma_start3A_590] : memref<2x64x128xf32, #tpu.memory_space<vmem>> -> memref<1x8x128xf32, #tpu.memory_space<vmem>>
      %dma_start3A_592 = tpu.memref_squeeze %dma_start3A_591 : memref<1x8x128xf32, #tpu.memory_space<vmem>> -> memref<8x128xf32, #tpu.memory_space<vmem>>
      tpu.enqueue_dma source(%dma_start3A_592 : memref<8x128xf32, #tpu.memory_space<vmem>>) target(%dma_start3A_588 : memref<8x128xf32, #tpu.memory_space<hbm>>) target_semaphore(%arg13 : memref<!tpu.dma_semaphore, #tpu.memory_space<semaphore_mem>>)
      %dma_start3A_593 = arith.constant 1 : i32
      %dma_start3A_594 = arith.constant 3 : i32
      %dma_start3A_595 = arith.constant 24 : i32
      %dma_start3A_596 = arith.constant 0 : i32
      %dma_start3A_597 = tpu.memref_slice %arg9[%dma_start3A_593, %dma_start3A_595, %dma_start3A_596] : memref<2x64x128xf32, #tpu.memory_space<vmem>> -> memref<1x8x128xf32, #tpu.memory_space<vmem>>
      %dma_start3A_598 = tpu.memref_squeeze %dma_start3A_597 : memref<1x8x128xf32, #tpu.memory_space<vmem>> -> memref<8x128xf32, #tpu.memory_space<vmem>>
      %dma_start3A_599 = arith.constant 0 : i32
      %dma_start3A_600 = arith.constant 0 : i32
      %dma_start3A_601 = tpu.memref_slice %arg4[%add3A_516, %dma_start3A_594, %add3A, %dma_start3A_599, %dma_start3A_600] : memref<50x8x32x8x128xf32, #tpu.memory_space<hbm>> -> memref<1x1x1x8x128xf32, #tpu.memory_space<hbm>>
      %dma_start3A_602 = tpu.memref_squeeze %dma_start3A_601 : memref<1x1x1x8x128xf32, #tpu.memory_space<hbm>> -> memref<8x128xf32, #tpu.memory_space<hbm>>
      %dma_start3A_603 = arith.constant 0 : i32
      %dma_start3A_604 = arith.constant 0 : i32
      %dma_start3A_605 = tpu.memref_slice %arg4[%add3A_516, %dma_start3A_594, %add3A, %dma_start3A_603, %dma_start3A_604] : memref<50x8x32x8x128xf32, #tpu.memory_space<hbm>> -> memref<1x1x1x8x128xf32, #tpu.memory_space<hbm>>
      %dma_start3A_606 = tpu.memref_squeeze %dma_start3A_605 : memref<1x1x1x8x128xf32, #tpu.memory_space<hbm>> -> memref<8x128xf32, #tpu.memory_space<hbm>>
      %dma_start3A_607 = arith.constant 24 : i32
      %dma_start3A_608 = arith.constant 0 : i32
      %dma_start3A_609 = tpu.memref_slice %arg9[%dma_start3A_593, %dma_start3A_607, %dma_start3A_608] : memref<2x64x128xf32, #tpu.memory_space<vmem>> -> memref<1x8x128xf32, #tpu.memory_space<vmem>>
      %dma_start3A_610 = tpu.memref_squeeze %dma_start3A_609 : memref<1x8x128xf32, #tpu.memory_space<vmem>> -> memref<8x128xf32, #tpu.memory_space<vmem>>
      tpu.enqueue_dma source(%dma_start3A_610 : memref<8x128xf32, #tpu.memory_space<vmem>>) target(%dma_start3A_606 : memref<8x128xf32, #tpu.memory_space<hbm>>) target_semaphore(%arg13 : memref<!tpu.dma_semaphore, #tpu.memory_space<semaphore_mem>>)
      %dma_start3A_611 = arith.constant 1 : i32
      %dma_start3A_612 = arith.constant 4 : i32
      %dma_start3A_613 = arith.constant 32 : i32
      %dma_start3A_614 = arith.constant 0 : i32
      %dma_start3A_615 = tpu.memref_slice %arg9[%dma_start3A_611, %dma_start3A_613, %dma_start3A_614] : memref<2x64x128xf32, #tpu.memory_space<vmem>> -> memref<1x8x128xf32, #tpu.memory_space<vmem>>
      %dma_start3A_616 = tpu.memref_squeeze %dma_start3A_615 : memref<1x8x128xf32, #tpu.memory_space<vmem>> -> memref<8x128xf32, #tpu.memory_space<vmem>>
      %dma_start3A_617 = arith.constant 0 : i32
      %dma_start3A_618 = arith.constant 0 : i32
      %dma_start3A_619 = tpu.memref_slice %arg4[%add3A_516, %dma_start3A_612, %add3A, %dma_start3A_617, %dma_start3A_618] : memref<50x8x32x8x128xf32, #tpu.memory_space<hbm>> -> memref<1x1x1x8x128xf32, #tpu.memory_space<hbm>>
      %dma_start3A_620 = tpu.memref_squeeze %dma_start3A_619 : memref<1x1x1x8x128xf32, #tpu.memory_space<hbm>> -> memref<8x128xf32, #tpu.memory_space<hbm>>
      %dma_start3A_621 = arith.constant 0 : i32
      %dma_start3A_622 = arith.constant 0 : i32
      %dma_start3A_623 = tpu.memref_slice %arg4[%add3A_516, %dma_start3A_612, %add3A, %dma_start3A_621, %dma_start3A_622] : memref<50x8x32x8x128xf32, #tpu.memory_space<hbm>> -> memref<1x1x1x8x128xf32, #tpu.memory_space<hbm>>
      %dma_start3A_624 = tpu.memref_squeeze %dma_start3A_623 : memref<1x1x1x8x128xf32, #tpu.memory_space<hbm>> -> memref<8x128xf32, #tpu.memory_space<hbm>>
      %dma_start3A_625 = arith.constant 32 : i32
      %dma_start3A_626 = arith.constant 0 : i32
      %dma_start3A_627 = tpu.memref_slice %arg9[%dma_start3A_611, %dma_start3A_625, %dma_start3A_626] : memref<2x64x128xf32, #tpu.memory_space<vmem>> -> memref<1x8x128xf32, #tpu.memory_space<vmem>>
      %dma_start3A_628 = tpu.memref_squeeze %dma_start3A_627 : memref<1x8x128xf32, #tpu.memory_space<vmem>> -> memref<8x128xf32, #tpu.memory_space<vmem>>
      tpu.enqueue_dma source(%dma_start3A_628 : memref<8x128xf32, #tpu.memory_space<vmem>>) target(%dma_start3A_624 : memref<8x128xf32, #tpu.memory_space<hbm>>) target_semaphore(%arg13 : memref<!tpu.dma_semaphore, #tpu.memory_space<semaphore_mem>>)
      %dma_start3A_629 = arith.constant 1 : i32
      %dma_start3A_630 = arith.constant 5 : i32
      %dma_start3A_631 = arith.constant 40 : i32
      %dma_start3A_632 = arith.constant 0 : i32
      %dma_start3A_633 = tpu.memref_slice %arg9[%dma_start3A_629, %dma_start3A_631, %dma_start3A_632] : memref<2x64x128xf32, #tpu.memory_space<vmem>> -> memref<1x8x128xf32, #tpu.memory_space<vmem>>
      %dma_start3A_634 = tpu.memref_squeeze %dma_start3A_633 : memref<1x8x128xf32, #tpu.memory_space<vmem>> -> memref<8x128xf32, #tpu.memory_space<vmem>>
      %dma_start3A_635 = arith.constant 0 : i32
      %dma_start3A_636 = arith.constant 0 : i32
      %dma_start3A_637 = tpu.memref_slice %arg4[%add3A_516, %dma_start3A_630, %add3A, %dma_start3A_635, %dma_start3A_636] : memref<50x8x32x8x128xf32, #tpu.memory_space<hbm>> -> memref<1x1x1x8x128xf32, #tpu.memory_space<hbm>>
      %dma_start3A_638 = tpu.memref_squeeze %dma_start3A_637 : memref<1x1x1x8x128xf32, #tpu.memory_space<hbm>> -> memref<8x128xf32, #tpu.memory_space<hbm>>
      %dma_start3A_639 = arith.constant 0 : i32
      %dma_start3A_640 = arith.constant 0 : i32
      %dma_start3A_641 = tpu.memref_slice %arg4[%add3A_516, %dma_start3A_630, %add3A, %dma_start3A_639, %dma_start3A_640] : memref<50x8x32x8x128xf32, #tpu.memory_space<hbm>> -> memref<1x1x1x8x128xf32, #tpu.memory_space<hbm>>
      %dma_start3A_642 = tpu.memref_squeeze %dma_start3A_641 : memref<1x1x1x8x128xf32, #tpu.memory_space<hbm>> -> memref<8x128xf32, #tpu.memory_space<hbm>>
      %dma_start3A_643 = arith.constant 40 : i32
      %dma_start3A_644 = arith.constant 0 : i32
      %dma_start3A_645 = tpu.memref_slice %arg9[%dma_start3A_629, %dma_start3A_643, %dma_start3A_644] : memref<2x64x128xf32, #tpu.memory_space<vmem>> -> memref<1x8x128xf32, #tpu.memory_space<vmem>>
      %dma_start3A_646 = tpu.memref_squeeze %dma_start3A_645 : memref<1x8x128xf32, #tpu.memory_space<vmem>> -> memref<8x128xf32, #tpu.memory_space<vmem>>
      tpu.enqueue_dma source(%dma_start3A_646 : memref<8x128xf32, #tpu.memory_space<vmem>>) target(%dma_start3A_642 : memref<8x128xf32, #tpu.memory_space<hbm>>) target_semaphore(%arg13 : memref<!tpu.dma_semaphore, #tpu.memory_space<semaphore_mem>>)
      %dma_start3A_647 = arith.constant 1 : i32
      %dma_start3A_648 = arith.constant 6 : i32
      %dma_start3A_649 = arith.constant 48 : i32
      %dma_start3A_650 = arith.constant 0 : i32
      %dma_start3A_651 = tpu.memref_slice %arg9[%dma_start3A_647, %dma_start3A_649, %dma_start3A_650] : memref<2x64x128xf32, #tpu.memory_space<vmem>> -> memref<1x8x128xf32, #tpu.memory_space<vmem>>
      %dma_start3A_652 = tpu.memref_squeeze %dma_start3A_651 : memref<1x8x128xf32, #tpu.memory_space<vmem>> -> memref<8x128xf32, #tpu.memory_space<vmem>>
      %dma_start3A_653 = arith.constant 0 : i32
      %dma_start3A_654 = arith.constant 0 : i32
      %dma_start3A_655 = tpu.memref_slice %arg4[%add3A_516, %dma_start3A_648, %add3A, %dma_start3A_653, %dma_start3A_654] : memref<50x8x32x8x128xf32, #tpu.memory_space<hbm>> -> memref<1x1x1x8x128xf32, #tpu.memory_space<hbm>>
      %dma_start3A_656 = tpu.memref_squeeze %dma_start3A_655 : memref<1x1x1x8x128xf32, #tpu.memory_space<hbm>> -> memref<8x128xf32, #tpu.memory_space<hbm>>
      %dma_start3A_657 = arith.constant 0 : i32
      %dma_start3A_658 = arith.constant 0 : i32
      %dma_start3A_659 = tpu.memref_slice %arg4[%add3A_516, %dma_start3A_648, %add3A, %dma_start3A_657, %dma_start3A_658] : memref<50x8x32x8x128xf32, #tpu.memory_space<hbm>> -> memref<1x1x1x8x128xf32, #tpu.memory_space<hbm>>
      %dma_start3A_660 = tpu.memref_squeeze %dma_start3A_659 : memref<1x1x1x8x128xf32, #tpu.memory_space<hbm>> -> memref<8x128xf32, #tpu.memory_space<hbm>>
      %dma_start3A_661 = arith.constant 48 : i32
      %dma_start3A_662 = arith.constant 0 : i32
      %dma_start3A_663 = tpu.memref_slice %arg9[%dma_start3A_647, %dma_start3A_661, %dma_start3A_662] : memref<2x64x128xf32, #tpu.memory_space<vmem>> -> memref<1x8x128xf32, #tpu.memory_space<vmem>>
      %dma_start3A_664 = tpu.memref_squeeze %dma_start3A_663 : memref<1x8x128xf32, #tpu.memory_space<vmem>> -> memref<8x128xf32, #tpu.memory_space<vmem>>
      tpu.enqueue_dma source(%dma_start3A_664 : memref<8x128xf32, #tpu.memory_space<vmem>>) target(%dma_start3A_660 : memref<8x128xf32, #tpu.memory_space<hbm>>) target_semaphore(%arg13 : memref<!tpu.dma_semaphore, #tpu.memory_space<semaphore_mem>>)
      %dma_start3A_665 = arith.constant 1 : i32
      %dma_start3A_666 = arith.constant 7 : i32
      %dma_start3A_667 = arith.constant 56 : i32
      %dma_start3A_668 = arith.constant 0 : i32
      %dma_start3A_669 = tpu.memref_slice %arg9[%dma_start3A_665, %dma_start3A_667, %dma_start3A_668] : memref<2x64x128xf32, #tpu.memory_space<vmem>> -> memref<1x8x128xf32, #tpu.memory_space<vmem>>
      %dma_start3A_670 = tpu.memref_squeeze %dma_start3A_669 : memref<1x8x128xf32, #tpu.memory_space<vmem>> -> memref<8x128xf32, #tpu.memory_space<vmem>>
      %dma_start3A_671 = arith.constant 0 : i32
      %dma_start3A_672 = arith.constant 0 : i32
      %dma_start3A_673 = tpu.memref_slice %arg4[%add3A_516, %dma_start3A_666, %add3A, %dma_start3A_671, %dma_start3A_672] : memref<50x8x32x8x128xf32, #tpu.memory_space<hbm>> -> memref<1x1x1x8x128xf32, #tpu.memory_space<hbm>>
      %dma_start3A_674 = tpu.memref_squeeze %dma_start3A_673 : memref<1x1x1x8x128xf32, #tpu.memory_space<hbm>> -> memref<8x128xf32, #tpu.memory_space<hbm>>
      %dma_start3A_675 = arith.constant 0 : i32
      %dma_start3A_676 = arith.constant 0 : i32
      %dma_start3A_677 = tpu.memref_slice %arg4[%add3A_516, %dma_start3A_666, %add3A, %dma_start3A_675, %dma_start3A_676] : memref<50x8x32x8x128xf32, #tpu.memory_space<hbm>> -> memref<1x1x1x8x128xf32, #tpu.memory_space<hbm>>
      %dma_start3A_678 = tpu.memref_squeeze %dma_start3A_677 : memref<1x1x1x8x128xf32, #tpu.memory_space<hbm>> -> memref<8x128xf32, #tpu.memory_space<hbm>>
      %dma_start3A_679 = arith.constant 56 : i32
      %dma_start3A_680 = arith.constant 0 : i32
      %dma_start3A_681 = tpu.memref_slice %arg9[%dma_start3A_665, %dma_start3A_679, %dma_start3A_680] : memref<2x64x128xf32, #tpu.memory_space<vmem>> -> memref<1x8x128xf32, #tpu.memory_space<vmem>>
      %dma_start3A_682 = tpu.memref_squeeze %dma_start3A_681 : memref<1x8x128xf32, #tpu.memory_space<vmem>> -> memref<8x128xf32, #tpu.memory_space<vmem>>
      tpu.enqueue_dma source(%dma_start3A_682 : memref<8x128xf32, #tpu.memory_space<vmem>>) target(%dma_start3A_678 : memref<8x128xf32, #tpu.memory_space<hbm>>) target_semaphore(%arg13 : memref<!tpu.dma_semaphore, #tpu.memory_space<semaphore_mem>>)
      %add3A_683 = arith.constant 2 : i32
      %add3A_684 = arith.addi %add3A_516, %add3A_683 : i32
      %lt3A_685 = arith.constant 50 : i32
      %lt3A_686 = arith.cmpi slt, %add3A_684, %lt3A_685 : i32
      %convert_element_type3A_687 = arith.extui %lt3A_686 : i1 to i32
      %cond3A_688 = arith.constant 0 : i32
      %cond3A_689 = arith.cmpi ne, %convert_element_type3A_687, %cond3A_688 : i32
      scf.if %cond3A_689 {
        %dma_start3A_690 = arith.constant 1 : i32
        %dma_start3A_691 = arith.constant 0 : i32
        %dma_start3A_692 = arith.constant 0 : i32
        %dma_start3A_693 = tpu.memref_slice %arg7[%dma_start3A_690, %dma_start3A_691, %dma_start3A_692] : memref<2x128x64xf32, #tpu.memory_space<vmem>> -> memref<1x128x64xf32, #tpu.memory_space<vmem>>
        %dma_start3A_694 = tpu.memref_squeeze %dma_start3A_693 : memref<1x128x64xf32, #tpu.memory_space<vmem>> -> memref<128x64xf32, #tpu.memory_space<vmem>>
        %dma_start3A_695 = arith.constant 0 : i32
        %dma_start3A_696 = tpu.memref_slice %arg6[%add3A_684, %dma_start3A_695] : memref<50x128xi32, #tpu.memory_space<vmem>> -> memref<1x128xi32, #tpu.memory_space<vmem>>
        %dma_start3A_697 = tpu.memref_squeeze %dma_start3A_696 : memref<1x128xi32, #tpu.memory_space<vmem>> -> memref<128xi32, #tpu.memory_space<vmem>>
        %dma_start3A_698 = arith.constant 0 : i32
        %dma_start3A_699 = arith.constant 0 : i32
        %dma_start3A_700 = tpu.memref_slice %arg2[%dma_start3A_698, %dma_start3A_699] : memref<1000000x64xf32, #tpu.memory_space<hbm>> -> memref<1000000x64xf32, #tpu.memory_space<hbm>>
        tpu.enqueue_indirect_dma source(%dma_start3A_700 : memref<1000000x64xf32, #tpu.memory_space<hbm>>) target(%dma_start3A_694 : memref<128x64xf32, #tpu.memory_space<vmem>>) offsets(%dma_start3A_697 : memref<128xi32, #tpu.memory_space<vmem>>) semaphore(%arg11 : memref<!tpu.dma_semaphore, #tpu.memory_space<semaphore_mem>>)
      } else {
      }
    }
    %scan3A_36 = arith.constant 25 : i32
    %dma_wait3A = arith.constant 0 : i32
    %dma_wait3A_37 = arith.constant 48 : i32
    %dma_wait3A_38 = arith.constant 0 : i32
    %dma_wait3A_39 = arith.constant 0 : i32
    %dma_wait3A_40 = arith.constant 0 : i32
    %dma_wait3A_41 = tpu.memref_slice %arg9[%dma_wait3A, %dma_wait3A_39, %dma_wait3A_40] : memref<2x64x128xf32, #tpu.memory_space<vmem>> -> memref<1x8x128xf32, #tpu.memory_space<vmem>>
    %dma_wait3A_42 = tpu.memref_squeeze %dma_wait3A_41 : memref<1x8x128xf32, #tpu.memory_space<vmem>> -> memref<8x128xf32, #tpu.memory_space<vmem>>
    %dma_wait3A_43 = arith.constant 0 : i32
    %dma_wait3A_44 = arith.constant 0 : i32
    %dma_wait3A_45 = tpu.memref_slice %arg4[%dma_wait3A_37, %dma_wait3A_38, %add3A, %dma_wait3A_43, %dma_wait3A_44] : memref<50x8x32x8x128xf32, #tpu.memory_space<hbm>> -> memref<1x1x1x8x128xf32, #tpu.memory_space<hbm>>
    %dma_wait3A_46 = tpu.memref_squeeze %dma_wait3A_45 : memref<1x1x1x8x128xf32, #tpu.memory_space<hbm>> -> memref<8x128xf32, #tpu.memory_space<hbm>>
    %dma_wait3A_47 = arith.constant 0 : i32
    %dma_wait3A_48 = arith.constant 0 : i32
    %dma_wait3A_49 = tpu.memref_slice %arg4[%dma_wait3A_37, %dma_wait3A_38, %add3A, %dma_wait3A_47, %dma_wait3A_48] : memref<50x8x32x8x128xf32, #tpu.memory_space<hbm>> -> memref<1x1x1x8x128xf32, #tpu.memory_space<hbm>>
    %dma_wait3A_50 = tpu.memref_squeeze %dma_wait3A_49 : memref<1x1x1x8x128xf32, #tpu.memory_space<hbm>> -> memref<8x128xf32, #tpu.memory_space<hbm>>
    %dma_wait3A_51 = arith.constant 0 : i32
    %dma_wait3A_52 = arith.constant 0 : i32
    %dma_wait3A_53 = tpu.memref_slice %arg9[%dma_wait3A, %dma_wait3A_51, %dma_wait3A_52] : memref<2x64x128xf32, #tpu.memory_space<vmem>> -> memref<1x8x128xf32, #tpu.memory_space<vmem>>
    %dma_wait3A_54 = tpu.memref_squeeze %dma_wait3A_53 : memref<1x8x128xf32, #tpu.memory_space<vmem>> -> memref<8x128xf32, #tpu.memory_space<vmem>>
    tpu.wait_dma2 semaphore(%arg12 : memref<!tpu.dma_semaphore, #tpu.memory_space<semaphore_mem>>) src(%dma_wait3A_54 : memref<8x128xf32, #tpu.memory_space<vmem>>) dst(%dma_wait3A_50 : memref<8x128xf32, #tpu.memory_space<hbm>>)
    %dma_wait3A_55 = arith.constant 0 : i32
    %dma_wait3A_56 = arith.constant 48 : i32
    %dma_wait3A_57 = arith.constant 1 : i32
    %dma_wait3A_58 = arith.constant 8 : i32
    %dma_wait3A_59 = arith.constant 0 : i32
    %dma_wait3A_60 = tpu.memref_slice %arg9[%dma_wait3A_55, %dma_wait3A_58, %dma_wait3A_59] : memref<2x64x128xf32, #tpu.memory_space<vmem>> -> memref<1x8x128xf32, #tpu.memory_space<vmem>>
    %dma_wait3A_61 = tpu.memref_squeeze %dma_wait3A_60 : memref<1x8x128xf32, #tpu.memory_space<vmem>> -> memref<8x128xf32, #tpu.memory_space<vmem>>
    %dma_wait3A_62 = arith.constant 0 : i32
    %dma_wait3A_63 = arith.constant 0 : i32
    %dma_wait3A_64 = tpu.memref_slice %arg4[%dma_wait3A_56, %dma_wait3A_57, %add3A, %dma_wait3A_62, %dma_wait3A_63] : memref<50x8x32x8x128xf32, #tpu.memory_space<hbm>> -> memref<1x1x1x8x128xf32, #tpu.memory_space<hbm>>
    %dma_wait3A_65 = tpu.memref_squeeze %dma_wait3A_64 : memref<1x1x1x8x128xf32, #tpu.memory_space<hbm>> -> memref<8x128xf32, #tpu.memory_space<hbm>>
    %dma_wait3A_66 = arith.constant 0 : i32
    %dma_wait3A_67 = arith.constant 0 : i32
    %dma_wait3A_68 = tpu.memref_slice %arg4[%dma_wait3A_56, %dma_wait3A_57, %add3A, %dma_wait3A_66, %dma_wait3A_67] : memref<50x8x32x8x128xf32, #tpu.memory_space<hbm>> -> memref<1x1x1x8x128xf32, #tpu.memory_space<hbm>>
    %dma_wait3A_69 = tpu.memref_squeeze %dma_wait3A_68 : memref<1x1x1x8x128xf32, #tpu.memory_space<hbm>> -> memref<8x128xf32, #tpu.memory_space<hbm>>
    %dma_wait3A_70 = arith.constant 8 : i32
    %dma_wait3A_71 = arith.constant 0 : i32
    %dma_wait3A_72 = tpu.memref_slice %arg9[%dma_wait3A_55, %dma_wait3A_70, %dma_wait3A_71] : memref<2x64x128xf32, #tpu.memory_space<vmem>> -> memref<1x8x128xf32, #tpu.memory_space<vmem>>
    %dma_wait3A_73 = tpu.memref_squeeze %dma_wait3A_72 : memref<1x8x128xf32, #tpu.memory_space<vmem>> -> memref<8x128xf32, #tpu.memory_space<vmem>>
    tpu.wait_dma2 semaphore(%arg12 : memref<!tpu.dma_semaphore, #tpu.memory_space<semaphore_mem>>) src(%dma_wait3A_73 : memref<8x128xf32, #tpu.memory_space<vmem>>) dst(%dma_wait3A_69 : memref<8x128xf32, #tpu.memory_space<hbm>>)
    %dma_wait3A_74 = arith.constant 0 : i32
    %dma_wait3A_75 = arith.constant 48 : i32
    %dma_wait3A_76 = arith.constant 2 : i32
    %dma_wait3A_77 = arith.constant 16 : i32
    %dma_wait3A_78 = arith.constant 0 : i32
    %dma_wait3A_79 = tpu.memref_slice %arg9[%dma_wait3A_74, %dma_wait3A_77, %dma_wait3A_78] : memref<2x64x128xf32, #tpu.memory_space<vmem>> -> memref<1x8x128xf32, #tpu.memory_space<vmem>>
    %dma_wait3A_80 = tpu.memref_squeeze %dma_wait3A_79 : memref<1x8x128xf32, #tpu.memory_space<vmem>> -> memref<8x128xf32, #tpu.memory_space<vmem>>
    %dma_wait3A_81 = arith.constant 0 : i32
    %dma_wait3A_82 = arith.constant 0 : i32
    %dma_wait3A_83 = tpu.memref_slice %arg4[%dma_wait3A_75, %dma_wait3A_76, %add3A, %dma_wait3A_81, %dma_wait3A_82] : memref<50x8x32x8x128xf32, #tpu.memory_space<hbm>> -> memref<1x1x1x8x128xf32, #tpu.memory_space<hbm>>
    %dma_wait3A_84 = tpu.memref_squeeze %dma_wait3A_83 : memref<1x1x1x8x128xf32, #tpu.memory_space<hbm>> -> memref<8x128xf32, #tpu.memory_space<hbm>>
    %dma_wait3A_85 = arith.constant 0 : i32
    %dma_wait3A_86 = arith.constant 0 : i32
    %dma_wait3A_87 = tpu.memref_slice %arg4[%dma_wait3A_75, %dma_wait3A_76, %add3A, %dma_wait3A_85, %dma_wait3A_86] : memref<50x8x32x8x128xf32, #tpu.memory_space<hbm>> -> memref<1x1x1x8x128xf32, #tpu.memory_space<hbm>>
    %dma_wait3A_88 = tpu.memref_squeeze %dma_wait3A_87 : memref<1x1x1x8x128xf32, #tpu.memory_space<hbm>> -> memref<8x128xf32, #tpu.memory_space<hbm>>
    %dma_wait3A_89 = arith.constant 16 : i32
    %dma_wait3A_90 = arith.constant 0 : i32
    %dma_wait3A_91 = tpu.memref_slice %arg9[%dma_wait3A_74, %dma_wait3A_89, %dma_wait3A_90] : memref<2x64x128xf32, #tpu.memory_space<vmem>> -> memref<1x8x128xf32, #tpu.memory_space<vmem>>
    %dma_wait3A_92 = tpu.memref_squeeze %dma_wait3A_91 : memref<1x8x128xf32, #tpu.memory_space<vmem>> -> memref<8x128xf32, #tpu.memory_space<vmem>>
    tpu.wait_dma2 semaphore(%arg12 : memref<!tpu.dma_semaphore, #tpu.memory_space<semaphore_mem>>) src(%dma_wait3A_92 : memref<8x128xf32, #tpu.memory_space<vmem>>) dst(%dma_wait3A_88 : memref<8x128xf32, #tpu.memory_space<hbm>>)
    %dma_wait3A_93 = arith.constant 0 : i32
    %dma_wait3A_94 = arith.constant 48 : i32
    %dma_wait3A_95 = arith.constant 3 : i32
    %dma_wait3A_96 = arith.constant 24 : i32
    %dma_wait3A_97 = arith.constant 0 : i32
    %dma_wait3A_98 = tpu.memref_slice %arg9[%dma_wait3A_93, %dma_wait3A_96, %dma_wait3A_97] : memref<2x64x128xf32, #tpu.memory_space<vmem>> -> memref<1x8x128xf32, #tpu.memory_space<vmem>>
    %dma_wait3A_99 = tpu.memref_squeeze %dma_wait3A_98 : memref<1x8x128xf32, #tpu.memory_space<vmem>> -> memref<8x128xf32, #tpu.memory_space<vmem>>
    %dma_wait3A_100 = arith.constant 0 : i32
    %dma_wait3A_101 = arith.constant 0 : i32
    %dma_wait3A_102 = tpu.memref_slice %arg4[%dma_wait3A_94, %dma_wait3A_95, %add3A, %dma_wait3A_100, %dma_wait3A_101] : memref<50x8x32x8x128xf32, #tpu.memory_space<hbm>> -> memref<1x1x1x8x128xf32, #tpu.memory_space<hbm>>
    %dma_wait3A_103 = tpu.memref_squeeze %dma_wait3A_102 : memref<1x1x1x8x128xf32, #tpu.memory_space<hbm>> -> memref<8x128xf32, #tpu.memory_space<hbm>>
    %dma_wait3A_104 = arith.constant 0 : i32
    %dma_wait3A_105 = arith.constant 0 : i32
    %dma_wait3A_106 = tpu.memref_slice %arg4[%dma_wait3A_94, %dma_wait3A_95, %add3A, %dma_wait3A_104, %dma_wait3A_105] : memref<50x8x32x8x128xf32, #tpu.memory_space<hbm>> -> memref<1x1x1x8x128xf32, #tpu.memory_space<hbm>>
    %dma_wait3A_107 = tpu.memref_squeeze %dma_wait3A_106 : memref<1x1x1x8x128xf32, #tpu.memory_space<hbm>> -> memref<8x128xf32, #tpu.memory_space<hbm>>
    %dma_wait3A_108 = arith.constant 24 : i32
    %dma_wait3A_109 = arith.constant 0 : i32
    %dma_wait3A_110 = tpu.memref_slice %arg9[%dma_wait3A_93, %dma_wait3A_108, %dma_wait3A_109] : memref<2x64x128xf32, #tpu.memory_space<vmem>> -> memref<1x8x128xf32, #tpu.memory_space<vmem>>
    %dma_wait3A_111 = tpu.memref_squeeze %dma_wait3A_110 : memref<1x8x128xf32, #tpu.memory_space<vmem>> -> memref<8x128xf32, #tpu.memory_space<vmem>>
    tpu.wait_dma2 semaphore(%arg12 : memref<!tpu.dma_semaphore, #tpu.memory_space<semaphore_mem>>) src(%dma_wait3A_111 : memref<8x128xf32, #tpu.memory_space<vmem>>) dst(%dma_wait3A_107 : memref<8x128xf32, #tpu.memory_space<hbm>>)
    %dma_wait3A_112 = arith.constant 0 : i32
    %dma_wait3A_113 = arith.constant 48 : i32
    %dma_wait3A_114 = arith.constant 4 : i32
    %dma_wait3A_115 = arith.constant 32 : i32
    %dma_wait3A_116 = arith.constant 0 : i32
    %dma_wait3A_117 = tpu.memref_slice %arg9[%dma_wait3A_112, %dma_wait3A_115, %dma_wait3A_116] : memref<2x64x128xf32, #tpu.memory_space<vmem>> -> memref<1x8x128xf32, #tpu.memory_space<vmem>>
    %dma_wait3A_118 = tpu.memref_squeeze %dma_wait3A_117 : memref<1x8x128xf32, #tpu.memory_space<vmem>> -> memref<8x128xf32, #tpu.memory_space<vmem>>
    %dma_wait3A_119 = arith.constant 0 : i32
    %dma_wait3A_120 = arith.constant 0 : i32
    %dma_wait3A_121 = tpu.memref_slice %arg4[%dma_wait3A_113, %dma_wait3A_114, %add3A, %dma_wait3A_119, %dma_wait3A_120] : memref<50x8x32x8x128xf32, #tpu.memory_space<hbm>> -> memref<1x1x1x8x128xf32, #tpu.memory_space<hbm>>
    %dma_wait3A_122 = tpu.memref_squeeze %dma_wait3A_121 : memref<1x1x1x8x128xf32, #tpu.memory_space<hbm>> -> memref<8x128xf32, #tpu.memory_space<hbm>>
    %dma_wait3A_123 = arith.constant 0 : i32
    %dma_wait3A_124 = arith.constant 0 : i32
    %dma_wait3A_125 = tpu.memref_slice %arg4[%dma_wait3A_113, %dma_wait3A_114, %add3A, %dma_wait3A_123, %dma_wait3A_124] : memref<50x8x32x8x128xf32, #tpu.memory_space<hbm>> -> memref<1x1x1x8x128xf32, #tpu.memory_space<hbm>>
    %dma_wait3A_126 = tpu.memref_squeeze %dma_wait3A_125 : memref<1x1x1x8x128xf32, #tpu.memory_space<hbm>> -> memref<8x128xf32, #tpu.memory_space<hbm>>
    %dma_wait3A_127 = arith.constant 32 : i32
    %dma_wait3A_128 = arith.constant 0 : i32
    %dma_wait3A_129 = tpu.memref_slice %arg9[%dma_wait3A_112, %dma_wait3A_127, %dma_wait3A_128] : memref<2x64x128xf32, #tpu.memory_space<vmem>> -> memref<1x8x128xf32, #tpu.memory_space<vmem>>
    %dma_wait3A_130 = tpu.memref_squeeze %dma_wait3A_129 : memref<1x8x128xf32, #tpu.memory_space<vmem>> -> memref<8x128xf32, #tpu.memory_space<vmem>>
    tpu.wait_dma2 semaphore(%arg12 : memref<!tpu.dma_semaphore, #tpu.memory_space<semaphore_mem>>) src(%dma_wait3A_130 : memref<8x128xf32, #tpu.memory_space<vmem>>) dst(%dma_wait3A_126 : memref<8x128xf32, #tpu.memory_space<hbm>>)
    %dma_wait3A_131 = arith.constant 0 : i32
    %dma_wait3A_132 = arith.constant 48 : i32
    %dma_wait3A_133 = arith.constant 5 : i32
    %dma_wait3A_134 = arith.constant 40 : i32
    %dma_wait3A_135 = arith.constant 0 : i32
    %dma_wait3A_136 = tpu.memref_slice %arg9[%dma_wait3A_131, %dma_wait3A_134, %dma_wait3A_135] : memref<2x64x128xf32, #tpu.memory_space<vmem>> -> memref<1x8x128xf32, #tpu.memory_space<vmem>>
    %dma_wait3A_137 = tpu.memref_squeeze %dma_wait3A_136 : memref<1x8x128xf32, #tpu.memory_space<vmem>> -> memref<8x128xf32, #tpu.memory_space<vmem>>
    %dma_wait3A_138 = arith.constant 0 : i32
    %dma_wait3A_139 = arith.constant 0 : i32
    %dma_wait3A_140 = tpu.memref_slice %arg4[%dma_wait3A_132, %dma_wait3A_133, %add3A, %dma_wait3A_138, %dma_wait3A_139] : memref<50x8x32x8x128xf32, #tpu.memory_space<hbm>> -> memref<1x1x1x8x128xf32, #tpu.memory_space<hbm>>
    %dma_wait3A_141 = tpu.memref_squeeze %dma_wait3A_140 : memref<1x1x1x8x128xf32, #tpu.memory_space<hbm>> -> memref<8x128xf32, #tpu.memory_space<hbm>>
    %dma_wait3A_142 = arith.constant 0 : i32
    %dma_wait3A_143 = arith.constant 0 : i32
    %dma_wait3A_144 = tpu.memref_slice %arg4[%dma_wait3A_132, %dma_wait3A_133, %add3A, %dma_wait3A_142, %dma_wait3A_143] : memref<50x8x32x8x128xf32, #tpu.memory_space<hbm>> -> memref<1x1x1x8x128xf32, #tpu.memory_space<hbm>>
    %dma_wait3A_145 = tpu.memref_squeeze %dma_wait3A_144 : memref<1x1x1x8x128xf32, #tpu.memory_space<hbm>> -> memref<8x128xf32, #tpu.memory_space<hbm>>
    %dma_wait3A_146 = arith.constant 40 : i32
    %dma_wait3A_147 = arith.constant 0 : i32
    %dma_wait3A_148 = tpu.memref_slice %arg9[%dma_wait3A_131, %dma_wait3A_146, %dma_wait3A_147] : memref<2x64x128xf32, #tpu.memory_space<vmem>> -> memref<1x8x128xf32, #tpu.memory_space<vmem>>
    %dma_wait3A_149 = tpu.memref_squeeze %dma_wait3A_148 : memref<1x8x128xf32, #tpu.memory_space<vmem>> -> memref<8x128xf32, #tpu.memory_space<vmem>>
    tpu.wait_dma2 semaphore(%arg12 : memref<!tpu.dma_semaphore, #tpu.memory_space<semaphore_mem>>) src(%dma_wait3A_149 : memref<8x128xf32, #tpu.memory_space<vmem>>) dst(%dma_wait3A_145 : memref<8x128xf32, #tpu.memory_space<hbm>>)
    %dma_wait3A_150 = arith.constant 0 : i32
    %dma_wait3A_151 = arith.constant 48 : i32
    %dma_wait3A_152 = arith.constant 6 : i32
    %dma_wait3A_153 = arith.constant 48 : i32
    %dma_wait3A_154 = arith.constant 0 : i32
    %dma_wait3A_155 = tpu.memref_slice %arg9[%dma_wait3A_150, %dma_wait3A_153, %dma_wait3A_154] : memref<2x64x128xf32, #tpu.memory_space<vmem>> -> memref<1x8x128xf32, #tpu.memory_space<vmem>>
    %dma_wait3A_156 = tpu.memref_squeeze %dma_wait3A_155 : memref<1x8x128xf32, #tpu.memory_space<vmem>> -> memref<8x128xf32, #tpu.memory_space<vmem>>
    %dma_wait3A_157 = arith.constant 0 : i32
    %dma_wait3A_158 = arith.constant 0 : i32
    %dma_wait3A_159 = tpu.memref_slice %arg4[%dma_wait3A_151, %dma_wait3A_152, %add3A, %dma_wait3A_157, %dma_wait3A_158] : memref<50x8x32x8x128xf32, #tpu.memory_space<hbm>> -> memref<1x1x1x8x128xf32, #tpu.memory_space<hbm>>
    %dma_wait3A_160 = tpu.memref_squeeze %dma_wait3A_159 : memref<1x1x1x8x128xf32, #tpu.memory_space<hbm>> -> memref<8x128xf32, #tpu.memory_space<hbm>>
    %dma_wait3A_161 = arith.constant 0 : i32
    %dma_wait3A_162 = arith.constant 0 : i32
    %dma_wait3A_163 = tpu.memref_slice %arg4[%dma_wait3A_151, %dma_wait3A_152, %add3A, %dma_wait3A_161, %dma_wait3A_162] : memref<50x8x32x8x128xf32, #tpu.memory_space<hbm>> -> memref<1x1x1x8x128xf32, #tpu.memory_space<hbm>>
    %dma_wait3A_164 = tpu.memref_squeeze %dma_wait3A_163 : memref<1x1x1x8x128xf32, #tpu.memory_space<hbm>> -> memref<8x128xf32, #tpu.memory_space<hbm>>
    %dma_wait3A_165 = arith.constant 48 : i32
    %dma_wait3A_166 = arith.constant 0 : i32
    %dma_wait3A_167 = tpu.memref_slice %arg9[%dma_wait3A_150, %dma_wait3A_165, %dma_wait3A_166] : memref<2x64x128xf32, #tpu.memory_space<vmem>> -> memref<1x8x128xf32, #tpu.memory_space<vmem>>
    %dma_wait3A_168 = tpu.memref_squeeze %dma_wait3A_167 : memref<1x8x128xf32, #tpu.memory_space<vmem>> -> memref<8x128xf32, #tpu.memory_space<vmem>>
    tpu.wait_dma2 semaphore(%arg12 : memref<!tpu.dma_semaphore, #tpu.memory_space<semaphore_mem>>) src(%dma_wait3A_168 : memref<8x128xf32, #tpu.memory_space<vmem>>) dst(%dma_wait3A_164 : memref<8x128xf32, #tpu.memory_space<hbm>>)
    %dma_wait3A_169 = arith.constant 0 : i32
    %dma_wait3A_170 = arith.constant 48 : i32
    %dma_wait3A_171 = arith.constant 7 : i32
    %dma_wait3A_172 = arith.constant 56 : i32
    %dma_wait3A_173 = arith.constant 0 : i32
    %dma_wait3A_174 = tpu.memref_slice %arg9[%dma_wait3A_169, %dma_wait3A_172, %dma_wait3A_173] : memref<2x64x128xf32, #tpu.memory_space<vmem>> -> memref<1x8x128xf32, #tpu.memory_space<vmem>>
    %dma_wait3A_175 = tpu.memref_squeeze %dma_wait3A_174 : memref<1x8x128xf32, #tpu.memory_space<vmem>> -> memref<8x128xf32, #tpu.memory_space<vmem>>
    %dma_wait3A_176 = arith.constant 0 : i32
    %dma_wait3A_177 = arith.constant 0 : i32
    %dma_wait3A_178 = tpu.memref_slice %arg4[%dma_wait3A_170, %dma_wait3A_171, %add3A, %dma_wait3A_176, %dma_wait3A_177] : memref<50x8x32x8x128xf32, #tpu.memory_space<hbm>> -> memref<1x1x1x8x128xf32, #tpu.memory_space<hbm>>
    %dma_wait3A_179 = tpu.memref_squeeze %dma_wait3A_178 : memref<1x1x1x8x128xf32, #tpu.memory_space<hbm>> -> memref<8x128xf32, #tpu.memory_space<hbm>>
    %dma_wait3A_180 = arith.constant 0 : i32
    %dma_wait3A_181 = arith.constant 0 : i32
    %dma_wait3A_182 = tpu.memref_slice %arg4[%dma_wait3A_170, %dma_wait3A_171, %add3A, %dma_wait3A_180, %dma_wait3A_181] : memref<50x8x32x8x128xf32, #tpu.memory_space<hbm>> -> memref<1x1x1x8x128xf32, #tpu.memory_space<hbm>>
    %dma_wait3A_183 = tpu.memref_squeeze %dma_wait3A_182 : memref<1x1x1x8x128xf32, #tpu.memory_space<hbm>> -> memref<8x128xf32, #tpu.memory_space<hbm>>
    %dma_wait3A_184 = arith.constant 56 : i32
    %dma_wait3A_185 = arith.constant 0 : i32
    %dma_wait3A_186 = tpu.memref_slice %arg9[%dma_wait3A_169, %dma_wait3A_184, %dma_wait3A_185] : memref<2x64x128xf32, #tpu.memory_space<vmem>> -> memref<1x8x128xf32, #tpu.memory_space<vmem>>
    %dma_wait3A_187 = tpu.memref_squeeze %dma_wait3A_186 : memref<1x8x128xf32, #tpu.memory_space<vmem>> -> memref<8x128xf32, #tpu.memory_space<vmem>>
    tpu.wait_dma2 semaphore(%arg12 : memref<!tpu.dma_semaphore, #tpu.memory_space<semaphore_mem>>) src(%dma_wait3A_187 : memref<8x128xf32, #tpu.memory_space<vmem>>) dst(%dma_wait3A_183 : memref<8x128xf32, #tpu.memory_space<hbm>>)
    %dma_wait3A_188 = arith.constant 1 : i32
    %dma_wait3A_189 = arith.constant 49 : i32
    %dma_wait3A_190 = arith.constant 0 : i32
    %dma_wait3A_191 = arith.constant 0 : i32
    %dma_wait3A_192 = arith.constant 0 : i32
    %dma_wait3A_193 = tpu.memref_slice %arg9[%dma_wait3A_188, %dma_wait3A_191, %dma_wait3A_192] : memref<2x64x128xf32, #tpu.memory_space<vmem>> -> memref<1x8x128xf32, #tpu.memory_space<vmem>>
    %dma_wait3A_194 = tpu.memref_squeeze %dma_wait3A_193 : memref<1x8x128xf32, #tpu.memory_space<vmem>> -> memref<8x128xf32, #tpu.memory_space<vmem>>
    %dma_wait3A_195 = arith.constant 0 : i32
    %dma_wait3A_196 = arith.constant 0 : i32
    %dma_wait3A_197 = tpu.memref_slice %arg4[%dma_wait3A_189, %dma_wait3A_190, %add3A, %dma_wait3A_195, %dma_wait3A_196] : memref<50x8x32x8x128xf32, #tpu.memory_space<hbm>> -> memref<1x1x1x8x128xf32, #tpu.memory_space<hbm>>
    %dma_wait3A_198 = tpu.memref_squeeze %dma_wait3A_197 : memref<1x1x1x8x128xf32, #tpu.memory_space<hbm>> -> memref<8x128xf32, #tpu.memory_space<hbm>>
    %dma_wait3A_199 = arith.constant 0 : i32
    %dma_wait3A_200 = arith.constant 0 : i32
    %dma_wait3A_201 = tpu.memref_slice %arg4[%dma_wait3A_189, %dma_wait3A_190, %add3A, %dma_wait3A_199, %dma_wait3A_200] : memref<50x8x32x8x128xf32, #tpu.memory_space<hbm>> -> memref<1x1x1x8x128xf32, #tpu.memory_space<hbm>>
    %dma_wait3A_202 = tpu.memref_squeeze %dma_wait3A_201 : memref<1x1x1x8x128xf32, #tpu.memory_space<hbm>> -> memref<8x128xf32, #tpu.memory_space<hbm>>
    %dma_wait3A_203 = arith.constant 0 : i32
    %dma_wait3A_204 = arith.constant 0 : i32
    %dma_wait3A_205 = tpu.memref_slice %arg9[%dma_wait3A_188, %dma_wait3A_203, %dma_wait3A_204] : memref<2x64x128xf32, #tpu.memory_space<vmem>> -> memref<1x8x128xf32, #tpu.memory_space<vmem>>
    %dma_wait3A_206 = tpu.memref_squeeze %dma_wait3A_205 : memref<1x8x128xf32, #tpu.memory_space<vmem>> -> memref<8x128xf32, #tpu.memory_space<vmem>>
    tpu.wait_dma2 semaphore(%arg13 : memref<!tpu.dma_semaphore, #tpu.memory_space<semaphore_mem>>) src(%dma_wait3A_206 : memref<8x128xf32, #tpu.memory_space<vmem>>) dst(%dma_wait3A_202 : memref<8x128xf32, #tpu.memory_space<hbm>>)
    %dma_wait3A_207 = arith.constant 1 : i32
    %dma_wait3A_208 = arith.constant 49 : i32
    %dma_wait3A_209 = arith.constant 1 : i32
    %dma_wait3A_210 = arith.constant 8 : i32
    %dma_wait3A_211 = arith.constant 0 : i32
    %dma_wait3A_212 = tpu.memref_slice %arg9[%dma_wait3A_207, %dma_wait3A_210, %dma_wait3A_211] : memref<2x64x128xf32, #tpu.memory_space<vmem>> -> memref<1x8x128xf32, #tpu.memory_space<vmem>>
    %dma_wait3A_213 = tpu.memref_squeeze %dma_wait3A_212 : memref<1x8x128xf32, #tpu.memory_space<vmem>> -> memref<8x128xf32, #tpu.memory_space<vmem>>
    %dma_wait3A_214 = arith.constant 0 : i32
    %dma_wait3A_215 = arith.constant 0 : i32
    %dma_wait3A_216 = tpu.memref_slice %arg4[%dma_wait3A_208, %dma_wait3A_209, %add3A, %dma_wait3A_214, %dma_wait3A_215] : memref<50x8x32x8x128xf32, #tpu.memory_space<hbm>> -> memref<1x1x1x8x128xf32, #tpu.memory_space<hbm>>
    %dma_wait3A_217 = tpu.memref_squeeze %dma_wait3A_216 : memref<1x1x1x8x128xf32, #tpu.memory_space<hbm>> -> memref<8x128xf32, #tpu.memory_space<hbm>>
    %dma_wait3A_218 = arith.constant 0 : i32
    %dma_wait3A_219 = arith.constant 0 : i32
    %dma_wait3A_220 = tpu.memref_slice %arg4[%dma_wait3A_208, %dma_wait3A_209, %add3A, %dma_wait3A_218, %dma_wait3A_219] : memref<50x8x32x8x128xf32, #tpu.memory_space<hbm>> -> memref<1x1x1x8x128xf32, #tpu.memory_space<hbm>>
    %dma_wait3A_221 = tpu.memref_squeeze %dma_wait3A_220 : memref<1x1x1x8x128xf32, #tpu.memory_space<hbm>> -> memref<8x128xf32, #tpu.memory_space<hbm>>
    %dma_wait3A_222 = arith.constant 8 : i32
    %dma_wait3A_223 = arith.constant 0 : i32
    %dma_wait3A_224 = tpu.memref_slice %arg9[%dma_wait3A_207, %dma_wait3A_222, %dma_wait3A_223] : memref<2x64x128xf32, #tpu.memory_space<vmem>> -> memref<1x8x128xf32, #tpu.memory_space<vmem>>
    %dma_wait3A_225 = tpu.memref_squeeze %dma_wait3A_224 : memref<1x8x128xf32, #tpu.memory_space<vmem>> -> memref<8x128xf32, #tpu.memory_space<vmem>>
    tpu.wait_dma2 semaphore(%arg13 : memref<!tpu.dma_semaphore, #tpu.memory_space<semaphore_mem>>) src(%dma_wait3A_225 : memref<8x128xf32, #tpu.memory_space<vmem>>) dst(%dma_wait3A_221 : memref<8x128xf32, #tpu.memory_space<hbm>>)
    %dma_wait3A_226 = arith.constant 1 : i32
    %dma_wait3A_227 = arith.constant 49 : i32
    %dma_wait3A_228 = arith.constant 2 : i32
    %dma_wait3A_229 = arith.constant 16 : i32
    %dma_wait3A_230 = arith.constant 0 : i32
    %dma_wait3A_231 = tpu.memref_slice %arg9[%dma_wait3A_226, %dma_wait3A_229, %dma_wait3A_230] : memref<2x64x128xf32, #tpu.memory_space<vmem>> -> memref<1x8x128xf32, #tpu.memory_space<vmem>>
    %dma_wait3A_232 = tpu.memref_squeeze %dma_wait3A_231 : memref<1x8x128xf32, #tpu.memory_space<vmem>> -> memref<8x128xf32, #tpu.memory_space<vmem>>
    %dma_wait3A_233 = arith.constant 0 : i32
    %dma_wait3A_234 = arith.constant 0 : i32
    %dma_wait3A_235 = tpu.memref_slice %arg4[%dma_wait3A_227, %dma_wait3A_228, %add3A, %dma_wait3A_233, %dma_wait3A_234] : memref<50x8x32x8x128xf32, #tpu.memory_space<hbm>> -> memref<1x1x1x8x128xf32, #tpu.memory_space<hbm>>
    %dma_wait3A_236 = tpu.memref_squeeze %dma_wait3A_235 : memref<1x1x1x8x128xf32, #tpu.memory_space<hbm>> -> memref<8x128xf32, #tpu.memory_space<hbm>>
    %dma_wait3A_237 = arith.constant 0 : i32
    %dma_wait3A_238 = arith.constant 0 : i32
    %dma_wait3A_239 = tpu.memref_slice %arg4[%dma_wait3A_227, %dma_wait3A_228, %add3A, %dma_wait3A_237, %dma_wait3A_238] : memref<50x8x32x8x128xf32, #tpu.memory_space<hbm>> -> memref<1x1x1x8x128xf32, #tpu.memory_space<hbm>>
    %dma_wait3A_240 = tpu.memref_squeeze %dma_wait3A_239 : memref<1x1x1x8x128xf32, #tpu.memory_space<hbm>> -> memref<8x128xf32, #tpu.memory_space<hbm>>
    %dma_wait3A_241 = arith.constant 16 : i32
    %dma_wait3A_242 = arith.constant 0 : i32
    %dma_wait3A_243 = tpu.memref_slice %arg9[%dma_wait3A_226, %dma_wait3A_241, %dma_wait3A_242] : memref<2x64x128xf32, #tpu.memory_space<vmem>> -> memref<1x8x128xf32, #tpu.memory_space<vmem>>
    %dma_wait3A_244 = tpu.memref_squeeze %dma_wait3A_243 : memref<1x8x128xf32, #tpu.memory_space<vmem>> -> memref<8x128xf32, #tpu.memory_space<vmem>>
    tpu.wait_dma2 semaphore(%arg13 : memref<!tpu.dma_semaphore, #tpu.memory_space<semaphore_mem>>) src(%dma_wait3A_244 : memref<8x128xf32, #tpu.memory_space<vmem>>) dst(%dma_wait3A_240 : memref<8x128xf32, #tpu.memory_space<hbm>>)
    %dma_wait3A_245 = arith.constant 1 : i32
    %dma_wait3A_246 = arith.constant 49 : i32
    %dma_wait3A_247 = arith.constant 3 : i32
    %dma_wait3A_248 = arith.constant 24 : i32
    %dma_wait3A_249 = arith.constant 0 : i32
    %dma_wait3A_250 = tpu.memref_slice %arg9[%dma_wait3A_245, %dma_wait3A_248, %dma_wait3A_249] : memref<2x64x128xf32, #tpu.memory_space<vmem>> -> memref<1x8x128xf32, #tpu.memory_space<vmem>>
    %dma_wait3A_251 = tpu.memref_squeeze %dma_wait3A_250 : memref<1x8x128xf32, #tpu.memory_space<vmem>> -> memref<8x128xf32, #tpu.memory_space<vmem>>
    %dma_wait3A_252 = arith.constant 0 : i32
    %dma_wait3A_253 = arith.constant 0 : i32
    %dma_wait3A_254 = tpu.memref_slice %arg4[%dma_wait3A_246, %dma_wait3A_247, %add3A, %dma_wait3A_252, %dma_wait3A_253] : memref<50x8x32x8x128xf32, #tpu.memory_space<hbm>> -> memref<1x1x1x8x128xf32, #tpu.memory_space<hbm>>
    %dma_wait3A_255 = tpu.memref_squeeze %dma_wait3A_254 : memref<1x1x1x8x128xf32, #tpu.memory_space<hbm>> -> memref<8x128xf32, #tpu.memory_space<hbm>>
    %dma_wait3A_256 = arith.constant 0 : i32
    %dma_wait3A_257 = arith.constant 0 : i32
    %dma_wait3A_258 = tpu.memref_slice %arg4[%dma_wait3A_246, %dma_wait3A_247, %add3A, %dma_wait3A_256, %dma_wait3A_257] : memref<50x8x32x8x128xf32, #tpu.memory_space<hbm>> -> memref<1x1x1x8x128xf32, #tpu.memory_space<hbm>>
    %dma_wait3A_259 = tpu.memref_squeeze %dma_wait3A_258 : memref<1x1x1x8x128xf32, #tpu.memory_space<hbm>> -> memref<8x128xf32, #tpu.memory_space<hbm>>
    %dma_wait3A_260 = arith.constant 24 : i32
    %dma_wait3A_261 = arith.constant 0 : i32
    %dma_wait3A_262 = tpu.memref_slice %arg9[%dma_wait3A_245, %dma_wait3A_260, %dma_wait3A_261] : memref<2x64x128xf32, #tpu.memory_space<vmem>> -> memref<1x8x128xf32, #tpu.memory_space<vmem>>
    %dma_wait3A_263 = tpu.memref_squeeze %dma_wait3A_262 : memref<1x8x128xf32, #tpu.memory_space<vmem>> -> memref<8x128xf32, #tpu.memory_space<vmem>>
    tpu.wait_dma2 semaphore(%arg13 : memref<!tpu.dma_semaphore, #tpu.memory_space<semaphore_mem>>) src(%dma_wait3A_263 : memref<8x128xf32, #tpu.memory_space<vmem>>) dst(%dma_wait3A_259 : memref<8x128xf32, #tpu.memory_space<hbm>>)
    %dma_wait3A_264 = arith.constant 1 : i32
    %dma_wait3A_265 = arith.constant 49 : i32
    %dma_wait3A_266 = arith.constant 4 : i32
    %dma_wait3A_267 = arith.constant 32 : i32
    %dma_wait3A_268 = arith.constant 0 : i32
    %dma_wait3A_269 = tpu.memref_slice %arg9[%dma_wait3A_264, %dma_wait3A_267, %dma_wait3A_268] : memref<2x64x128xf32, #tpu.memory_space<vmem>> -> memref<1x8x128xf32, #tpu.memory_space<vmem>>
    %dma_wait3A_270 = tpu.memref_squeeze %dma_wait3A_269 : memref<1x8x128xf32, #tpu.memory_space<vmem>> -> memref<8x128xf32, #tpu.memory_space<vmem>>
    %dma_wait3A_271 = arith.constant 0 : i32
    %dma_wait3A_272 = arith.constant 0 : i32
    %dma_wait3A_273 = tpu.memref_slice %arg4[%dma_wait3A_265, %dma_wait3A_266, %add3A, %dma_wait3A_271, %dma_wait3A_272] : memref<50x8x32x8x128xf32, #tpu.memory_space<hbm>> -> memref<1x1x1x8x128xf32, #tpu.memory_space<hbm>>
    %dma_wait3A_274 = tpu.memref_squeeze %dma_wait3A_273 : memref<1x1x1x8x128xf32, #tpu.memory_space<hbm>> -> memref<8x128xf32, #tpu.memory_space<hbm>>
    %dma_wait3A_275 = arith.constant 0 : i32
    %dma_wait3A_276 = arith.constant 0 : i32
    %dma_wait3A_277 = tpu.memref_slice %arg4[%dma_wait3A_265, %dma_wait3A_266, %add3A, %dma_wait3A_275, %dma_wait3A_276] : memref<50x8x32x8x128xf32, #tpu.memory_space<hbm>> -> memref<1x1x1x8x128xf32, #tpu.memory_space<hbm>>
    %dma_wait3A_278 = tpu.memref_squeeze %dma_wait3A_277 : memref<1x1x1x8x128xf32, #tpu.memory_space<hbm>> -> memref<8x128xf32, #tpu.memory_space<hbm>>
    %dma_wait3A_279 = arith.constant 32 : i32
    %dma_wait3A_280 = arith.constant 0 : i32
    %dma_wait3A_281 = tpu.memref_slice %arg9[%dma_wait3A_264, %dma_wait3A_279, %dma_wait3A_280] : memref<2x64x128xf32, #tpu.memory_space<vmem>> -> memref<1x8x128xf32, #tpu.memory_space<vmem>>
    %dma_wait3A_282 = tpu.memref_squeeze %dma_wait3A_281 : memref<1x8x128xf32, #tpu.memory_space<vmem>> -> memref<8x128xf32, #tpu.memory_space<vmem>>
    tpu.wait_dma2 semaphore(%arg13 : memref<!tpu.dma_semaphore, #tpu.memory_space<semaphore_mem>>) src(%dma_wait3A_282 : memref<8x128xf32, #tpu.memory_space<vmem>>) dst(%dma_wait3A_278 : memref<8x128xf32, #tpu.memory_space<hbm>>)
    %dma_wait3A_283 = arith.constant 1 : i32
    %dma_wait3A_284 = arith.constant 49 : i32
    %dma_wait3A_285 = arith.constant 5 : i32
    %dma_wait3A_286 = arith.constant 40 : i32
    %dma_wait3A_287 = arith.constant 0 : i32
    %dma_wait3A_288 = tpu.memref_slice %arg9[%dma_wait3A_283, %dma_wait3A_286, %dma_wait3A_287] : memref<2x64x128xf32, #tpu.memory_space<vmem>> -> memref<1x8x128xf32, #tpu.memory_space<vmem>>
    %dma_wait3A_289 = tpu.memref_squeeze %dma_wait3A_288 : memref<1x8x128xf32, #tpu.memory_space<vmem>> -> memref<8x128xf32, #tpu.memory_space<vmem>>
    %dma_wait3A_290 = arith.constant 0 : i32
    %dma_wait3A_291 = arith.constant 0 : i32
    %dma_wait3A_292 = tpu.memref_slice %arg4[%dma_wait3A_284, %dma_wait3A_285, %add3A, %dma_wait3A_290, %dma_wait3A_291] : memref<50x8x32x8x128xf32, #tpu.memory_space<hbm>> -> memref<1x1x1x8x128xf32, #tpu.memory_space<hbm>>
    %dma_wait3A_293 = tpu.memref_squeeze %dma_wait3A_292 : memref<1x1x1x8x128xf32, #tpu.memory_space<hbm>> -> memref<8x128xf32, #tpu.memory_space<hbm>>
    %dma_wait3A_294 = arith.constant 0 : i32
    %dma_wait3A_295 = arith.constant 0 : i32
    %dma_wait3A_296 = tpu.memref_slice %arg4[%dma_wait3A_284, %dma_wait3A_285, %add3A, %dma_wait3A_294, %dma_wait3A_295] : memref<50x8x32x8x128xf32, #tpu.memory_space<hbm>> -> memref<1x1x1x8x128xf32, #tpu.memory_space<hbm>>
    %dma_wait3A_297 = tpu.memref_squeeze %dma_wait3A_296 : memref<1x1x1x8x128xf32, #tpu.memory_space<hbm>> -> memref<8x128xf32, #tpu.memory_space<hbm>>
    %dma_wait3A_298 = arith.constant 40 : i32
    %dma_wait3A_299 = arith.constant 0 : i32
    %dma_wait3A_300 = tpu.memref_slice %arg9[%dma_wait3A_283, %dma_wait3A_298, %dma_wait3A_299] : memref<2x64x128xf32, #tpu.memory_space<vmem>> -> memref<1x8x128xf32, #tpu.memory_space<vmem>>
    %dma_wait3A_301 = tpu.memref_squeeze %dma_wait3A_300 : memref<1x8x128xf32, #tpu.memory_space<vmem>> -> memref<8x128xf32, #tpu.memory_space<vmem>>
    tpu.wait_dma2 semaphore(%arg13 : memref<!tpu.dma_semaphore, #tpu.memory_space<semaphore_mem>>) src(%dma_wait3A_301 : memref<8x128xf32, #tpu.memory_space<vmem>>) dst(%dma_wait3A_297 : memref<8x128xf32, #tpu.memory_space<hbm>>)
    %dma_wait3A_302 = arith.constant 1 : i32
    %dma_wait3A_303 = arith.constant 49 : i32
    %dma_wait3A_304 = arith.constant 6 : i32
    %dma_wait3A_305 = arith.constant 48 : i32
    %dma_wait3A_306 = arith.constant 0 : i32
    %dma_wait3A_307 = tpu.memref_slice %arg9[%dma_wait3A_302, %dma_wait3A_305, %dma_wait3A_306] : memref<2x64x128xf32, #tpu.memory_space<vmem>> -> memref<1x8x128xf32, #tpu.memory_space<vmem>>
    %dma_wait3A_308 = tpu.memref_squeeze %dma_wait3A_307 : memref<1x8x128xf32, #tpu.memory_space<vmem>> -> memref<8x128xf32, #tpu.memory_space<vmem>>
    %dma_wait3A_309 = arith.constant 0 : i32
    %dma_wait3A_310 = arith.constant 0 : i32
    %dma_wait3A_311 = tpu.memref_slice %arg4[%dma_wait3A_303, %dma_wait3A_304, %add3A, %dma_wait3A_309, %dma_wait3A_310] : memref<50x8x32x8x128xf32, #tpu.memory_space<hbm>> -> memref<1x1x1x8x128xf32, #tpu.memory_space<hbm>>
    %dma_wait3A_312 = tpu.memref_squeeze %dma_wait3A_311 : memref<1x1x1x8x128xf32, #tpu.memory_space<hbm>> -> memref<8x128xf32, #tpu.memory_space<hbm>>
    %dma_wait3A_313 = arith.constant 0 : i32
    %dma_wait3A_314 = arith.constant 0 : i32
    %dma_wait3A_315 = tpu.memref_slice %arg4[%dma_wait3A_303, %dma_wait3A_304, %add3A, %dma_wait3A_313, %dma_wait3A_314] : memref<50x8x32x8x128xf32, #tpu.memory_space<hbm>> -> memref<1x1x1x8x128xf32, #tpu.memory_space<hbm>>
    %dma_wait3A_316 = tpu.memref_squeeze %dma_wait3A_315 : memref<1x1x1x8x128xf32, #tpu.memory_space<hbm>> -> memref<8x128xf32, #tpu.memory_space<hbm>>
    %dma_wait3A_317 = arith.constant 48 : i32
    %dma_wait3A_318 = arith.constant 0 : i32
    %dma_wait3A_319 = tpu.memref_slice %arg9[%dma_wait3A_302, %dma_wait3A_317, %dma_wait3A_318] : memref<2x64x128xf32, #tpu.memory_space<vmem>> -> memref<1x8x128xf32, #tpu.memory_space<vmem>>
    %dma_wait3A_320 = tpu.memref_squeeze %dma_wait3A_319 : memref<1x8x128xf32, #tpu.memory_space<vmem>> -> memref<8x128xf32, #tpu.memory_space<vmem>>
    tpu.wait_dma2 semaphore(%arg13 : memref<!tpu.dma_semaphore, #tpu.memory_space<semaphore_mem>>) src(%dma_wait3A_320 : memref<8x128xf32, #tpu.memory_space<vmem>>) dst(%dma_wait3A_316 : memref<8x128xf32, #tpu.memory_space<hbm>>)
    %dma_wait3A_321 = arith.constant 1 : i32
    %dma_wait3A_322 = arith.constant 49 : i32
    %dma_wait3A_323 = arith.constant 7 : i32
    %dma_wait3A_324 = arith.constant 56 : i32
    %dma_wait3A_325 = arith.constant 0 : i32
    %dma_wait3A_326 = tpu.memref_slice %arg9[%dma_wait3A_321, %dma_wait3A_324, %dma_wait3A_325] : memref<2x64x128xf32, #tpu.memory_space<vmem>> -> memref<1x8x128xf32, #tpu.memory_space<vmem>>
    %dma_wait3A_327 = tpu.memref_squeeze %dma_wait3A_326 : memref<1x8x128xf32, #tpu.memory_space<vmem>> -> memref<8x128xf32, #tpu.memory_space<vmem>>
    %dma_wait3A_328 = arith.constant 0 : i32
    %dma_wait3A_329 = arith.constant 0 : i32
    %dma_wait3A_330 = tpu.memref_slice %arg4[%dma_wait3A_322, %dma_wait3A_323, %add3A, %dma_wait3A_328, %dma_wait3A_329] : memref<50x8x32x8x128xf32, #tpu.memory_space<hbm>> -> memref<1x1x1x8x128xf32, #tpu.memory_space<hbm>>
    %dma_wait3A_331 = tpu.memref_squeeze %dma_wait3A_330 : memref<1x1x1x8x128xf32, #tpu.memory_space<hbm>> -> memref<8x128xf32, #tpu.memory_space<hbm>>
    %dma_wait3A_332 = arith.constant 0 : i32
    %dma_wait3A_333 = arith.constant 0 : i32
    %dma_wait3A_334 = tpu.memref_slice %arg4[%dma_wait3A_322, %dma_wait3A_323, %add3A, %dma_wait3A_332, %dma_wait3A_333] : memref<50x8x32x8x128xf32, #tpu.memory_space<hbm>> -> memref<1x1x1x8x128xf32, #tpu.memory_space<hbm>>
    %dma_wait3A_335 = tpu.memref_squeeze %dma_wait3A_334 : memref<1x1x1x8x128xf32, #tpu.memory_space<hbm>> -> memref<8x128xf32, #tpu.memory_space<hbm>>
    %dma_wait3A_336 = arith.constant 56 : i32
    %dma_wait3A_337 = arith.constant 0 : i32
    %dma_wait3A_338 = tpu.memref_slice %arg9[%dma_wait3A_321, %dma_wait3A_336, %dma_wait3A_337] : memref<2x64x128xf32, #tpu.memory_space<vmem>> -> memref<1x8x128xf32, #tpu.memory_space<vmem>>
    %dma_wait3A_339 = tpu.memref_squeeze %dma_wait3A_338 : memref<1x8x128xf32, #tpu.memory_space<vmem>> -> memref<8x128xf32, #tpu.memory_space<vmem>>
    tpu.wait_dma2 semaphore(%arg13 : memref<!tpu.dma_semaphore, #tpu.memory_space<semaphore_mem>>) src(%dma_wait3A_339 : memref<8x128xf32, #tpu.memory_space<vmem>>) dst(%dma_wait3A_335 : memref<8x128xf32, #tpu.memory_space<hbm>>)
    return
  }
}

</mosaic_0001>

<sc_bundles>
// kernel: kernel.3.cloned.1.call-start
scs
__scs_entry_jumppad:
0x0: {  	(pc) =	sbr.rel $0x88, $3  }
0x1: {  	(tag) =	ssettag $0x0;
	lr =	simm.s32 $0x1  }
0x2: {  	[smem:$0x3F9F] =	sst lr;
	_ =	strace $0xD0000000  }
0x3: {  	_ = 	snop  }
0x4: {  	_ = 	snop  }
0x5: {  	_ = 	snop  }
0x6: {  	_ = 	snop  }
0x7: {  	_ = 	snop  }
__scs_overlays_trampoline_lowered:
0x8: {  	[smem:$0x3FAE] =	sst s0  }
0x9: {  	[smem:$0x3FAF] =	sst s1  }
0xa: {  	[smem:$0x3FB0] =	sst s2  }
0xb: {  	[smem:$0x3FB1] =	sst s3  }
0xc: {  	[smem:$0x3FB2] =	sst s4  }
0xd: {  	[smem:$0x3FB3] =	sst s5  }
0xe: {  	[smem:$0x3FB4] =	sst s6  }
0xf: {  	[smem:$0x3FB5] =	sst s7  }
0x10: {  	[smem:$0x3FB6] =	sst s8  }
0x11: {  	[smem:$0x3FB7] =	sst s9;
	s0 =	simm.s32 @!p0 $0x0  }
0x12: {  	s1 =	sld [smem:$0x3F9D];
	s0 =	simm.s32 @p0 $0x1  }
0x13: {  	[smem:$0x3FB8] =	sst s0;
	s0 =	simm.s32 @!p1 $0x0  }
0x14: {  	s2 =	sld [smem:$0x3F9C];
	s0 =	simm.s32 @p1 $0x1  }
0x15: {  	[smem:$0x3FB9] =	sst s0;
	s0 =	simm.s32 @!p2 $0x0  }
0x16: {  	s3 =	sld [smem:$0x3FDB];
	s0 =	simm.s32 @p2 $0x1  }
0x17: {  	s4 =	simm.s32 $0x1BF5;
	[smem:$0x3FBB] =	sst s0  }
0x18: {  	s0 =	sld [smem:$0x3F9E];
	_ =	swait.ge [sflag:s4], $0x0  }
0x19: {  	s7 =	sld [smem:$0x3F9F]  }
0x1a: {  	s8 =	sadd.s32 $0xFFFFE003, lr  }
0x1b: {  	s9 =	sadd.s32 $0xFFFFFEF7, lr;
	s5 =	simm.s32 $0xFFFFFFFF;
	p2 =	slt.u32 s8, $0xFFFFF086  }
0x1c: {  	p1 =	slt.u32 s9, $0xF7A;
	s5 =	simm.s32 @!p2 $0x0  }
0x1d: {  	s5 =	simm.s32 @p1 $0x1;
	p0 =	seq.s32 s7, s2  }
0x1e: {  	s7 =	smul.u32 @!p0 $0xF7A, s2;
	p2 =	seq.s32 @!p0 s5, $0x0  }
0x1f: {  	s9 =	smul.u32 $0xF7A, s1;
	s8 =	simm.s32 @!p0 $0x1BF5;
	p2 =	por !p2, p0  }
0x20: {  	[sflag:s8] =	ssyncset.s32 @!p0 $0xFFFFF086;
	s6 =	sadd.s32 @!p0 s3, s7;
	s7 =	simm.s32 @!p0 $0x108  }
0x21: {  	s3 =	sadd.s32 s3, s9;
	s6 =	sadd.s32 @!p0 $0x88, s6;
	s7 =	simm.s32 @p2 $0x1082  }
0x22: {  	[simem:s7], [sflag:s8] =	dma.local @!p0 [hbm:s6], $0xF7A  }
0x23: {  	s9 =	sor.u32 $0xD0000000, s2;
	s6 =	simm.s32 $0x108;
	_ =	swait.ge @!p0 [sflag:s8], $0x0  }
0x24: {  	s3 =	sadd.s32 $0x88, s3;
	s6 =	simm.s32 @!p1 $0x1082;
	[sflag:s4] =	ssyncset.s32 $0xFFFFF086  }
0x25: {  	[simem:s6], [sflag:s4] =	dma.local [hbm:s3], $0xF7A  }
0x26: {  	[smem:$0x3F9F] =	sst s1;
	(tag) =	ssettag s2;
	_ =	strace s9  }
0x27: {  	s1 =	sld [smem:$0x3FAF]  }
0x28: {  	s2 =	sld [smem:$0x3FB0]  }
0x29: {  	s4 =	sld [smem:$0x3FB2]  }
0x2a: {  	p0 =	seq.s32 s5, $0x0;
	s5 =	sld [smem:$0x3FB3]  }
0x2b: {  	s6 =	sld [smem:$0x3FB4]  }
0x2c: {  	s7 =	sld [smem:$0x3FB5]  }
0x2d: {  	s3 =	simm.s32 $0x108;
	s8 =	sld [smem:$0x3FB6]  }
0x2e: {  	s3 =	simm.s32 @!p0 $0x1082;
	s9 =	sld [smem:$0x3FB7]  }
0x2f: {  	lr =	sadd.s32 s0, s3;
	s0 =	sld [smem:$0x3FAE]  }
0x30: {  	s3 =	sld [smem:$0x3FB1]  }
0x31: {  	[smem:$0x3FBA] =	sst s10  }
0x32: {  	s10 =	sld [smem:$0x3FB8];
	_ =	sdelay $0x3  }
0x33: {  	p0 =	seq.s32 s10, $0x1;
	s10 =	sld [smem:$0x3FBA];
	_ =	sdelay $0x3  }
0x34: {  	[smem:$0x3FBA] =	sst s10  }
0x35: {  	s10 =	sld [smem:$0x3FB9];
	_ =	sdelay $0x3  }
0x36: {  	p1 =	seq.s32 s10, $0x1;
	s10 =	sld [smem:$0x3FBA];
	_ =	sdelay $0x3  }
0x37: {  	[smem:$0x3FBA] =	sst s10  }
0x38: {  	s10 =	sld [smem:$0x3FBB]  }
0x39: {  	_ = 	snop;
	(pc) =	sbr.ind lr, $3  }
0x3a: {  	_ = 	snop  }
0x3b: {  	_ = 	snop  }
0x3c: {  	p2 =	seq.s32 s10, $0x1;
	s10 =	sld [smem:$0x3FBA]  }
0x3d: {  	_ =	shalt  }
0x3e: {  	_ =	shalt  }
0x3f: {  	_ =	shalt  }
0x40: {  	_ =	shalt  }
0x41: {  	_ =	shalt  }
0x42: {  	_ =	shalt  }
0x43: {  	_ =	shalt  }
0x44: {  	_ =	shalt  }
0x45: {  	_ =	shalt  }
0x46: {  	_ =	shalt  }
0x47: {  	_ =	shalt  }
0x48: {  	_ =	shalt  }
0x49: {  	_ =	shalt  }
0x4a: {  	_ =	shalt  }
0x4b: {  	_ =	shalt  }
0x4c: {  	_ =	shalt  }
0x4d: {  	_ =	shalt  }
0x4e: {  	_ =	shalt  }
0x4f: {  	_ =	shalt  }
0x50: {  	_ =	shalt  }
0x51: {  	_ =	shalt  }
0x52: {  	_ =	shalt  }
0x53: {  	_ =	shalt  }
0x54: {  	_ =	shalt  }
0x55: {  	_ =	shalt  }
0x56: {  	_ =	shalt  }
0x57: {  	_ =	shalt  }
0x58: {  	_ =	shalt  }
0x59: {  	_ =	shalt  }
0x5a: {  	_ =	shalt  }
0x5b: {  	_ =	shalt  }
0x5c: {  	_ =	shalt  }
0x5d: {  	_ =	shalt  }
0x5e: {  	_ =	shalt  }
0x5f: {  	_ =	shalt  }
0x60: {  	_ =	shalt  }
0x61: {  	_ =	shalt  }
0x62: {  	_ =	shalt  }
0x63: {  	_ =	shalt  }
0x64: {  	_ =	shalt  }
0x65: {  	_ =	shalt  }
0x66: {  	_ =	shalt  }
0x67: {  	_ =	shalt  }
0x68: {  	_ =	shalt  }
0x69: {  	_ =	shalt  }
0x6a: {  	_ =	shalt  }
0x6b: {  	_ =	shalt  }
0x6c: {  	_ =	shalt  }
0x6d: {  	_ =	shalt  }
0x6e: {  	_ =	shalt  }
0x6f: {  	_ =	shalt  }
0x70: {  	_ =	shalt  }
0x71: {  	_ =	shalt  }
0x72: {  	_ =	shalt  }
0x73: {  	_ =	shalt  }
0x74: {  	_ =	shalt  }
0x75: {  	_ =	shalt  }
0x76: {  	_ =	shalt  }
0x77: {  	_ =	shalt  }
0x78: {  	_ =	shalt  }
0x79: {  	_ =	shalt  }
0x7a: {  	_ =	shalt  }
0x7b: {  	_ =	shalt  }
0x7c: {  	_ =	shalt  }
0x7d: {  	_ =	shalt  }
0x7e: {  	_ =	shalt  }
0x7f: {  	_ =	shalt  }
0x80: {  	_ =	shalt  }
0x81: {  	_ =	shalt  }
0x82: {  	_ =	shalt  }
0x83: {  	_ =	shalt  }
0x84: {  	_ =	shalt  }
0x85: {  	_ =	shalt  }
0x86: {  	_ =	shalt  }
0x87: {  	_ =	shalt  }
.Lfunc_end0:
.L_simem_size_0:
called_computation_lowered:
.L_overlay_start_0:
0x88: {  	s2 =	sld [smem:$0x3FD9]  }
0x89: {  	s3 =	sld [smem:$0x3FFE];
	_ =	sdelay $0x1  }
0x8a: {  	s1 =	srdreg.scid  }
0x8b: {  	s0 =	sand.u32 $0x1, s1  }
0x8c: {  	s17 =	sshll.u32 s0, $0xA;
	s2 =	sadd.s32 s3, s2  }
0x8d: {  	s2 =	sadd.s32 s2, s17  }
0x8e: {  	[smem:$0x3FC6] =	sst s2  }
0x8f: {  	_ = 	snop  }
0x90: {  	s2 =	sld [smem:$0x3FD0];
	(tm) =	ssettm $0x1  }
0x91: {  	s18 =	sld [smem:$0x3FFB];
	_ =	sdelay $0x3  }
0x92: {  	_ =	strace s18  }
0x93: {  	s3 =	sld [smem:$0x3FFC];
	_ =	sdelay $0x3  }
0x94: {  	_ =	strace s3  }
0x95: {  	s3 =	sld [smem:$0x3FFD];
	_ =	sdelay $0x3  }
0x96: {  	_ =	strace s3  }
0x97: {  	_ =	strace $0x8FFFFFFF  }
0x98: {  	s19 =	sld [smem:$0x3FDB];
	_ =	sdelay $0x1  }
0x99: {  	s4 =	simm.s32 $_scs_section_size  }
0x9a: {  	s5 =	simm.s32 $_size__tile_overlayer_lowered;
	s6 =	simm.s32 $_tile_overlayer_lowered  }
0x9b: {  	s22 =	simm.s32 $0x1BFF;
	s21 =	sshll.u32 s6, $0x1;
	s3 =	sadd.s32 s4, s19  }
0x9c: {  	s7 =	simm.s32 $0x0;
	s20 =	sshll.u32 s5, $0x1;
	s5 =	sadd.s32 s21, s3  }
0x9d: {  	[timem:s7], [sflag:s22] =	dma.local [hbm:s5], s20  }
0x9e: {  	_ =	swait.ge [sflag:s22], s20  }
0x9f: {  	s4 =	ssub.s32 $0x0, s20;
	[sflag:s22] =	ssyncset.done $0x0  }
0xa0: {  	[sflag:s22] =	ssyncadd.s32 s4;
	_ =	sdelay $0x1  }
0xa1: {  	s23 =	simm.s32 $0x1B8B  }
0xa2: {  	_ =	swait.ge [sflag:s23], $0x1  }
0xa3: {  	[sflag:s23] =	ssyncset.done $0x0  }
0xa4: {  	s25 =	simm.s32 $0x1B8E;
	s24 =	sld [smem:$0x3FFE];
	[sflag:s23] =	ssyncadd.s32 $0xFFFFFFFF  }
0xa5: {  	s26 =	simm.s32 $execute0_lowered;
	[smem:$0x3FD2] =	sst s25  }
0xa6: {  	s5 =	sshll.u32 s26, $0x1;
	_ =	strace $0x80000046;
	[dreg:$0x1] =	wrdreg $0xFFFFFFFF  }
0xa7: {  	s28 =	simm.s32 $_size_execute0_lowered;
	s3 =	sadd.s32 s3, s5;
	[dreg:$0x0] =	wrdreg $0x0  }
0xa8: {  	s5 =	sshll.u32 s28, $0x1;
	[dreg:$0x2] =	wrdreg s3  }
0xa9: {  	[dreg:$0x3] =	wrdreg s5  }
0xaa: {  	[dreg:$0x4] =	wrdreg $0xC0  }
0xab: {  	_ =	task [dreg:s7], $0x5FFFF  }
0xac: {  	[dreg:$0x1] =	wrdreg $0xFFFFFFFF  }
0xad: {  	[dreg:$0x0] =	wrdreg $0x60  }
0xae: {  	[dreg:$0x2] =	wrdreg s24  }
0xaf: {  	[dreg:$0x3] =	wrdreg s2  }
0xb0: {  	[dreg:$0x4] =	wrdreg $0x9  }
0xb1: {  	_ =	task.clear_ibuf [dreg:s7], $0x5FFFF;
	_ =	strace $0x90000046  }
0xb2: {  	s29 =	simm.s32 $0x9;
	_ =	strace $0x80000048  }
0xb3: {  	_ =	swait.ge [sflag:s29], $0x1  }
0xb4: {  	[sflag:s29] =	ssyncadd.s32 $0xFFFFFFFF  }
0xb5: {  	_ =	strace $0x90000048  }
0xb6: {  	_ =	sfence  }
0xb7: {  	s30 =	sld [smem:$0x0];
	_ =	sdelay $0x2  }
0xb8: {  	s31 =	sshll.u32 s1, $0xD;
	s1 =	sshrl.u32 s1, $0x2  }
0xb9: {  	s3 =	sand.u32 $0x4000, s31;
	s1 =	sadd.s32 s1, s30  }
0xba: {  	s0 =	sor.u32 s3, s0;
	s1 =	sshll.u32 s1, $0x11  }
0xbb: {  	s0 =	sor.u32 s1, s0  }
0xbc: {  	s0 =	sadd.s32 $0x8F2B, s0  }
0xbd: {  	[sflag:s0] =	ssyncadd.remote.s32 $0x1  }
0xbe: {  	_ =	sfence.sel $0xFFFF  }
0xbf: {  	[dreg:$0x0] =	wrdreg $0xFFFFFFFF;
	(pc) =	sbr.abs _section_cstart, $3  }
0xc0: {  	[dreg:$0x1] =	wrdreg $0xFFFFFFFF  }
0xc1: {  	_ =	task.clear_ibuf [dreg:s7], $0x2FFFF;
	_ =	strace $0x9FFFFFFF  }
0xc2: {  	(tm) =	ssettm $0x7FFFFFFF  }
0xc3: {  	_ =	shalt  }
tec
execute0_lowered:
.L_overlay_start_1:
0x0: {  	(tag) =	ssettag $0x1  }
0x1: {  	v0 =	vlaneseq.u32  }
0x2: {  	s0 =	rddreg [dreg:$0x0];
	s3 =	simm.s32 $0x0;
	v3 =	vmul.u32 $0x38, v0  }
0x3: {  	v39 =	vmul.u32 $0x48, v0;
	[smem:$0x7FF] =	sst s3  }
0x4: {  	s21 =	rddreg [dreg:$0x1];
	_ =	strace $0x80000047;
	[tilespmem:$0x1FD70] =	vst v3  }
0x5: {  	v0 =	vadd.s32 $0x483, v39;
	[tilespmem:$0x1FDD0] =	vst v39  }
0x6: {  	v19 =	vor.u32 $0x3, v39;
	[tilespmem:$0x1FC90] =	vst v0  }
0x7: {  	v4 =	vadd.s32 $0x380, v3;
	[tilespmem:$0x1FD60] =	vst v19  }
0x8: {  	v5 =	vadd.s32 $0x700, v3;
	[tilespmem:$0x1FD80] =	vst v4  }
0x9: {  	v6 =	vadd.s32 $0xA80, v3;
	[tilespmem:$0x1FD90] =	vst v5  }
0xa: {  	v7 =	vadd.s32 $0xE00, v3;
	[tilespmem:$0x1FDA0] =	vst v6  }
0xb: {  	v8 =	vadd.s32 $0x1180, v3;
	[tilespmem:$0x1FDB0] =	vst v7  }
0xc: {  	v10 =	vadd.s32 $0x1500, v3;
	[tilespmem:$0x1FDC0] =	vst v8  }
0xd: {  	v11 =	vadd.s32 $0x1880, v3;
	[tilespmem:$0x1FDE0] =	vst v10  }
0xe: {  	v30 =	vadd.s32 $0x1F80, v39;
	[tilespmem:$0x1FDF0] =	vst v11  }
0xf: {  	v15 =	vadd.s32 $0x1F81, v39;
	[tilespmem:$0x1FE00] =	vst v30  }
0x10: {  	v34 =	vadd.s32 $0x1F84, v39;
	[tilespmem:$0x1FE10] =	vst v15  }
0x11: {  	v60 =	vadd.s32 $0xD86, v39;
	[tilespmem:$0x1FE20] =	vst v34  }
0x12: {  	v13 =	vadd.s32 $0x1206, v39;
	[tilespmem:$0x1FE30] =	vst v60  }
0x13: {  	v50 =	vadd.s32 $0x1205, v39;
	[tilespmem:$0x1FE40] =	vst v13  }
0x14: {  	v56 =	vadd.s32 $0x906, v39;
	[tilespmem:$0x1FE50] =	vst v50  }
0x15: {  	v25 =	vadd.s32 $0x902, v39;
	[tilespmem:$0x1FE60] =	vst v56  }
0x16: {  	v14 =	vadd.s32 $0x1F82, v39;
	[tilespmem:$0x1FE70] =	vst v25  }
0x17: {  	v27 =	vadd.s32 $0xD82, v39;
	[tilespmem:$0x1FE80] =	vst v14  }
0x18: {  	v21 =	vadd.s32 $0x1B02, v39;
	[tilespmem:$0x1FE90] =	vst v27  }
0x19: {  	v20 =	vadd.s32 $0x1B01, v39;
	[tilespmem:$0x1FEA0] =	vst v21  }
0x1a: {  	v45 =	vadd.s32 $0x1202, v39;
	[tilespmem:$0x1FEB0] =	vst v20  }
0x1b: {  	v55 =	vadd.s32 $0x486, v39;
	[tilespmem:$0x1FEC0] =	vst v45  }
0x1c: {  	v48 =	vadd.s32 $0x1682, v39;
	[tilespmem:$0x1FED0] =	vst v55  }
0x1d: {  	v26 =	vadd.s32 $0x482, v39;
	[tilespmem:$0x1FEE0] =	vst v48  }
0x1e: {  	v29 =	vadd.s32 $0xD84, v39;
	[tilespmem:$0x1FEF0] =	vst v26  }
0x1f: {  	v57 =	vadd.s32 $0x1204, v39;
	[tilespmem:$0x1FF00] =	vst v29  }
0x20: {  	v58 =	vadd.s32 $0x1684, v39;
	[tilespmem:$0x1FF10] =	vst v57  }
0x21: {  	v44 =	vadd.s32 $0x485, v39;
	[tilespmem:$0x1FF20] =	vst v58  }
0x22: {  	v49 =	vadd.s32 $0x905, v39;
	[tilespmem:$0x1FF30] =	vst v44  }
0x23: {  	v63 =	vor.u32 $0x6, v39;
	[tilespmem:$0x1FF40] =	vst v49  }
0x24: {  	v51 =	vadd.s32 $0xD85, v39;
	[tilespmem:$0x1FF50] =	vst v63  }
0x25: {  	v28 =	vadd.s32 $0x481, v39;
	[tilespmem:$0x1FF60] =	vst v51  }
0x26: {  	v16 =	vadd.s32 $0x1680, v39;
	[tilespmem:$0x1FF70] =	vst v28  }
0x27: {  	v41 =	vor.u32 $0x2, v39;
	[tilespmem:$0x1FF80] =	vst v16  }
0x28: {  	v12 =	vadd.s32 $0x1B00, v39;
	[tilespmem:$0x1FF90] =	vst v41  }
0x29: {  	v43 =	vadd.s32 $0x1685, v39;
	[tilespmem:$0x1FFA0] =	vst v12  }
0x2a: {  	v53 =	vor.u32 $0x5, v39;
	[tilespmem:$0x1FFB0] =	vst v43  }
0x2b: {  	v40 =	vadd.s32 $0x1681, v39;
	[tilespmem:$0x1FFC0] =	vst v53  }
0x2c: {  	v31 =	vadd.s32 $0x901, v39;
	[tilespmem:$0x1FFD0] =	vst v40  }
0x2d: {  	v59 =	vadd.s32 $0x1B05, v39;
	[tilespmem:$0x1FFE0] =	vst v31  }
0x2e: {  	s1 =	srdreg.scid;
	s2 =	stileid.u32;
	v0 =	vadd.s32 $0x903, v39;
	[tilespmem:$0x1FFF0] =	vst v59  }
0x2f: {  	s30 =	simm.s32 $0x1;
	s31 =	simm.s32 $0x7500;
	s29 =	simm.s32 $0x4;
	[tilespmem:$0x1FCA0] =	vst v0;
	v0 =	vadd.s32 $0xD83, v39  }
0x30: {  	s1 =	sand.u32 $0x1, s1;
	s2 =	sshll.u32 s2, $0x1;
	s4 =	sadd.s32 $0xF42A00, s0;
	[tilespmem:$0x1FCB0] =	vst v0;
	v0 =	vadd.s32 $0x1203, v39  }
0x31: {  	s7 =	sadd.s32 $0x1000, s21;
	s8 =	sadd.s32 $0x2000, s21;
	s9 =	sadd.s32 $0x3000, s21;
	[tilespmem:$0x1FCC0] =	vst v0;
	v0 =	vadd.s32 $0x1683, v39  }
0x32: {  	s10 =	sadd.s32 $0x4000, s21;
	s11 =	sadd.s32 $0x5000, s21;
	s12 =	sadd.s32 $0x6000, s21;
	[tilespmem:$0x1FCD0] =	vst v0;
	v0 =	vadd.s32 $0x1B03, v39  }
0x33: {  	s13 =	sadd.s32 $0x7000, s21;
	s14 =	sadd.s32 $0x8000, s21;
	s15 =	sadd.s32 $0x9000, s21;
	[tilespmem:$0x1FCE0] =	vst v0;
	v0 =	vadd.s32 $0x1F83, v39  }
0x34: {  	s16 =	sadd.s32 $0xA000, s21;
	s17 =	sadd.s32 $0xB000, s21;
	s2 =	sor.u32 s1, s2;
	[tilespmem:$0x1FCF0] =	vst v0;
	v0 =	vor.u32 $0x4, v39  }
0x35: {  	s18 =	sadd.s32 $0xC000, s21;
	s1 =	ssub.s32 $0x2, s1;
	s5 =	smul.u32 $0x380, s2;
	[tilespmem:$0x1FD00] =	vst v0;
	v0 =	vadd.s32 $0x484, v39  }
.Ltmp0:
0x36: {  	v1 =	vimm.s32 $0x0;
	vm0 =	vcmask $0x300;
	s19 =	sadd.s32 $0xD000, s21;
	s26 =	sshrl.u32 s1, $0x1;
	[tilespmem:$0x1FD10] =	vst v0;
	v0 =	vadd.s32 $0x1B04, v39;
	(pc) =	sbr.rel .LBB2_1-.Ltmp0, $4  }
0x37: {  	v9 =	vsel vm0, $0x3, v1;
	s20 =	sadd.s32 $0xE000, s21;
	s21 =	sadd.s32 $0xF000, s21;
	v35 =	vadd.s32 $0x480, v39;
	s1 =	ssub.s32 s1, s26;
	[tilespmem:$0x1FD20] =	vst v0;
	v0 =	vadd.s32 $0x1F85, v39  }
0x38: {  	v36 =	vadd.s32 $0x900, v39;
	v37 =	vadd.s32 $0xD80, v39;
	s6 =	sshll.u32 s2, $0x7;
	s0 =	sadd.s32 s5, s0;
	s28 =	smax.u32 s1, $0x1;
	[tilespmem:$0x1FD30] =	vst v0;
	v0 =	vadd.s32 $0x1686, v39  }
0x39: {  	v38 =	vadd.s32 $0x1200, v39;
	v61 =	vor.u32 $0x1, v39;
	s2 =	simm.s32 $0x2;
	s0 =	sadd.s32 $0x600, s0;
	[dreg:$0x4] =	wrdreg s28;
	[tilespmem:$0x1FD40] =	vst v0;
	v0 =	vadd.s32 $0x1B06, v39  }
0x3a: {  	v32 =	vadd.s32 $0xD81, v39;
	v33 =	vadd.s32 $0x1201, v39;
	v42 =	vadd.s32 $0x904, v39;
	s1 =	simm.s32 $0x9900;
	s5 =	simm.s32 $0x0;
	[dreg:$0x3] =	wrdreg s0;
	[tilespmem:$0x1FD50] =	vst v0  }
.LBB2_18:
0x3b: {  	s0 =	simm.s32 $0x3  }
0x3c: {  	_ =	swait.ge [sflag:s0], $0x400  }
0x3d: {  	[sflag:s0] =	ssyncset.done $0x0  }
0x3e: {  	[sflag:s0] =	ssyncadd.s32 $0xFFFFFC00  }
0x3f: {  	_ =	swait.ge [sflag:s0], $0x400  }
0x40: {  	[sflag:s0] =	ssyncset.done $0x0  }
0x41: {  	[sflag:s0] =	ssyncadd.s32 $0xFFFFFC00  }
0x42: {  	_ =	swait.ge [sflag:s0], $0x400  }
0x43: {  	[sflag:s0] =	ssyncset.done $0x0  }
0x44: {  	[sflag:s0] =	ssyncadd.s32 $0xFFFFFC00  }
0x45: {  	_ =	swait.ge [sflag:s0], $0x400  }
0x46: {  	[sflag:s0] =	ssyncset.done $0x0  }
0x47: {  	[sflag:s0] =	ssyncadd.s32 $0xFFFFFC00  }
0x48: {  	_ =	swait.ge [sflag:s0], $0x400  }
0x49: {  	[sflag:s0] =	ssyncset.done $0x0  }
0x4a: {  	[sflag:s0] =	ssyncadd.s32 $0xFFFFFC00  }
0x4b: {  	_ =	swait.ge [sflag:s0], $0x400  }
0x4c: {  	[sflag:s0] =	ssyncset.done $0x0  }
0x4d: {  	[sflag:s0] =	ssyncadd.s32 $0xFFFFFC00  }
0x4e: {  	_ =	swait.ge [sflag:s0], $0x400  }
0x4f: {  	[sflag:s0] =	ssyncset.done $0x0  }
0x50: {  	[sflag:s0] =	ssyncadd.s32 $0xFFFFFC00  }
0x51: {  	_ =	swait.ge [sflag:s0], $0x400  }
0x52: {  	[sflag:s0] =	ssyncset.done $0x0  }
0x53: {  	[sflag:s0] =	ssyncadd.s32 $0xFFFFFC00  }
0x54: {  	_ =	swait.ge [sflag:s29], $0x400  }
0x55: {  	[sflag:s29] =	ssyncset.done $0x0  }
0x56: {  	[sflag:s29] =	ssyncadd.s32 $0xFFFFFC00  }
0x57: {  	_ =	swait.ge [sflag:s29], $0x400  }
0x58: {  	[sflag:s29] =	ssyncset.done $0x0  }
0x59: {  	[sflag:s29] =	ssyncadd.s32 $0xFFFFFC00  }
0x5a: {  	_ =	swait.ge [sflag:s29], $0x400  }
0x5b: {  	[sflag:s29] =	ssyncset.done $0x0  }
0x5c: {  	[sflag:s29] =	ssyncadd.s32 $0xFFFFFC00  }
0x5d: {  	_ =	swait.ge [sflag:s29], $0x400  }
0x5e: {  	[sflag:s29] =	ssyncset.done $0x0  }
0x5f: {  	[sflag:s29] =	ssyncadd.s32 $0xFFFFFC00  }
0x60: {  	_ =	swait.ge [sflag:s29], $0x400  }
0x61: {  	[sflag:s29] =	ssyncset.done $0x0  }
0x62: {  	[sflag:s29] =	ssyncadd.s32 $0xFFFFFC00  }
0x63: {  	_ =	swait.ge [sflag:s29], $0x400  }
0x64: {  	[sflag:s29] =	ssyncset.done $0x0  }
0x65: {  	[sflag:s29] =	ssyncadd.s32 $0xFFFFFC00  }
0x66: {  	_ =	swait.ge [sflag:s29], $0x400  }
0x67: {  	[sflag:s29] =	ssyncset.done $0x0  }
0x68: {  	[sflag:s29] =	ssyncadd.s32 $0xFFFFFC00  }
0x69: {  	_ =	swait.ge [sflag:s29], $0x400  }
0x6a: {  	v3 =	vld [tilespmem:$0x1FD70]  }
0x6b: {  	v4 =	vld [tilespmem:$0x1FD80]  }
0x6c: {  	v5 =	vld [tilespmem:$0x1FD90]  }
0x6d: {  	v6 =	vld [tilespmem:$0x1FDA0]  }
0x6e: {  	s5 =	rddreg [dreg:$0x5];
	v7 =	vld [tilespmem:$0x1FDB0]  }
0x6f: {  	s28 =	rddreg [dreg:$0x4];
	v8 =	vld [tilespmem:$0x1FDC0];
	s5 =	sadd.s32 $0x1, s5  }
0x70: {  	v39 =	vld [tilespmem:$0x1FDD0];
	p0 =	sne.s32 s5, s28  }
.Ltmp1:
0x71: {  	v10 =	vld [tilespmem:$0x1FDE0];
	(pc) =	sbr.rel @!p0 .LBB2_19-.Ltmp1, $4  }
0x72: {  	v11 =	vld [tilespmem:$0x1FDF0]  }
0x73: {  	v41 =	vld [tilespmem:$0x1FF90]  }
0x74: {  	[sflag:s29] =	ssyncset.done $0x0;
	v19 =	vld [tilespmem:$0x1FD60]  }
0x75: {  	v40 =	vmovc v52;
	v27 =	vmov v24;
	v45 =	vmov v23;
	v42 =	vmov v54;
	v60 =	vld [tilespmem:$0x1FE30];
	[sflag:s29] =	ssyncadd.s32 $0xFFFFFC00  }
.LBB2_1:
0x76: {  	v0 =	vmov s3  }
0x77: {  	[dreg:$0x5] =	wrdreg s5;
	v0 =	vand.u32 $0x3F, v0  }
0x78: {  	s0 =	rddreg [dreg:$0x3];
	s26 =	simm.s32 $0x5;
	v1 =	vadd.s32 v3, v0  }
0x79: {  	[tilespmem:s3], [sflag:$0x5] =	stream.linear.gather [hbm4b:s0+s3], $0x1C00, $0x38;
	[tilespmem:$0xFD00] =	vst v63  }
0x7a: {  	_ =	swait.ge [sflag:s26], $0x1C00  }
0x7b: {  	[sflag:s26] =	ssyncset.done $0x0  }
0x7c: {  	[sflag:s26] =	ssyncadd.s32 $0xFFFFE400  }
0x7d: {  	v1 =	vld.idx.msk [tilespmem:v1+s3+$0x0], $0xffff  }
0x7e: {  	v2 =	vadd.s32 v4, v0;
	_ =	sdelay $0x2  }
0x7f: {  	s5 =	simm.s32 $0x1C40  }
0x80: {  	[tilespmem:s5+$0xFFFFFFC0] =	vst v1  }
0x81: {  	v1 =	vld.idx.msk [tilespmem:v2+s3+$0x0], $0xffff  }
0x82: {  	v2 =	vadd.s32 v5, v0;
	_ =	sdelay $0x3  }
0x83: {  	[tilespmem:s5+$0xFFFFFFD0] =	vst v1  }
0x84: {  	v1 =	vld.idx.msk [tilespmem:v2+s3+$0x0], $0xffff  }
0x85: {  	v2 =	vadd.s32 v6, v0;
	_ =	sdelay $0x3  }
0x86: {  	[tilespmem:s5+$0xFFFFFFE0] =	vst v1  }
0x87: {  	v1 =	vld.idx.msk [tilespmem:v2+s3+$0x0], $0xffff  }
0x88: {  	v2 =	vadd.s32 v7, v0;
	_ =	sdelay $0x3  }
0x89: {  	[tilespmem:s5+$0xFFFFFFF0] =	vst v1  }
0x8a: {  	v1 =	vld.idx.msk [tilespmem:v2+s3+$0x0], $0xffff  }
0x8b: {  	v2 =	vadd.s32 v8, v0;
	_ =	sdelay $0x3  }
0x8c: {  	[tilespmem:s5+$0x0] =	vst v1  }
0x8d: {  	v1 =	vld.idx.msk [tilespmem:v2+s3+$0x0], $0xffff  }
0x8e: {  	v2 =	vadd.s32 v10, v0;
	_ =	sdelay $0x3  }
0x8f: {  	[tilespmem:s5+$0x10] =	vst v1  }
0x90: {  	v1 =	vld.idx.msk [tilespmem:v2+s3+$0x0], $0xffff  }
0x91: {  	v0 =	vadd.s32 v11, v0;
	_ =	sdelay $0x3  }
0x92: {  	s28 =	simm.s32 $0x1;
	[tilespmem:s5+$0x20] =	vst v1  }
0x93: {  	s0 =	simm.s32 $0x2;
	v1 =	vmov s28;
	v0 =	vld.idx.msk [tilespmem:v0+s3+$0x0], $0xffff  }
.LBB2_2:
0x94: {  	p0 =	sne.s32 s0, $0x31;
	v1 =	vand.u32 $0x3F, v1  }
0x95: {  	v2 =	vadd.s32 v3, v1;
	_ =	sdelay $0x3  }
0x96: {  	[tilespmem:s5+$0x30] =	vst v0  }
0x97: {  	v0 =	vld.idx.msk [tilespmem:v2+s3+$0x0], $0xffff;
	_ =	sdelay $0x1  }
0x98: {  	v2 =	vadd.s32 v4, v1;
	_ =	sdelay $0x2  }
0x99: {  	s5 =	sadd.s32 $0x80, s5  }
0x9a: {  	[tilespmem:s5+$0xFFFFFFC0] =	vst v0  }
0x9b: {  	v0 =	vld.idx.msk [tilespmem:v2+s3+$0x0], $0xffff;
	_ =	sdelay $0x1  }
0x9c: {  	v2 =	vadd.s32 v5, v1;
	_ =	sdelay $0x3  }
0x9d: {  	[tilespmem:s5+$0xFFFFFFD0] =	vst v0  }
0x9e: {  	v0 =	vld.idx.msk [tilespmem:v2+s3+$0x0], $0xffff;
	_ =	sdelay $0x1  }
0x9f: {  	v2 =	vadd.s32 v6, v1;
	_ =	sdelay $0x3  }
0xa0: {  	[tilespmem:s5+$0xFFFFFFE0] =	vst v0  }
0xa1: {  	v0 =	vld.idx.msk [tilespmem:v2+s3+$0x0], $0xffff;
	_ =	sdelay $0x1  }
0xa2: {  	v2 =	vadd.s32 v7, v1;
	_ =	sdelay $0x3  }
0xa3: {  	[tilespmem:s5+$0xFFFFFFF0] =	vst v0  }
0xa4: {  	v0 =	vld.idx.msk [tilespmem:v2+s3+$0x0], $0xffff;
	_ =	sdelay $0x1  }
0xa5: {  	v2 =	vadd.s32 v8, v1;
	_ =	sdelay $0x3  }
0xa6: {  	[tilespmem:s5+$0x0] =	vst v0  }
0xa7: {  	v0 =	vld.idx.msk [tilespmem:v2+s3+$0x0], $0xffff;
	_ =	sdelay $0x1  }
0xa8: {  	v2 =	vadd.s32 v10, v1;
	_ =	sdelay $0x3  }
0xa9: {  	[tilespmem:s5+$0x10] =	vst v0  }
0xaa: {  	v0 =	vld.idx.msk [tilespmem:v2+s3+$0x0], $0xffff;
	_ =	sdelay $0x1  }
0xab: {  	v2 =	vadd.s32 v11, v1  }
.Ltmp2:
0xac: {  	(pc) =	sbr.rel @p0 .LBB2_2-.Ltmp2, $3  }
0xad: {  	_ =	sdelay $0x1  }
0xae: {  	[tilespmem:s5+$0x20] =	vst v0  }
0xaf: {  	v1 =	vmov s0;
	s0 =	sadd.s32 $0x1, s0;
	v0 =	vld.idx.msk [tilespmem:v2+s3+$0x0], $0xffff  }
0xb0: {  	v1 =	vand.u32 $0x3F, v1  }
0xb1: {  	v2 =	vadd.s32 v3, v1;
	_ =	sdelay $0x3  }
0xb2: {  	[tilespmem:s5+$0x30] =	vst v0  }
0xb3: {  	v0 =	vld.idx.msk [tilespmem:v2+s3+$0x0], $0xffff  }
0xb4: {  	v34 =	vadd.s32 v4, v1;
	_ =	sdelay $0x2  }
0xb5: {  	s0 =	sadd.s32 $0x80, s5  }
0xb6: {  	[tilespmem:s0+$0xFFFFFFC0] =	vst v0  }
0xb7: {  	v0 =	vld.idx.msk [tilespmem:v34+s3+$0x0], $0xffff  }
0xb8: {  	v46 =	vadd.s32 v5, v1;
	_ =	sdelay $0x3  }
0xb9: {  	[tilespmem:s0+$0xFFFFFFD0] =	vst v0  }
0xba: {  	v0 =	vld.idx.msk [tilespmem:v46+s3+$0x0], $0xffff  }
0xbb: {  	v47 =	vadd.s32 v6, v1;
	_ =	sdelay $0x3  }
0xbc: {  	[tilespmem:s0+$0xFFFFFFE0] =	vst v0  }
0xbd: {  	v0 =	vld.idx.msk [tilespmem:v47+s3+$0x0], $0xffff  }
0xbe: {  	v52 =	vadd.s32 v7, v1;
	_ =	sdelay $0x3  }
0xbf: {  	[tilespmem:s0+$0xFFFFFFF0] =	vst v0  }
0xc0: {  	v0 =	vld.idx.msk [tilespmem:v52+s3+$0x0], $0xffff  }
0xc1: {  	v54 =	vadd.s32 v8, v1;
	_ =	sdelay $0x3  }
0xc2: {  	[tilespmem:s0+$0x0] =	vst v0  }
0xc3: {  	v0 =	vld.idx.msk [tilespmem:v54+s3+$0x0], $0xffff  }
0xc4: {  	v62 =	vadd.s32 v10, v1;
	_ =	sdelay $0x3  }
0xc5: {  	[tilespmem:s0+$0x10] =	vst v0  }
0xc6: {  	v0 =	vld.idx.msk [tilespmem:v62+s3+$0x0], $0xffff  }
0xc7: {  	v1 =	vadd.s32 v11, v1;
	_ =	sdelay $0x3  }
0xc8: {  	[tilespmem:s0+$0x20] =	vst v0  }
0xc9: {  	v0 =	vld.idx.msk [tilespmem:v1+s3+$0x0], $0xffff;
	_ =	sdelay $0x4  }
0xca: {  	s24 =	simm.s32 $0x80;
	s25 =	simm.s32 $0x1C00;
	s22 =	simm.s32 $0x3500;
	[tilespmem:s0+$0x30] =	vst v0  }
0xcb: {  	[tilespmem:s22], [sflag:$0x1] =	stream.indirect.gather [hbm4b:s4+s24], $0x40, s25, s24, $0xb8;
	[tilespmem:$0xFD00] =	vst v63  }
0xcc: {  	s26 =	simm.s32 $0x1C80;
	s28 =	simm.s32 $0x5500;
	s25 =	simm.s32 $0x0  }
0xcd: {  	[tilespmem:s28], [sflag:$0x2] =	stream.indirect.gather [hbm4b:s4+s24], $0x40, s26, s24, $0xb8;
	[tilespmem:$0xFD00] =	vst v63  }
.LBB2_4:
0xce: {  	_ =	swait.ge [sflag:s30], $0x2000  }
0xcf: {  	p0 =	seq.s32 s25, $0x0;
	[sflag:s30] =	ssyncset.done $0x0  }
0xd0: {  	s0 =	simm.s32 @!p0 $0x3;
	[sflag:s30] =	ssyncadd.s32 $0xFFFFE000  }
0xd1: {  	_ =	swait.ge @!p0 [sflag:s0], $0x400  }
0xd2: {  	[sflag:s0] =	ssyncset.done @!p0 $0x0  }
0xd3: {  	[sflag:s0] =	ssyncadd.s32 @!p0 $0xFFFFFC00  }
0xd4: {  	_ =	swait.ge @!p0 [sflag:s0], $0x400  }
0xd5: {  	[sflag:s0] =	ssyncset.done @!p0 $0x0  }
0xd6: {  	[sflag:s0] =	ssyncadd.s32 @!p0 $0xFFFFFC00  }
0xd7: {  	_ =	swait.ge @!p0 [sflag:s0], $0x400  }
0xd8: {  	[sflag:s0] =	ssyncset.done @!p0 $0x0  }
0xd9: {  	[sflag:s0] =	ssyncadd.s32 @!p0 $0xFFFFFC00  }
0xda: {  	_ =	swait.ge @!p0 [sflag:s0], $0x400  }
0xdb: {  	[sflag:s0] =	ssyncset.done @!p0 $0x0  }
0xdc: {  	[sflag:s0] =	ssyncadd.s32 @!p0 $0xFFFFFC00  }
0xdd: {  	_ =	swait.ge @!p0 [sflag:s0], $0x400  }
0xde: {  	[sflag:s0] =	ssyncset.done @!p0 $0x0  }
0xdf: {  	[sflag:s0] =	ssyncadd.s32 @!p0 $0xFFFFFC00  }
0xe0: {  	_ =	swait.ge @!p0 [sflag:s0], $0x400  }
0xe1: {  	[sflag:s0] =	ssyncset.done @!p0 $0x0  }
0xe2: {  	[sflag:s0] =	ssyncadd.s32 @!p0 $0xFFFFFC00  }
0xe3: {  	_ =	swait.ge @!p0 [sflag:s0], $0x400  }
0xe4: {  	[sflag:s0] =	ssyncset.done @!p0 $0x0  }
0xe5: {  	[sflag:s0] =	ssyncadd.s32 @!p0 $0xFFFFFC00  }
0xe6: {  	_ =	swait.ge @!p0 [sflag:s0], $0x400  }
0xe7: {  	[sflag:s0] =	ssyncset.done @!p0 $0x0  }
0xe8: {  	s26 =	simm.s32 $0x3600;
	[sflag:s0] =	ssyncadd.s32 @!p0 $0xFFFFFC00  }
0xe9: {  	v0 =	vld [tilespmem:s26+$0xC0]  }
0xea: {  	v1 =	vld [tilespmem:s26+$0xFFFFFF40]  }
0xeb: {  	v2 =	vld [tilespmem:s26+$0xFFFFFF80]  }
0xec: {  	v3 =	vld [tilespmem:s26+$0xFFFFFFC0]  }
0xed: {  	s22 =	simm.s32 $0x7620;
	v4 =	vld [tilespmem:s26+$0x0]  }
0xee: {  	v5 =	vld [tilespmem:s26+$0x40];
	[tilespmem:s22+$0xD8] =	vst v0  }
0xef: {  	[tilespmem:s22+$0xFFFFFF28] =	vst v1;
	v1 =	vld [tilespmem:s26+$0x80]  }
0xf0: {  	[tilespmem:s22+$0xFFFFFF70] =	vst v2;
	v2 =	vld [tilespmem:s26+$0xFFFFFF00]  }
0xf1: {  	[tilespmem:s22+$0xFFFFFFB8] =	vst v3;
	v0 =	vld [tilespmem:s26+$0xD0]  }
0xf2: {  	[tilespmem:s22+$0x0] =	vst v4;
	v3 =	vld [tilespmem:s26+$0xFFFFFF50]  }
0xf3: {  	[tilespmem:s22+$0x48] =	vst v5;
	v4 =	vld [tilespmem:s26+$0xFFFFFF90]  }
0xf4: {  	v5 =	vld [tilespmem:s26+$0xFFFFFFD0];
	[tilespmem:s22+$0x90] =	vst v1  }
0xf5: {  	[tilespmem:s22+$0xFFFFFEE0] =	vst v2;
	v1 =	vld [tilespmem:s26+$0x10]  }
0xf6: {  	[tilespmem:s22+$0xE8] =	vst v0;
	v2 =	vld [tilespmem:s26+$0xFFFFFF10]  }
0xf7: {  	[tilespmem:s22+$0xFFFFFF38] =	vst v3;
	v0 =	vld [tilespmem:s26+$0xE0]  }
0xf8: {  	[tilespmem:s22+$0xFFFFFF80] =	vst v4;
	v3 =	vld [tilespmem:s26+$0x50]  }
0xf9: {  	[tilespmem:s22+$0xFFFFFFC8] =	vst v5;
	v4 =	vld [tilespmem:s26+$0x90]  }
0xfa: {  	v5 =	vld [tilespmem:s26+$0xFFFFFF60];
	[tilespmem:s22+$0x10] =	vst v1  }
0xfb: {  	v1 =	vld [tilespmem:s26+$0xFFFFFFA0];
	[tilespmem:s22+$0xFFFFFEF0] =	vst v2  }
0xfc: {  	[tilespmem:s22+$0xF8] =	vst v0;
	v2 =	vld [tilespmem:s26+$0xFFFFFF20]  }
0xfd: {  	[tilespmem:s22+$0x58] =	vst v3;
	v0 =	vld [tilespmem:s26+$0xF0]  }
0xfe: {  	v3 =	vld [tilespmem:s26+$0xFFFFFFE0];
	[tilespmem:s22+$0xA0] =	vst v4  }
0xff: {  	v4 =	vld [tilespmem:s26+$0x20];
	[tilespmem:s22+$0xFFFFFF48] =	vst v5  }
0x100: {  	v6 =	vld [tilespmem:s26+$0x60];
	[tilespmem:s22+$0xFFFFFF90] =	vst v1  }
0x101: {  	[tilespmem:s22+$0xFFFFFF00] =	vst v2;
	v2 =	vld [tilespmem:s26+$0xFFFFFF70]  }
0x102: {  	[tilespmem:s22+$0x108] =	vst v0;
	v0 =	vld [tilespmem:s26+$0xA0]  }
0x103: {  	[tilespmem:s22+$0xFFFFFFD8] =	vst v3;
	v7 =	vld [tilespmem:s26+$0xFFFFFF30]  }
0x104: {  	v5 =	vld [tilespmem:s26+$0xFFFFFFB0];
	[tilespmem:s22+$0x20] =	vst v4  }
0x105: {  	v4 =	vld [tilespmem:s26+$0xFFFFFFF0];
	[tilespmem:s22+$0x68] =	vst v6  }
0x106: {  	v1 =	vld [tilespmem:s26+$0x30];
	[tilespmem:s22+$0xFFFFFF58] =	vst v2  }
0x107: {  	s28 =	sshll.u32 s25, $0xA;
	v2 =	vld [tilespmem:s26+$0x70];
	[tilespmem:s22+$0xB0] =	vst v0  }
0x108: {  	v54 =	vmov v58;
	v46 =	vmov v12;
	s23 =	simm.s32 $0x0;
	s5 =	simm.s32 $0xBF00;
	[tilespmem:s22+$0xFFFFFF10] =	vst v7;
	v3 =	vld [tilespmem:s26+$0xB0];
	s26 =	simm.s32 $0x3800  }
.LBB2_5:
0x109: {  	v0 =	vld [tilespmem:s26+$0xC0];
	s23 =	sadd.s32 $0x8, s23;
	[tilespmem:s22+$0xFFFFFFA0] =	vst v5  }
0x10a: {  	v5 =	vld [tilespmem:s26+$0xFFFFFF40];
	p1 =	slt.u32 s23, $0x78;
	[tilespmem:s22+$0xFFFFFFE8] =	vst v4  }
0x10b: {  	v4 =	vld [tilespmem:s26+$0xFFFFFF80];
	[tilespmem:s22+$0x30] =	vst v1  }
0x10c: {  	v1 =	vld [tilespmem:s26+$0xFFFFFFC0];
	[tilespmem:s22+$0x78] =	vst v2  }
0x10d: {  	v2 =	vld [tilespmem:s26+$0x0];
	[tilespmem:s22+$0xC0] =	vst v3;
	s22 =	sadd.s32 $0x240, s22  }
0x10e: {  	v3 =	vld [tilespmem:s26+$0x40];
	[tilespmem:s22+$0xD8] =	vst v0  }
0x10f: {  	[tilespmem:s22+$0xFFFFFF28] =	vst v5;
	v0 =	vld [tilespmem:s26+$0xD0]  }
0x110: {  	[tilespmem:s22+$0xFFFFFF70] =	vst v4;
	v4 =	vld [tilespmem:s26+$0x80]  }
0x111: {  	v5 =	vld [tilespmem:s26+$0xFFFFFF00];
	[tilespmem:s22+$0xFFFFFFB8] =	vst v1  }
0x112: {  	v1 =	vld [tilespmem:s26+$0xFFFFFF50];
	[tilespmem:s22+$0x0] =	vst v2  }
0x113: {  	v2 =	vld [tilespmem:s26+$0xFFFFFF90];
	[tilespmem:s22+$0x48] =	vst v3  }
0x114: {  	v3 =	vld [tilespmem:s26+$0xFFFFFFD0];
	[tilespmem:s22+$0xE8] =	vst v0  }
0x115: {  	[tilespmem:s22+$0x90] =	vst v4;
	v0 =	vld [tilespmem:s26+$0xE0]  }
0x116: {  	[tilespmem:s22+$0xFFFFFEE0] =	vst v5;
	v4 =	vld [tilespmem:s26+$0x10]  }
0x117: {  	v5 =	vld [tilespmem:s26+$0xFFFFFF10];
	[tilespmem:s22+$0xFFFFFF38] =	vst v1  }
0x118: {  	[tilespmem:s22+$0xFFFFFF80] =	vst v2;
	v1 =	vld [tilespmem:s26+$0x50]  }
0x119: {  	[tilespmem:s22+$0xFFFFFFC8] =	vst v3;
	v2 =	vld [tilespmem:s26+$0x90]  }
0x11a: {  	v3 =	vld [tilespmem:s26+$0xFFFFFF60];
	[tilespmem:s22+$0xF8] =	vst v0  }
0x11b: {  	[tilespmem:s22+$0x10] =	vst v4;
	v0 =	vld [tilespmem:s26+$0xF0]  }
0x11c: {  	[tilespmem:s22+$0xFFFFFEF0] =	vst v5;
	v4 =	vld [tilespmem:s26+$0xFFFFFFA0]  }
0x11d: {  	v5 =	vld [tilespmem:s26+$0xFFFFFF20];
	[tilespmem:s22+$0x58] =	vst v1  }
0x11e: {  	v1 =	vld [tilespmem:s26+$0xFFFFFFE0];
	[tilespmem:s22+$0xA0] =	vst v2  }
0x11f: {  	[tilespmem:s22+$0xFFFFFF48] =	vst v3;
	v2 =	vld [tilespmem:s26+$0x20]  }
0x120: {  	s0 =	simm.s32 $0x0;
	v3 =	vld [tilespmem:s26+$0x60];
	[tilespmem:s22+$0x108] =	vst v0  }
0x121: {  	[tilespmem:s22+$0xFFFFFF90] =	vst v4;
	v0 =	vld [tilespmem:s26+$0xA0]  }
0x122: {  	[tilespmem:s22+$0xFFFFFF00] =	vst v5;
	v6 =	vld [tilespmem:s26+$0xFFFFFF70]  }
0x123: {  	v7 =	vld [tilespmem:s26+$0xFFFFFF30];
	[tilespmem:s22+$0xFFFFFFD8] =	vst v1  }
.Ltmp3:
0x124: {  	v5 =	vld [tilespmem:s26+$0xFFFFFFB0];
	[tilespmem:s22+$0x20] =	vst v2;
	(pc) =	sbr.rel @p1 .LBB2_5-.Ltmp3, $4  }
0x125: {  	v4 =	vld [tilespmem:s26+$0xFFFFFFF0];
	[tilespmem:s22+$0x68] =	vst v3  }
0x126: {  	v1 =	vld [tilespmem:s26+$0x30];
	[tilespmem:s22+$0xB0] =	vst v0  }
0x127: {  	[tilespmem:s22+$0xFFFFFF58] =	vst v6;
	v2 =	vld [tilespmem:s26+$0x70]  }
0x128: {  	[tilespmem:s22+$0xFFFFFF10] =	vst v7;
	v3 =	vld [tilespmem:s26+$0xB0];
	s26 =	sadd.s32 $0x200, s26  }
0x129: {  	v0 =	vmov s0  }
0x12a: {  	s23 =	simm.s32 $0x1;
	s0 =	simm.s32 $0x4;
	s26 =	simm.s32 $0x5;
	v0 =	vshrl.u32 v0, $0x3  }
0x12b: {  	v6 =	vmov s23;
	s23 =	simm.s32 $0x3;
	v8 =	vmov s0;
	v10 =	vmov s26  }
0x12c: {  	s26 =	simm.s32 $0x7;
	v0 =	vshll.u32 v0, v9;
	v7 =	vmov s23;
	v6 =	vshrl.u32 v6, $0x3  }
0x12d: {  	s24 =	simm.s32 $0x2;
	v13 =	vmov s26;
	v8 =	vshrl.u32 v8, $0x3;
	v18 =	vshrl.u32 v10, $0x3  }
0x12e: {  	v11 =	vbroadcast v0, $0x0;
	v0 =	vmov s24;
	s24 =	simm.s32 $0x6;
	v7 =	vshrl.u32 v7, $0x3  }
0x12f: {  	[tilespmem:s22+$0xFFFFFFA0] =	vst v5;
	v6 =	vshll.u32 v6, v9;
	v12 =	vmov s24;
	v14 =	vshrl.u32 v0, $0x3  }
0x130: {  	[tilespmem:s22+$0xFFFFFFE8] =	vst v4;
	v0 =	vshrl.u32 v13, $0x3;
	v17 =	vbroadcast v6, $0x0;
	v6 =	vor.u32 $0x7, v39  }
0x131: {  	v4 =	vshll.u32 v7, v9;
	v15 =	vadd.s32 v39, v11;
	v0 =	vshll.u32 v0, v9;
	[tilespmem:$0x1FC10] =	vst v6  }
0x132: {  	v12 =	vshrl.u32 v12, $0x3;
	v5 =	vshll.u32 v14, v9;
	v14 =	vbroadcast v4, $0x0;
	[tilespmem:s22+$0x30] =	vst v1  }
0x133: {  	v4 =	vshll.u32 v8, v9;
	v0 =	vbroadcast v0, $0x0;
	v20 =	vadd.s32 v61, v17;
	[tilespmem:s22+$0x78] =	vst v2  }
0x134: {  	v34 =	vbroadcast v5, $0x0;
	v13 =	vbroadcast v4, $0x0;
	v4 =	vshll.u32 v18, v9;
	[tilespmem:s22+$0xC0] =	vst v3  }
0x135: {  	v62 =	vld [tilespmem:$0x1FD00];
	v5 =	vadd.s32 v6, v0;
	v6 =	vbroadcast v4, $0x0;
	v4 =	vshll.u32 v12, v9  }
0x136: {  	v2 =	vadd.s32 v41, v34;
	v12 =	vbroadcast v4, $0x0;
	v4 =	vld [tilespmem:$0x1FD10]  }
0x137: {  	v10 =	vadd.s32 v19, v14;
	v7 =	vld.idx.msk [tilespmem:v15+s31+$0x0], $0xffff  }
0x138: {  	v15 =	vadd.s32 v53, v6;
	v24 =	vld.idx.msk [tilespmem:v20+s31+$0x0], $0xffff  }
0x139: {  	v18 =	vadd.s32 v63, v12;
	v63 =	vld [tilespmem:$0x1FC90]  }
0x13a: {  	v1 =	vadd.s32 $0x487, v39;
	v8 =	vadd.s32 v62, v13;
	v5 =	vld.idx.msk [tilespmem:v5+s31+$0x0], $0xffff  }
0x13b: {  	v20 =	vadd.s32 v28, v17;
	v47 =	vld.idx.msk [tilespmem:v2+s31+$0x0], $0xffff;
	[tilespmem:$0x1FC20] =	vst v1  }
0x13c: {  	v3 =	vmov v19;
	v19 =	vadd.s32 v1, v0;
	v10 =	vld.idx.msk [tilespmem:v10+s31+$0x0], $0xffff  }
0x13d: {  	v21 =	vadd.s32 v26, v34;
	v15 =	vld.idx.msk [tilespmem:v15+s31+$0x0], $0xffff  }
0x13e: {  	v18 =	vld.idx.msk [tilespmem:v18+s31+$0x0], $0xffff;
	[tilespmem:s5+$0xFFFFFE80] =	vst v24  }
0x13f: {  	v22 =	vadd.s32 v63, v14;
	v8 =	vld.idx.msk [tilespmem:v8+s31+$0x0], $0xffff;
	[tilespmem:s5+$0x180] =	vst v5  }
0x140: {  	v26 =	vadd.s32 v55, v12;
	v20 =	vld.idx.msk [tilespmem:v20+s31+$0x0], $0xffff;
	[tilespmem:s5+$0xFFFFFF00] =	vst v47  }
0x141: {  	v23 =	vadd.s32 v4, v13;
	v24 =	vadd.s32 $0x907, v39;
	v19 =	vld.idx.msk [tilespmem:v19+s31+$0x0], $0xffff;
	[tilespmem:s5+$0xFFFFFF80] =	vst v10  }
0x142: {  	v21 =	vld.idx.msk [tilespmem:v21+s31+$0x0], $0xffff;
	[tilespmem:$0x1FC30] =	vst v24  }
0x143: {  	v5 =	vadd.s32 v44, v6;
	[tilespmem:s5+$0x80] =	vst v15  }
0x144: {  	v10 =	vadd.s32 v24, v0;
	v22 =	vld.idx.msk [tilespmem:v22+s31+$0x0], $0xffff;
	[tilespmem:s5+$0x100] =	vst v18  }
0x145: {  	v24 =	vadd.s32 v35, v11;
	v15 =	vadd.s32 v25, v34;
	[tilespmem:s5+$0x0] =	vst v8;
	v25 =	vld.idx.msk [tilespmem:v26+s31+$0x0], $0xffff  }
0x146: {  	v8 =	vadd.s32 v31, v17;
	v23 =	vld.idx.msk [tilespmem:v23+s31+$0x0], $0xffff  }
0x147: {  	v1 =	vld [tilespmem:$0x1FCA0];
	[tilespmem:s5+$0xFFFFFE00] =	vst v7  }
0x148: {  	v5 =	vld.idx.msk [tilespmem:v5+s31+$0x0], $0xffff;
	[tilespmem:s5+$0x190] =	vst v19  }
0x149: {  	v7 =	vadd.s32 v42, v13;
	[tilespmem:s5+$0xFFFFFE90] =	vst v20;
	v10 =	vld.idx.msk [tilespmem:v10+s31+$0x0], $0xffff  }
0x14a: {  	v20 =	vadd.s32 v49, v6;
	[tilespmem:s5+$0xFFFFFF10] =	vst v21;
	v19 =	vld.idx.msk [tilespmem:v24+s31+$0x0], $0xffff;
	v24 =	vadd.s32 $0xD87, v39  }
0x14b: {  	v8 =	vld.idx.msk [tilespmem:v8+s31+$0x0], $0xffff;
	[tilespmem:$0x1FC40] =	vst v24  }
0x14c: {  	v21 =	vadd.s32 v24, v0;
	[tilespmem:s5+$0xFFFFFF90] =	vst v22  }
0x14d: {  	v24 =	vadd.s32 v36, v11;
	v15 =	vld.idx.msk [tilespmem:v15+s31+$0x0], $0xffff;
	[tilespmem:s5+$0x10] =	vst v23  }
0x14e: {  	v18 =	vadd.s32 v1, v14;
	[tilespmem:s5+$0x90] =	vst v5;
	v7 =	vld.idx.msk [tilespmem:v7+s31+$0x0], $0xffff  }
0x14f: {  	v22 =	vadd.s32 v56, v12;
	v20 =	vld.idx.msk [tilespmem:v20+s31+$0x0], $0xffff;
	[tilespmem:s5+$0x1A0] =	vst v10  }
0x150: {  	v1 =	vld [tilespmem:$0x1FCB0]  }
0x151: {  	v21 =	vld.idx.msk [tilespmem:v21+s31+$0x0], $0xffff;
	[tilespmem:s5+$0xFFFFFE10] =	vst v19  }
0x152: {  	v23 =	vadd.s32 v32, v17;
	[tilespmem:s5+$0x110] =	vst v25;
	v24 =	vld.idx.msk [tilespmem:v24+s31+$0x0], $0xffff  }
0x153: {  	v5 =	vadd.s32 v27, v34;
	v10 =	vadd.s32 $0x1207, v39;
	[tilespmem:s5+$0xFFFFFEA0] =	vst v8;
	v18 =	vld.idx.msk [tilespmem:v18+s31+$0x0], $0xffff  }
0x154: {  	v19 =	vadd.s32 v29, v13;
	v22 =	vld.idx.msk [tilespmem:v22+s31+$0x0], $0xffff;
	[tilespmem:$0x1FC50] =	vst v10  }
0x155: {  	[tilespmem:s5+$0xFFFFFF20] =	vst v15  }
0x156: {  	v8 =	vadd.s32 v10, v0;
	[tilespmem:s5+$0x20] =	vst v7  }
0x157: {  	v23 =	vld.idx.msk [tilespmem:v23+s31+$0x0], $0xffff;
	[tilespmem:s5+$0xA0] =	vst v20;
	v26 =	vadd.s32 v1, v14  }
0x158: {  	v15 =	vadd.s32 v51, v6;
	v25 =	vld.idx.msk [tilespmem:v5+s31+$0x0], $0xffff;
	[tilespmem:s5+$0x1B0] =	vst v21  }
0x159: {  	v19 =	vld.idx.msk [tilespmem:v19+s31+$0x0], $0xffff;
	[tilespmem:s5+$0xFFFFFFA0] =	vst v18;
	v18 =	vadd.s32 v60, v12  }
0x15a: {  	v27 =	vadd.s32 v37, v11;
	v1 =	vld [tilespmem:$0x1FCC0]  }
0x15b: {  	v7 =	vadd.s32 v33, v17;
	v8 =	vld.idx.msk [tilespmem:v8+s31+$0x0], $0xffff  }
0x15c: {  	v21 =	vadd.s32 v45, v34;
	[tilespmem:s5+$0x120] =	vst v22;
	v26 =	vld.idx.msk [tilespmem:v26+s31+$0x0], $0xffff  }
0x15d: {  	v5 =	vadd.s32 $0x1687, v39;
	v15 =	vld.idx.msk [tilespmem:v15+s31+$0x0], $0xffff;
	[tilespmem:s5+$0xFFFFFE20] =	vst v24  }
0x15e: {  	v22 =	vadd.s32 v5, v0;
	v18 =	vld.idx.msk [tilespmem:v18+s31+$0x0], $0xffff;
	[tilespmem:$0x1FC60] =	vst v5  }
0x15f: {  	v20 =	vadd.s32 v1, v14;
	v24 =	vld.idx.msk [tilespmem:v27+s31+$0x0], $0xffff;
	[tilespmem:s5+$0xFFFFFEB0] =	vst v23  }
0x160: {  	v23 =	vadd.s32 v57, v13;
	[tilespmem:s5+$0xFFFFFF30] =	vst v25;
	v27 =	vld.idx.msk [tilespmem:v7+s31+$0x0], $0xffff  }
0x161: {  	v25 =	vadd.s32 v50, v6;
	v21 =	vld.idx.msk [tilespmem:v21+s31+$0x0], $0xffff;
	[tilespmem:s5+$0xFFFFFFB0] =	vst v26  }
0x162: {  	v1 =	vld [tilespmem:$0x1FE40];
	[tilespmem:s5+$0x1C0] =	vst v8  }
0x163: {  	[tilespmem:s5+$0x30] =	vst v19;
	v19 =	vld.idx.msk [tilespmem:v22+s31+$0x0], $0xffff  }
0x164: {  	[tilespmem:s5+$0xB0] =	vst v15;
	v20 =	vld.idx.msk [tilespmem:v20+s31+$0x0], $0xffff  }
0x165: {  	v7 =	vadd.s32 $0x1B07, v39;
	[tilespmem:s5+$0x130] =	vst v18;
	v23 =	vld.idx.msk [tilespmem:v23+s31+$0x0], $0xffff  }
0x166: {  	v15 =	vld.idx.msk [tilespmem:v25+s31+$0x0], $0xffff;
	[tilespmem:$0x1FC70] =	vst v7  }
0x167: {  	v22 =	vadd.s32 v48, v34;
	[tilespmem:s5+$0xFFFFFE30] =	vst v24  }
0x168: {  	v18 =	vadd.s32 v7, v0;
	v7 =	vld [tilespmem:$0x1FCD0]  }
0x169: {  	v26 =	vadd.s32 v1, v12  }
0x16a: {  	v57 =	vmov v28;
	v28 =	vadd.s32 v38, v11  }
0x16b: {  	v5 =	vadd.s32 v40, v17;
	[tilespmem:s5+$0xFFFFFF40] =	vst v21  }
0x16c: {  	[tilespmem:s5+$0xFFFFFEC0] =	vst v27;
	v22 =	vld.idx.msk [tilespmem:v22+s31+$0x0], $0xffff  }
0x16d: {  	v24 =	vadd.s32 v7, v14;
	v7 =	vld [tilespmem:$0x1FD40]  }
0x16e: {  	v27 =	vadd.s32 v54, v13;
	v25 =	vld.idx.msk [tilespmem:v26+s31+$0x0], $0xffff  }
0x16f: {  	v26 =	vld.idx.msk [tilespmem:v28+s31+$0x0], $0xffff  }
0x170: {  	[tilespmem:s5+$0x1D0] =	vst v19;
	v28 =	vld.idx.msk [tilespmem:v5+s31+$0x0], $0xffff  }
0x171: {  	v21 =	vadd.s32 v43, v6;
	[tilespmem:s5+$0xFFFFFFC0] =	vst v20;
	v18 =	vld.idx.msk [tilespmem:v18+s31+$0x0], $0xffff  }
0x172: {  	v1 =	vld [tilespmem:$0x1FEB0];
	[tilespmem:s5+$0x40] =	vst v23  }
0x173: {  	v47 =	vmovc v45;
	v45 =	vmov v29;
	[tilespmem:s5+$0xC0] =	vst v15;
	v23 =	vld.idx.msk [tilespmem:v27+s31+$0x0], $0xffff;
	v29 =	vadd.s32 v7, v12;
	v7 =	vadd.s32 $0x1F87, v39  }
0x174: {  	v60 =	vld.idx.msk [tilespmem:v24+s31+$0x0], $0xffff;
	[tilespmem:$0x1FC80] =	vst v7  }
0x175: {  	v27 =	vadd.s32 v7, v0;
	v0 =	vld [tilespmem:$0x1FEA0];
	[tilespmem:s5+$0x140] =	vst v25  }
0x176: {  	v19 =	vadd.s32 v16, v11;
	v5 =	vld.idx.msk [tilespmem:v21+s31+$0x0], $0xffff;
	[tilespmem:s5+$0xFFFFFE40] =	vst v26  }
0x177: {  	v30 =	vadd.s32 v1, v17;
	v1 =	vld [tilespmem:$0x1FCE0];
	[tilespmem:s5+$0xFFFFFED0] =	vst v28  }
0x178: {  	v43 =	vld [tilespmem:$0x1FD20];
	[tilespmem:s5+$0x1E0] =	vst v18  }
0x179: {  	[tilespmem:s5+$0xFFFFFF50] =	vst v22;
	v8 =	vld.idx.msk [tilespmem:v29+s31+$0x0], $0xffff  }
0x17a: {  	v7 =	vld [tilespmem:$0x1FD50]  }
0x17b: {  	v48 =	vmov v53;
	v53 =	vmov v31;
	v20 =	vld.idx.msk [tilespmem:v19+s31+$0x0], $0xffff;
	[tilespmem:s5+$0xFFFFFFD0] =	vst v60;
	v31 =	vadd.s32 v0, v34  }
0x17c: {  	[tilespmem:s5+$0x50] =	vst v23;
	v19 =	vld.idx.msk [tilespmem:v30+s31+$0x0], $0xffff;
	v25 =	vadd.s32 v1, v14  }
0x17d: {  	v10 =	vadd.s32 v59, v6;
	v28 =	vld.idx.msk [tilespmem:v27+s31+$0x0], $0xffff;
	[tilespmem:s5+$0xD0] =	vst v5  }
0x17e: {  	v1 =	vld [tilespmem:$0x1FE10];
	v24 =	vadd.s32 v43, v13;
	[tilespmem:s5+$0x150] =	vst v8  }
0x17f: {  	v26 =	vadd.s32 v7, v12;
	v7 =	vld [tilespmem:$0x1FE80]  }
0x180: {  	s23 =	simm.s32 $0x8;
	v27 =	vld.idx.msk [tilespmem:v31+s31+$0x0], $0xffff  }
0x181: {  	s22 =	simm.s32 $0xB;
	v0 =	vmov s23;
	v23 =	vld.idx.msk [tilespmem:v25+s31+$0x0], $0xffff  }
0x182: {  	s26 =	simm.s32 $0xA;
	v41 =	vadd.s32 $0x1F86, v39;
	v16 =	vmov s22;
	v15 =	vshrl.u32 v0, $0x3;
	v25 =	vld.idx.msk [tilespmem:v10+s31+$0x0], $0xffff  }
0x183: {  	v29 =	vadd.s32 v46, v11;
	v30 =	vmov s26;
	v15 =	vshll.u32 v15, v9;
	v22 =	vld.idx.msk [tilespmem:v24+s31+$0x0], $0xffff  }
0x184: {  	s24 =	simm.s32 $0x9;
	s23 =	simm.s32 $0xC;
	v5 =	vmovc v1;
	v17 =	vadd.s32 v1, v17;
	v24 =	vshrl.u32 v16, $0x3;
	v1 =	vmovc v7;
	v16 =	vadd.s32 v7, v34;
	v7 =	vld [tilespmem:$0x1FCF0]  }
0x185: {  	v21 =	vmov s23;
	v0 =	vmovc v63;
	v63 =	vmov s24;
	v15 =	vbroadcast v15, $0x0;
	s24 =	simm.s32 $0xD;
	v10 =	vld [tilespmem:$0x1FD30]  }
0x186: {  	v58 =	vmovc v32;
	s26 =	simm.s32 $0xE;
	v30 =	vshrl.u32 v30, $0x3;
	v21 =	vshrl.u32 v21, $0x3;
	v32 =	vmov s24;
	v8 =	vld [tilespmem:$0x1FE20]  }
0x187: {  	s0 =	simm.s32 $0xF;
	v2 =	vmovc v33;
	s22 =	simm.s32 $0x10;
	v33 =	vshrl.u32 v63, $0x3;
	v18 =	vadd.s32 v39, v15;
	v31 =	vmov s26;
	v60 =	vld [tilespmem:$0x1FE00]  }
.LBB2_7:
0x188: {  	_ = 	snop  }
0x189: {  	[tilespmem:s5+$0xFFFFFE50] =	vst v20;
	v14 =	vadd.s32 v7, v14;
	v20 =	vld.idx.msk [tilespmem:v26+s31+$0x0], $0xffff  }
0x18a: {  	v6 =	vadd.s32 v10, v6;
	v29 =	vld.idx.msk [tilespmem:v29+s31+$0x0], $0xffff;
	[tilespmem:s5+$0xFFFFFEE0] =	vst v19  }
0x18b: {  	v13 =	vadd.s32 v8, v13;
	v19 =	vshll.u32 v30, v9;
	[tilespmem:s5+$0xFFFFFF60] =	vst v27;
	v30 =	vld.idx.msk [tilespmem:v17+s31+$0x0], $0xffff  }
0x18c: {  	[tilespmem:s5+$0xFFFFFFE0] =	vst v23;
	v27 =	vld.idx.msk [tilespmem:v16+s31+$0x0], $0xffff  }
0x18d: {  	[tilespmem:s5+$0x60] =	vst v22;
	v16 =	vbroadcast v19, $0x0;
	v19 =	vld [tilespmem:$0x1FC10]  }
0x18e: {  	v26 =	vshll.u32 v33, v9;
	v12 =	vadd.s32 v41, v12;
	[tilespmem:s5+$0xE0] =	vst v25;
	v23 =	vld.idx.msk [tilespmem:v14+s31+$0x0], $0xffff  }
0x18f: {  	v17 =	vbroadcast v26, $0x0;
	v26 =	vadd.s32 v60, v11;
	v11 =	vmovc v15;
	v15 =	vshll.u32 v24, v9;
	v25 =	vld.idx.msk [tilespmem:v6+s31+$0x0], $0xffff  }
0x190: {  	v34 =	vmov s0;
	v14 =	vbroadcast v15, $0x0;
	v15 =	vshll.u32 v21, v9;
	v21 =	vld.idx.msk [tilespmem:v13+s31+$0x0], $0xffff  }
0x191: {  	v63 =	vshrl.u32 v34, $0x3;
	[tilespmem:s5+$0x1F0] =	vst v28;
	v13 =	vld [tilespmem:$0x1FF90]  }
0x192: {  	v28 =	vld.idx.msk [tilespmem:v18+s31+$0x0], $0xffff;
	v18 =	vshll.u32 v63, v9;
	[tilespmem:s5+$0x160] =	vst v20;
	v22 =	vadd.s32 v61, v17  }
0x193: {  	v18 =	vbroadcast v18, $0x0;
	[tilespmem:s5+$0xFFFFFE60] =	vst v29  }
0x194: {  	v29 =	vld.idx.msk [tilespmem:v12+s31+$0x0], $0xffff;
	v20 =	vadd.s32 v3, v14;
	[tilespmem:s5+$0xFFFFFEF0] =	vst v30  }
0x195: {  	v32 =	vshrl.u32 v32, $0x3;
	v31 =	vshrl.u32 v31, $0x3;
	v19 =	vadd.s32 v19, v18;
	[tilespmem:s5+$0xFFFFFF70] =	vst v27;
	v27 =	vld [tilespmem:$0x1FF50]  }
0x196: {  	[tilespmem:s5+$0xF0] =	vst v25;
	v25 =	vld [tilespmem:$0x1FEF0];
	v24 =	vadd.s32 v13, v16;
	v13 =	vbroadcast v15, $0x0;
	v15 =	vshll.u32 v32, v9  }
0x197: {  	v6 =	vbroadcast v15, $0x0;
	v15 =	vshll.u32 v31, v9;
	v22 =	vld.idx.msk [tilespmem:v22+s31+$0x0], $0xffff  }
0x198: {  	[tilespmem:s5+$0xFFFFFFF0] =	vst v23;
	v31 =	vadd.s32 v62, v13;
	v12 =	vbroadcast v15, $0x0;
	v15 =	vld.idx.msk [tilespmem:v26+s31+$0x0], $0xffff  }
0x199: {  	v20 =	vld.idx.msk [tilespmem:v20+s31+$0x0], $0xffff;
	v26 =	vadd.s32 v48, v6  }
0x19a: {  	v19 =	vld.idx.msk [tilespmem:v19+s31+$0x0], $0xffff  }
0x19b: {  	[tilespmem:s5+$0x70] =	vst v21;
	v27 =	vadd.s32 v27, v12;
	v23 =	vld.idx.msk [tilespmem:v24+s31+$0x0], $0xffff  }
0x19c: {  	v21 =	vadd.s32 v57, v17;
	[tilespmem:s5+$0x170] =	vst v29;
	v24 =	vld [tilespmem:$0x1FC20]  }
0x19d: {  	v29 =	vadd.s32 v0, v14;
	v30 =	vld.idx.msk [tilespmem:v31+s31+$0x0], $0xffff;
	[tilespmem:s5+$0xFFFFFE70] =	vst v15;
	s5 =	sadd.s32 $0x400, s5  }
0x19e: {  	v15 =	vadd.s32 v4, v13;
	v26 =	vld.idx.msk [tilespmem:v26+s31+$0x0], $0xffff;
	[tilespmem:s5+$0xFFFFFE80] =	vst v22  }
0x19f: {  	[tilespmem:s5+$0xFFFFFF80] =	vst v20;
	v20 =	vld [tilespmem:$0x1FC30]  }
0x1a0: {  	v27 =	vld.idx.msk [tilespmem:v27+s31+$0x0], $0xffff;
	[tilespmem:s5+$0x180] =	vst v19;
	v19 =	vadd.s32 v44, v6  }
0x1a1: {  	v21 =	vld.idx.msk [tilespmem:v21+s31+$0x0], $0xffff;
	v24 =	vadd.s32 v24, v18  }
0x1a2: {  	v25 =	vadd.s32 v25, v16;
	v29 =	vld.idx.msk [tilespmem:v29+s31+$0x0], $0xffff;
	[tilespmem:s5+$0x0] =	vst v30  }
0x1a3: {  	[tilespmem:s5+$0xFFFFFF00] =	vst v23;
	v15 =	vld.idx.msk [tilespmem:v15+s31+$0x0], $0xffff  }
0x1a4: {  	v23 =	vadd.s32 v55, v12;
	[tilespmem:s5+$0x80] =	vst v26;
	v26 =	vld [tilespmem:$0x1FE70]  }
0x1a5: {  	v30 =	vadd.s32 v53, v17;
	v19 =	vld.idx.msk [tilespmem:v19+s31+$0x0], $0xffff  }
0x1a6: {  	v22 =	vld.idx.msk [tilespmem:v24+s31+$0x0], $0xffff  }
0x1a7: {  	v24 =	vld.idx.msk [tilespmem:v25+s31+$0x0], $0xffff;
	v25 =	vadd.s32 v35, v11  }
0x1a8: {  	[tilespmem:s5+$0x100] =	vst v27;
	v27 =	vld [tilespmem:$0x1FCA0]  }
0x1a9: {  	[tilespmem:s5+$0xFFFFFE90] =	vst v21;
	v21 =	vadd.s32 v49, v6;
	v23 =	vld.idx.msk [tilespmem:v23+s31+$0x0], $0xffff  }
0x1aa: {  	[tilespmem:s5+$0xFFFFFE00] =	vst v28;
	v20 =	vadd.s32 v20, v18;
	v28 =	vld.idx.msk [tilespmem:v30+s31+$0x0], $0xffff  }
0x1ab: {  	v26 =	vadd.s32 v26, v16;
	[tilespmem:s5+$0x90] =	vst v19;
	v19 =	vld [tilespmem:$0x1FE90]  }
0x1ac: {  	[tilespmem:s5+$0x10] =	vst v15;
	v15 =	vadd.s32 v58, v17;
	v25 =	vld.idx.msk [tilespmem:v25+s31+$0x0], $0xffff  }
0x1ad: {  	v27 =	vadd.s32 v27, v14;
	[tilespmem:s5+$0xFFFFFF10] =	vst v24;
	v24 =	vld [tilespmem:$0x1FC40]  }
0x1ae: {  	[tilespmem:s5+$0x190] =	vst v22;
	v22 =	vadd.s32 v42, v13;
	v21 =	vld.idx.msk [tilespmem:v21+s31+$0x0], $0xffff  }
0x1af: {  	[tilespmem:s5+$0xFFFFFF90] =	vst v29;
	v29 =	vadd.s32 v56, v12;
	v20 =	vld.idx.msk [tilespmem:v20+s31+$0x0], $0xffff  }
0x1b0: {  	[tilespmem:s5+$0xFFFFFEA0] =	vst v28;
	v26 =	vld.idx.msk [tilespmem:v26+s31+$0x0], $0xffff  }
0x1b1: {  	v30 =	vadd.s32 v36, v11;
	v15 =	vld.idx.msk [tilespmem:v15+s31+$0x0], $0xffff  }
0x1b2: {  	v27 =	vld.idx.msk [tilespmem:v27+s31+$0x0], $0xffff  }
0x1b3: {  	[tilespmem:s5+$0x110] =	vst v23;
	v22 =	vld.idx.msk [tilespmem:v22+s31+$0x0], $0xffff  }
0x1b4: {  	v24 =	vadd.s32 v24, v18;
	[tilespmem:s5+$0xFFFFFE10] =	vst v25;
	v25 =	vld.idx.msk [tilespmem:v29+s31+$0x0], $0xffff  }
0x1b5: {  	v19 =	vadd.s32 v19, v16;
	[tilespmem:s5+$0x1A0] =	vst v20;
	v20 =	vld [tilespmem:$0x1FCB0]  }
0x1b6: {  	v29 =	vld.idx.msk [tilespmem:v30+s31+$0x0], $0xffff  }
0x1b7: {  	v28 =	vld [tilespmem:$0x1FC50];
	v30 =	vadd.s32 v37, v11;
	[tilespmem:s5+$0xFFFFFF20] =	vst v26  }
0x1b8: {  	v26 =	vadd.s32 v51, v6;
	[tilespmem:s5+$0xFFFFFEB0] =	vst v15;
	v15 =	vld [tilespmem:$0x1FF10]  }
0x1b9: {  	[tilespmem:s5+$0xFFFFFFA0] =	vst v27;
	v23 =	vld.idx.msk [tilespmem:v24+s31+$0x0], $0xffff;
	v24 =	vadd.s32 v45, v13  }
0x1ba: {  	v19 =	vld.idx.msk [tilespmem:v19+s31+$0x0], $0xffff;
	[tilespmem:s5+$0x20] =	vst v22;
	v22 =	vadd.s32 v2, v17  }
0x1bb: {  	v27 =	vld [tilespmem:$0x1FE30];
	v20 =	vadd.s32 v20, v14;
	[tilespmem:s5+$0xFFFFFE20] =	vst v29  }
0x1bc: {  	[tilespmem:s5+$0xA0] =	vst v21;
	v28 =	vadd.s32 v28, v18;
	v29 =	vld.idx.msk [tilespmem:v30+s31+$0x0], $0xffff  }
0x1bd: {  	v26 =	vld.idx.msk [tilespmem:v26+s31+$0x0], $0xffff  }
0x1be: {  	v24 =	vld.idx.msk [tilespmem:v24+s31+$0x0], $0xffff  }
0x1bf: {  	v30 =	vadd.s32 v38, v11;
	v22 =	vld.idx.msk [tilespmem:v22+s31+$0x0], $0xffff  }
0x1c0: {  	[tilespmem:s5+$0x1B0] =	vst v23;
	v20 =	vld.idx.msk [tilespmem:v20+s31+$0x0], $0xffff  }
0x1c1: {  	v27 =	vadd.s32 v27, v12;
	[tilespmem:s5+$0xFFFFFF30] =	vst v19;
	v21 =	vld.idx.msk [tilespmem:v28+s31+$0x0], $0xffff  }
0x1c2: {  	v28 =	vld [tilespmem:$0x1FCC0];
	[tilespmem:s5+$0xFFFFFE30] =	vst v29  }
0x1c3: {  	v19 =	vadd.s32 v50, v6;
	[tilespmem:s5+$0xB0] =	vst v26;
	v26 =	vld [tilespmem:$0x1FCD0]  }
0x1c4: {  	v23 =	vadd.s32 v47, v16;
	v29 =	vld.idx.msk [tilespmem:v30+s31+$0x0], $0xffff  }
0x1c5: {  	[tilespmem:s5+$0x120] =	vst v25;
	v30 =	vld [tilespmem:$0x1FD40]  }
0x1c6: {  	v25 =	vld.idx.msk [tilespmem:v27+s31+$0x0], $0xffff  }
0x1c7: {  	v15 =	vadd.s32 v15, v13;
	v27 =	vld [tilespmem:$0x1FC60]  }
0x1c8: {  	v19 =	vld.idx.msk [tilespmem:v19+s31+$0x0], $0xffff  }
0x1c9: {  	v23 =	vld.idx.msk [tilespmem:v23+s31+$0x0], $0xffff;
	[tilespmem:s5+$0x30] =	vst v24  }
0x1ca: {  	[tilespmem:s5+$0xFFFFFEC0] =	vst v22;
	v22 =	vld [tilespmem:$0x1FF20]  }
0x1cb: {  	v28 =	vadd.s32 v28, v14;
	[tilespmem:s5+$0xFFFFFFB0] =	vst v20;
	v20 =	vld [tilespmem:$0x1FE40]  }
0x1cc: {  	[tilespmem:s5+$0x1C0] =	vst v21;
	v21 =	vadd.s32 v40, v17;
	v15 =	vld.idx.msk [tilespmem:v15+s31+$0x0], $0xffff  }
0x1cd: {  	[tilespmem:s5+$0x130] =	vst v25;
	v25 =	vld [tilespmem:$0x1FC70]  }
0x1ce: {  	v27 =	vadd.s32 v27, v18;
	[tilespmem:s5+$0xC0] =	vst v19;
	v19 =	vld [tilespmem:$0x1FCE0]  }
0x1cf: {  	[tilespmem:s5+$0xFFFFFF40] =	vst v23;
	v23 =	vld [tilespmem:$0x1FFB0]  }
0x1d0: {  	v22 =	vadd.s32 v22, v13;
	v28 =	vld.idx.msk [tilespmem:v28+s31+$0x0], $0xffff  }
0x1d1: {  	v20 =	vadd.s32 v20, v12;
	v21 =	vld.idx.msk [tilespmem:v21+s31+$0x0], $0xffff  }
0x1d2: {  	[tilespmem:s5+$0x40] =	vst v15;
	v15 =	vld [tilespmem:$0x1FC80]  }
0x1d3: {  	v24 =	vld.idx.msk [tilespmem:v27+s31+$0x0], $0xffff  }
0x1d4: {  	v27 =	vld [tilespmem:$0x1FEE0]  }
0x1d5: {  	v26 =	vadd.s32 v26, v14;
	v22 =	vld.idx.msk [tilespmem:v22+s31+$0x0], $0xffff  }
0x1d6: {  	v20 =	vld.idx.msk [tilespmem:v20+s31+$0x0], $0xffff  }
0x1d7: {  	v23 =	vadd.s32 v23, v6;
	[tilespmem:s5+$0xFFFFFFC0] =	vst v28;
	v28 =	vld [tilespmem:$0x1FEB0]  }
0x1d8: {  	v25 =	vadd.s32 v25, v18;
	v18 =	vadd.s32 v15, v18;
	v15 =	vld [tilespmem:$0x1FEA0];
	[tilespmem:s5+$0xFFFFFED0] =	vst v21  }
0x1d9: {  	v21 =	vadd.s32 v43, v13;
	[tilespmem:s5+$0x1D0] =	vst v24;
	v24 =	vld [tilespmem:$0x1FF80]  }
0x1da: {  	v30 =	vadd.s32 v30, v12;
	v31 =	vld.idx.msk [tilespmem:v26+s31+$0x0], $0xffff  }
0x1db: {  	v26 =	vld [tilespmem:$0x1FD50];
	v27 =	vadd.s32 v27, v16  }
0x1dc: {  	v34 =	vld.idx.msk [tilespmem:v23+s31+$0x0], $0xffff;
	v23 =	vadd.s32 v19, v14  }
0x1dd: {  	v25 =	vld.idx.msk [tilespmem:v25+s31+$0x0], $0xffff;
	[tilespmem:s5+$0x50] =	vst v22;
	v28 =	vadd.s32 v28, v17  }
0x1de: {  	[tilespmem:s5+$0x140] =	vst v20;
	v22 =	vld.idx.msk [tilespmem:v21+s31+$0x0], $0xffff;
	v24 =	vadd.s32 v24, v11  }
0x1df: {  	v52 =	vmov v40;
	v63 =	vmov v41;
	v40 =	vmov v35;
	v35 =	vld.idx.msk [tilespmem:v30+s31+$0x0], $0xffff  }
0x1e0: {  	s26 =	sadd.s32 $0x3, s22;
	v41 =	vmovc v36;
	v36 =	vadd.s32 v59, v6;
	v32 =	vadd.s32 v15, v16;
	v15 =	vmov s22;
	[tilespmem:s5+$0xFFFFFFD0] =	vst v31;
	v27 =	vld.idx.msk [tilespmem:v27+s31+$0x0], $0xffff  }
0x1e1: {  	v54 =	vmovc v42;
	v42 =	vmov v37;
	v37 =	vmov s26;
	[tilespmem:s5+$0xFFFFFE40] =	vst v29;
	v15 =	vshrl.u32 v15, $0x3;
	v23 =	vld.idx.msk [tilespmem:v23+s31+$0x0], $0xffff  }
0x1e2: {  	p1 =	slt.u32 s22, $0x38;
	s23 =	sadd.s32 $0x1, s22;
	v29 =	vadd.s32 v46, v11;
	v17 =	vadd.s32 v5, v17;
	v15 =	vshll.u32 v15, v9;
	v19 =	vld.idx.msk [tilespmem:v28+s31+$0x0], $0xffff  }
.Ltmp4:
0x1e3: {  	s24 =	sadd.s32 $0x2, s22;
	v16 =	vadd.s32 v1, v16;
	v15 =	vbroadcast v15, $0x0;
	[tilespmem:s5+$0x1E0] =	vst v25;
	v20 =	vld.idx.msk [tilespmem:v24+s31+$0x0], $0xffff;
	v24 =	vmov s23;
	s23 =	sadd.s32 $0x4, s22;
	(pc) =	sbr.rel @p1 .LBB2_7-.Ltmp4, $4  }
0x1e4: {  	s26 =	sadd.s32 $0x6, s22;
	v43 =	vmovc v38;
	v26 =	vadd.s32 v26, v12;
	v25 =	vmov s24;
	[tilespmem:s5+$0xD0] =	vst v34;
	v28 =	vld.idx.msk [tilespmem:v18+s31+$0x0], $0xffff;
	v38 =	vmov s23  }
0x1e5: {  	v31 =	vmov s26;
	s24 =	sadd.s32 $0x5, s22;
	v18 =	vadd.s32 v39, v15;
	v30 =	vshrl.u32 v25, $0x3;
	v25 =	vld.idx.msk [tilespmem:v36+s31+$0x0], $0xffff;
	v36 =	vmovc v41;
	[tilespmem:s5+$0xFFFFFF50] =	vst v27  }
0x1e6: {  	v41 =	vmovc v63;
	[tilespmem:s5+$0x150] =	vst v35;
	v35 =	vmovc v40;
	v40 =	vmov v52;
	v27 =	vld.idx.msk [tilespmem:v32+s31+$0x0], $0xffff;
	v32 =	vmov s24;
	v33 =	vshrl.u32 v24, $0x3  }
0x1e7: {  	s0 =	sadd.s32 $0x7, s22;
	s22 =	sadd.s32 $0x8, s22;
	v24 =	vshrl.u32 v37, $0x3;
	v37 =	vmovc v42;
	v42 =	vmovc v54;
	v21 =	vshrl.u32 v38, $0x3;
	v38 =	vmov v43;
	v43 =	vld [tilespmem:$0x1FD20]  }
0x1e8: {  	_ =	sdelay $0x1  }
0x1e9: {  	[tilespmem:s5+$0xFFFFFE50] =	vst v20  }
0x1ea: {  	[tilespmem:s5+$0xFFFFFEE0] =	vst v19  }
0x1eb: {  	v26 =	vld.idx.msk [tilespmem:v26+s31+$0x0], $0xffff;
	[tilespmem:s5+$0xFFFFFFE0] =	vst v23  }
0x1ec: {  	v13 =	vadd.s32 v8, v13;
	[tilespmem:s5+$0x1F0] =	vst v28;
	v28 =	vld.idx.msk [tilespmem:v29+s31+$0x0], $0xffff  }
0x1ed: {  	[tilespmem:s5+$0x60] =	vst v22  }
0x1ee: {  	v14 =	vadd.s32 v7, v14;
	v39 =	vshrl.u32 v31, $0x3;
	v31 =	vadd.s32 v41, v12;
	[tilespmem:s5+$0xE0] =	vst v25  }
0x1ef: {  	v34 =	vmov s0;
	v12 =	vshll.u32 v30, v9;
	v17 =	vld.idx.msk [tilespmem:v17+s31+$0x0], $0xffff;
	[tilespmem:s5+$0xFFFFFF60] =	vst v27;
	v27 =	vshll.u32 v33, v9  }
0x1f0: {  	v33 =	vadd.s32 v60, v11;
	v11 =	vbroadcast v12, $0x0;
	v12 =	vshll.u32 v24, v9;
	v24 =	vld [tilespmem:$0x1FC10];
	[tilespmem:s5+$0x160] =	vst v26  }
0x1f1: {  	v19 =	vshrl.u32 v34, $0x3;
	v34 =	vld.idx.msk [tilespmem:v13+s31+$0x0], $0xffff;
	[tilespmem:s5+$0xFFFFFE60] =	vst v28  }
0x1f2: {  	v29 =	vadd.s32 v10, v6;
	v13 =	vld [tilespmem:$0x1FF90]  }
0x1f3: {  	v19 =	vshll.u32 v19, v9;
	v6 =	vbroadcast v27, $0x0;
	v16 =	vld.idx.msk [tilespmem:v16+s31+$0x0], $0xffff  }
0x1f4: {  	v19 =	vbroadcast v19, $0x0;
	v25 =	vld.idx.msk [tilespmem:v14+s31+$0x0], $0xffff  }
0x1f5: {  	v20 =	vshrl.u32 v32, $0x3;
	v26 =	vadd.s32 v61, v6  }
0x1f6: {  	v12 =	vbroadcast v12, $0x0;
	v14 =	vshll.u32 v21, v9;
	v24 =	vadd.s32 v24, v19  }
0x1f7: {  	[tilespmem:s5+$0xFFFFFEF0] =	vst v17;
	v27 =	vadd.s32 v13, v11;
	v13 =	vbroadcast v14, $0x0;
	v14 =	vshll.u32 v20, v9;
	v20 =	vld.idx.msk [tilespmem:v29+s31+$0x0], $0xffff  }
0x1f8: {  	v28 =	vld.idx.msk [tilespmem:v31+s31+$0x0], $0xffff;
	[tilespmem:s5+$0xFFFFFF70] =	vst v16  }
0x1f9: {  	v17 =	vadd.s32 v3, v12;
	v22 =	vld.idx.msk [tilespmem:v33+s31+$0x0], $0xffff;
	[tilespmem:s5+$0xFFFFFFF0] =	vst v25  }
0x1fa: {  	[tilespmem:s5+$0x70] =	vst v34;
	v25 =	vld.idx.msk [tilespmem:v26+s31+$0x0], $0xffff  }
0x1fb: {  	v32 =	vld [tilespmem:$0x1FF50];
	v29 =	vadd.s32 v62, v13  }
0x1fc: {  	v24 =	vld.idx.msk [tilespmem:v24+s31+$0x0], $0xffff;
	[tilespmem:s5+$0xF0] =	vst v20  }
0x1fd: {  	v23 =	vshll.u32 v39, v9;
	v14 =	vbroadcast v14, $0x0;
	v3 =	vld [tilespmem:$0x1FC20]  }
0x1fe: {  	v16 =	vbroadcast v23, $0x0;
	v17 =	vld.idx.msk [tilespmem:v17+s31+$0x0], $0xffff  }
0x1ff: {  	v39 =	vadd.s32 v48, v14;
	v26 =	vld.idx.msk [tilespmem:v27+s31+$0x0], $0xffff;
	[tilespmem:s5+$0x170] =	vst v28  }
0x200: {  	v30 =	vmovc v61;
	s22 =	sadd.s32 $0x400, s5;
	v61 =	vmov v62;
	v62 =	vmov v48;
	v48 =	vadd.s32 v32, v16;
	[tilespmem:s5+$0xFFFFFE70] =	vst v22;
	v27 =	vld.idx.msk [tilespmem:v29+s31+$0x0], $0xffff  }
0x201: {  	[tilespmem:s22+$0x180] =	vst v24  }
0x202: {  	v28 =	vld [tilespmem:$0x1FEF0];
	[tilespmem:s22+$0xFFFFFE80] =	vst v25;
	v33 =	vadd.s32 v3, v19  }
0x203: {  	v18 =	vld.idx.msk [tilespmem:v18+s31+$0x0], $0xffff;
	[tilespmem:s22+$0xFFFFFF80] =	vst v17  }
0x204: {  	v23 =	vld.idx.msk [tilespmem:v39+s31+$0x0], $0xffff;
	[tilespmem:s22+$0xFFFFFF00] =	vst v26  }
0x205: {  	v34 =	vadd.s32 v57, v6;
	v21 =	vld.idx.msk [tilespmem:v48+s31+$0x0], $0xffff;
	[tilespmem:s22+$0x0] =	vst v27  }
0x206: {  	v25 =	vadd.s32 v0, v12;
	v29 =	vld [tilespmem:$0x1FC30]  }
0x207: {  	v24 =	vadd.s32 v28, v11;
	v20 =	vld.idx.msk [tilespmem:v33+s31+$0x0], $0xffff;
	_ =	sdelay $0x1  }
0x208: {  	v48 =	vadd.s32 v44, v14;
	[tilespmem:s22+$0x80] =	vst v23  }
0x209: {  	v22 =	vld.idx.msk [tilespmem:v34+s31+$0x0], $0xffff;
	v26 =	vadd.s32 v4, v13;
	[tilespmem:s22+$0xFFFFFE00] =	vst v18  }
0x20a: {  	v31 =	vmov v57;
	v57 =	vadd.s32 v55, v16;
	v25 =	vld.idx.msk [tilespmem:v25+s31+$0x0], $0xffff;
	[tilespmem:s22+$0x100] =	vst v21  }
0x20b: {  	v27 =	vadd.s32 v29, v19;
	v24 =	vld.idx.msk [tilespmem:v24+s31+$0x0], $0xffff;
	[tilespmem:s22+$0x190] =	vst v20  }
0x20c: {  	v3 =	vld [tilespmem:$0x1FE70]  }
0x20d: {  	v17 =	vld.idx.msk [tilespmem:v48+s31+$0x0], $0xffff;
	v33 =	vadd.s32 v35, v15  }
0x20e: {  	v26 =	vld.idx.msk [tilespmem:v26+s31+$0x0], $0xffff  }
0x20f: {  	v23 =	vld.idx.msk [tilespmem:v57+s31+$0x0], $0xffff  }
0x210: {  	[tilespmem:s22+$0xFFFFFE90] =	vst v22;
	v27 =	vld.idx.msk [tilespmem:v27+s31+$0x0], $0xffff  }
0x211: {  	v34 =	vadd.s32 v53, v6;
	v44 =	vadd.s32 v3, v11;
	v3 =	vld [tilespmem:$0x1FCA0];
	[tilespmem:s22+$0xFFFFFF10] =	vst v24  }
0x212: {  	v21 =	vld.idx.msk [tilespmem:v33+s31+$0x0], $0xffff;
	[tilespmem:s22+$0xFFFFFF90] =	vst v25  }
0x213: {  	v55 =	vld [tilespmem:$0x1FC40];
	[tilespmem:s22+$0x10] =	vst v26  }
0x214: {  	[tilespmem:s22+$0x90] =	vst v17  }
0x215: {  	[tilespmem:s22+$0x1A0] =	vst v27  }
0x216: {  	v20 =	vld.idx.msk [tilespmem:v34+s31+$0x0], $0xffff;
	v24 =	vadd.s32 v42, v13;
	[tilespmem:s22+$0x110] =	vst v23  }
0x217: {  	[tilespmem:s22+$0xFFFFFE10] =	vst v21;
	v48 =	vadd.s32 v3, v12;
	v18 =	vld.idx.msk [tilespmem:v44+s31+$0x0], $0xffff  }
0x218: {  	v3 =	vld [tilespmem:$0x1FE90];
	_ =	sdelay $0x1  }
0x219: {  	v25 =	vadd.s32 v55, v19  }
0x21a: {  	v26 =	vadd.s32 v49, v14;
	v24 =	vld.idx.msk [tilespmem:v24+s31+$0x0], $0xffff  }
0x21b: {  	v49 =	vadd.s32 v56, v16;
	[tilespmem:s22+$0xFFFFFEA0] =	vst v20;
	v22 =	vld.idx.msk [tilespmem:v48+s31+$0x0], $0xffff  }
0x21c: {  	v27 =	vadd.s32 v36, v15;
	v56 =	vadd.s32 v3, v11;
	v3 =	vld [tilespmem:$0x1FCB0];
	[tilespmem:s22+$0xFFFFFF20] =	vst v18  }
0x21d: {  	v53 =	vadd.s32 v58, v6;
	v33 =	vld [tilespmem:$0x1FC50]  }
0x21e: {  	v25 =	vld.idx.msk [tilespmem:v25+s31+$0x0], $0xffff  }
0x21f: {  	v26 =	vld.idx.msk [tilespmem:v26+s31+$0x0], $0xffff  }
0x220: {  	v17 =	vld.idx.msk [tilespmem:v49+s31+$0x0], $0xffff  }
0x221: {  	v27 =	vld.idx.msk [tilespmem:v27+s31+$0x0], $0xffff;
	[tilespmem:s22+$0x20] =	vst v24;
	v57 =	vadd.s32 v3, v12  }
0x222: {  	v23 =	vld.idx.msk [tilespmem:v53+s31+$0x0], $0xffff;
	[tilespmem:s22+$0xFFFFFFA0] =	vst v22;
	v44 =	vadd.s32 v33, v19  }
0x223: {  	v21 =	vld.idx.msk [tilespmem:v56+s31+$0x0], $0xffff;
	[tilespmem:s22+$0x1B0] =	vst v25  }
0x224: {  	v39 =	vmov v4;
	v4 =	vmov v45;
	v45 =	vadd.s32 v45, v13;
	v3 =	vld [tilespmem:$0x1FE30];
	[tilespmem:s22+$0xA0] =	vst v26  }
0x225: {  	[tilespmem:s22+$0x120] =	vst v17  }
0x226: {  	v24 =	vadd.s32 v51, v14;
	[tilespmem:s22+$0xFFFFFE20] =	vst v27;
	v20 =	vld.idx.msk [tilespmem:v57+s31+$0x0], $0xffff  }
0x227: {  	v26 =	vadd.s32 v37, v15;
	[tilespmem:s22+$0xFFFFFEB0] =	vst v23;
	v18 =	vld.idx.msk [tilespmem:v44+s31+$0x0], $0xffff  }
0x228: {  	v44 =	vld [tilespmem:$0x1FC60]  }
0x229: {  	v22 =	vld.idx.msk [tilespmem:v45+s31+$0x0], $0xffff;
	[tilespmem:s22+$0xFFFFFF30] =	vst v21;
	v25 =	vadd.s32 v3, v16  }
0x22a: {  	v48 =	vadd.s32 v2, v6;
	v51 =	vmov v2;
	v2 =	vld [tilespmem:$0x1FCC0]  }
0x22b: {  	v24 =	vld.idx.msk [tilespmem:v24+s31+$0x0], $0xffff  }
0x22c: {  	v27 =	vadd.s32 v47, v11;
	v26 =	vld.idx.msk [tilespmem:v26+s31+$0x0], $0xffff;
	[tilespmem:s22+$0xFFFFFFB0] =	vst v20  }
0x22d: {  	v49 =	vadd.s32 v44, v19;
	v57 =	vld [tilespmem:$0x1FF10];
	[tilespmem:s22+$0x1C0] =	vst v18  }
0x22e: {  	v18 =	vadd.s32 v50, v14;
	[tilespmem:s22+$0x30] =	vst v22;
	v25 =	vld.idx.msk [tilespmem:v25+s31+$0x0], $0xffff  }
0x22f: {  	v53 =	vadd.s32 v2, v12;
	v2 =	vld [tilespmem:$0x1FE40]  }
0x230: {  	v17 =	vld.idx.msk [tilespmem:v48+s31+$0x0], $0xffff  }
0x231: {  	v27 =	vld.idx.msk [tilespmem:v27+s31+$0x0], $0xffff  }
0x232: {  	[tilespmem:s22+$0xB0] =	vst v24;
	v23 =	vld.idx.msk [tilespmem:v49+s31+$0x0], $0xffff  }
0x233: {  	[tilespmem:s22+$0xFFFFFE30] =	vst v26;
	v56 =	vadd.s32 v57, v13;
	v18 =	vld.idx.msk [tilespmem:v18+s31+$0x0], $0xffff  }
0x234: {  	v34 =	vadd.s32 v2, v16;
	v21 =	vld.idx.msk [tilespmem:v53+s31+$0x0], $0xffff;
	[tilespmem:s22+$0x130] =	vst v25  }
0x235: {  	v45 =	vld [tilespmem:$0x1FC70];
	[tilespmem:s22+$0xFFFFFEC0] =	vst v17  }
0x236: {  	v53 =	vld [tilespmem:$0x1FEE0];
	[tilespmem:s22+$0xFFFFFF40] =	vst v27  }
0x237: {  	v24 =	vadd.s32 v38, v15;
	v50 =	vld [tilespmem:$0x1FCD0]  }
0x238: {  	v25 =	vadd.s32 v40, v6;
	v20 =	vld.idx.msk [tilespmem:v56+s31+$0x0], $0xffff  }
0x239: {  	[tilespmem:s22+$0x1D0] =	vst v23;
	v22 =	vld.idx.msk [tilespmem:v34+s31+$0x0], $0xffff  }
0x23a: {  	v34 =	vld [tilespmem:$0x1FF20];
	[tilespmem:s22+$0xFFFFFFC0] =	vst v21;
	v26 =	vadd.s32 v45, v19  }
0x23b: {  	v2 =	vld [tilespmem:$0x1FFB0]  }
0x23c: {  	v24 =	vld.idx.msk [tilespmem:v24+s31+$0x0], $0xffff;
	v56 =	vadd.s32 v53, v11  }
0x23d: {  	v25 =	vld.idx.msk [tilespmem:v25+s31+$0x0], $0xffff;
	[tilespmem:s22+$0x40] =	vst v20  }
0x23e: {  	v27 =	vadd.s32 v50, v12;
	v53 =	vld [tilespmem:$0x1FD40]  }
0x23f: {  	[tilespmem:s22+$0xC0] =	vst v18;
	v26 =	vld.idx.msk [tilespmem:v26+s31+$0x0], $0xffff  }
0x240: {  	v3 =	vmov v2;
	v21 =	vadd.s32 v2, v14;
	v2 =	vld [tilespmem:$0x1FF80]  }
0x241: {  	v23 =	vadd.s32 v34, v13;
	[tilespmem:s22+$0x140] =	vst v22;
	v17 =	vld.idx.msk [tilespmem:v56+s31+$0x0], $0xffff  }
0x242: {  	v49 =	vld [tilespmem:$0x1FC80]  }
0x243: {  	[tilespmem:s22+$0xFFFFFE40] =	vst v24;
	v48 =	vld.idx.msk [tilespmem:v27+s31+$0x0], $0xffff  }
0x244: {  	v24 =	vld [tilespmem:$0x1FEB0];
	[tilespmem:s22+$0xFFFFFED0] =	vst v25  }
0x245: {  	v25 =	vld [tilespmem:$0x1FEA0]  }
0x246: {  	v20 =	vadd.s32 v53, v16;
	v23 =	vld.idx.msk [tilespmem:v23+s31+$0x0], $0xffff;
	_ =	sdelay $0x1  }
0x247: {  	v47 =	vadd.s32 v2, v15;
	[tilespmem:s22+$0x1E0] =	vst v26  }
0x248: {  	v56 =	vadd.s32 v43, v13;
	v26 =	vld [tilespmem:$0x1FCE0];
	[tilespmem:s22+$0xFFFFFF50] =	vst v17  }
0x249: {  	v21 =	vld.idx.msk [tilespmem:v21+s31+$0x0], $0xffff;
	[tilespmem:s22+$0xFFFFFFD0] =	vst v48;
	v25 =	vadd.s32 v25, v11  }
0x24a: {  	v19 =	vadd.s32 v49, v19;
	v20 =	vld.idx.msk [tilespmem:v20+s31+$0x0], $0xffff;
	[tilespmem:s22+$0x50] =	vst v23  }
0x24b: {  	v24 =	vadd.s32 v24, v6;
	v23 =	vld [tilespmem:$0x1FD50]  }
0x24c: {  	v18 =	vld.idx.msk [tilespmem:v47+s31+$0x0], $0xffff;
	v47 =	vadd.s32 v59, v14  }
0x24d: {  	v17 =	vld.idx.msk [tilespmem:v56+s31+$0x0], $0xffff;
	v26 =	vadd.s32 v26, v12  }
0x24e: {  	v48 =	vadd.s32 v46, v15;
	v25 =	vld.idx.msk [tilespmem:v25+s31+$0x0], $0xffff  }
0x24f: {  	v11 =	vadd.s32 v1, v11;
	[tilespmem:s22+$0xD0] =	vst v21;
	v19 =	vld.idx.msk [tilespmem:v19+s31+$0x0], $0xffff  }
0x250: {  	v24 =	vld.idx.msk [tilespmem:v24+s31+$0x0], $0xffff;
	[tilespmem:s22+$0x150] =	vst v20;
	v23 =	vadd.s32 v23, v16  }
0x251: {  	v6 =	vadd.s32 v5, v6;
	[tilespmem:s22+$0xFFFFFE50] =	vst v18;
	v56 =	vld.idx.msk [tilespmem:v47+s31+$0x0], $0xffff  }
0x252: {  	v13 =	vadd.s32 v8, v13;
	[tilespmem:s22+$0x60] =	vst v17;
	v49 =	vld.idx.msk [tilespmem:v26+s31+$0x0], $0xffff  }
0x253: {  	v14 =	vadd.s32 v10, v14;
	v21 =	vld.idx.msk [tilespmem:v48+s31+$0x0], $0xffff;
	[tilespmem:s22+$0xFFFFFF60] =	vst v25  }
0x254: {  	v12 =	vadd.s32 v7, v12;
	[tilespmem:s22+$0x1F0] =	vst v19;
	v11 =	vld.idx.msk [tilespmem:v11+s31+$0x0], $0xffff  }
0x255: {  	v15 =	vadd.s32 v60, v15;
	[tilespmem:s22+$0xFFFFFEE0] =	vst v24;
	v59 =	vld.idx.msk [tilespmem:v23+s31+$0x0], $0xffff  }
0x256: {  	v16 =	vadd.s32 v41, v16;
	v6 =	vld.idx.msk [tilespmem:v6+s31+$0x0], $0xffff;
	[tilespmem:s22+$0xE0] =	vst v56  }
0x257: {  	v13 =	vld.idx.msk [tilespmem:v13+s31+$0x0], $0xffff;
	[tilespmem:s22+$0xFFFFFFE0] =	vst v49  }
0x258: {  	[tilespmem:s22+$0xFFFFFE60] =	vst v21;
	v14 =	vld.idx.msk [tilespmem:v14+s31+$0x0], $0xffff  }
0x259: {  	v12 =	vld.idx.msk [tilespmem:v12+s31+$0x0], $0xffff;
	[tilespmem:s22+$0xFFFFFF70] =	vst v11  }
0x25a: {  	v11 =	vld.idx.msk [tilespmem:v15+s31+$0x0], $0xffff;
	[tilespmem:s22+$0x160] =	vst v59  }
0x25b: {  	[tilespmem:s22+$0xFFFFFEF0] =	vst v6;
	v6 =	vld.idx.msk [tilespmem:v16+s31+$0x0], $0xffff  }
0x25c: {  	[tilespmem:s22+$0x70] =	vst v13  }
0x25d: {  	[tilespmem:s22+$0xF0] =	vst v14  }
0x25e: {  	[tilespmem:s22+$0xFFFFFFF0] =	vst v12  }
0x25f: {  	s5 =	sshll.u32 s25, $0x10;
	[tilespmem:s22+$0xFFFFFE70] =	vst v11  }
0x260: {  	s5 =	sor.u32 s6, s5;
	[tilespmem:s22+$0x170] =	vst v6;
	s22 =	rddreg [dreg:$0x1]  }
0x261: {  	s23 =	simm.s32 $0xBD00;
	s0 =	sadd.s32 s22, s5  }
0x262: {  	[hbm4b:s0+s3] =	stream.linear.scatter [tilespmem:s23], [sflag:$0x3], $0x400, $0x38;
	[tilespmem:$0xFD00] =	vst v63  }
0x263: {  	s26 =	simm.s32 $0xC100;
	s24 =	sadd.s32 s5, s7  }
0x264: {  	[hbm4b:s24+s3] =	stream.linear.scatter [tilespmem:s26], [sflag:$0x3], $0x400, $0x38;
	[tilespmem:$0xFD00] =	vst v63  }
0x265: {  	s22 =	sadd.s32 s5, s8;
	s23 =	simm.s32 $0xC500  }
0x266: {  	[hbm4b:s22+s3] =	stream.linear.scatter [tilespmem:s23], [sflag:$0x3], $0x400, $0x38;
	[tilespmem:$0xFD00] =	vst v63  }
0x267: {  	s24 =	sadd.s32 s5, s9;
	s26 =	simm.s32 $0xC900  }
0x268: {  	[hbm4b:s24+s3] =	stream.linear.scatter [tilespmem:s26], [sflag:$0x3], $0x400, $0x38;
	[tilespmem:$0xFD00] =	vst v63  }
0x269: {  	s22 =	sadd.s32 s5, s10;
	s23 =	simm.s32 $0xCD00  }
0x26a: {  	[hbm4b:s22+s3] =	stream.linear.scatter [tilespmem:s23], [sflag:$0x3], $0x400, $0x38;
	[tilespmem:$0xFD00] =	vst v63  }
0x26b: {  	p1 =	sne.s32 s25, $0x18;
	s24 =	sadd.s32 s5, s11;
	s26 =	simm.s32 $0xD100  }
0x26c: {  	[hbm4b:s24+s3] =	stream.linear.scatter [tilespmem:s26], [sflag:$0x3], $0x400, $0x38;
	[tilespmem:$0xFD00] =	vst v63  }
.Ltmp5:
0x26d: {  	_ = 	snop;
	(pc) =	sbr.rel @p1 .LBB2_10-.Ltmp5, $4  }
0x26e: {  	v2 =	vmov v57;
	s22 =	sadd.s32 s5, s12;
	s23 =	simm.s32 $0xD500  }
0x26f: {  	v60 =	vmovc v62;
	v5 =	vmovc v32;
	v62 =	vmov v55;
	v46 =	vmov v33;
	v32 =	vmov v44;
	[hbm4b:s22+s3] =	stream.linear.scatter [tilespmem:s23], [sflag:$0x3], $0x400, $0x38;
	[tilespmem:$0xFD00] =	vst v63  }
0x270: {  	v33 =	vmovc v45;
	v47 =	vmovc v30;
	v41 =	vmov v34;
	v34 =	vmov v53;
	v48 =	vmov v31;
	s24 =	sadd.s32 s5, s13;
	s26 =	simm.s32 $0xD900  }
0x271: {  	v31 =	vmovc v58;
	v58 =	vmovc v28;
	v25 =	vmov v61;
	v49 =	vmov v29;
	v12 =	vmov v50;
	v30 =	vld [tilespmem:$0x1FF90];
	[hbm4b:s24+s3] =	stream.linear.scatter [tilespmem:s26], [sflag:$0x3], $0x400, $0x38  }
.Ltmp6:
0x272: {  	(pc) =	sbr.rel .LBB2_11-.Ltmp6, $4  }
0x273: {  	_ = 	snop  }
0x274: {  	_ =	swait.ge [sflag:s2], $0x2000  }
0x275: {  	[sflag:s2] =	ssyncset.done $0x0  }
0x276: {  	[sflag:s2] =	ssyncadd.s32 $0xFFFFE000  }
.LBB2_10:
0x277: {  	s0 =	sshrl.u32 s28, $0x2;
	s22 =	simm.s32 $0x80  }
.Ltmp7:
0x278: {  	s23 =	simm.s32 $0x3500;
	s0 =	sadd.s32 $0x1D00, s0;
	(pc) =	sbr.rel @p0 .LBB2_12-.Ltmp7, $4  }
0x279: {  	[tilespmem:s23], [sflag:$0x1] =	stream.indirect.gather [hbm4b:s4+s22], $0x40, s0, s22, $0xb8;
	[tilespmem:$0xFD00] =	vst v63  }
0x27a: {  	_ =	swait.ge [sflag:s2], $0x2000  }
0x27b: {  	[sflag:s2] =	ssyncset.done $0x0  }
0x27c: {  	[sflag:s2] =	ssyncadd.s32 $0xFFFFE000  }
.LBB2_11:
0x27d: {  	_ =	swait.ge [sflag:s29], $0x400  }
0x27e: {  	[sflag:s29] =	ssyncset.done $0x0  }
0x27f: {  	[sflag:s29] =	ssyncadd.s32 $0xFFFFFC00  }
0x280: {  	_ =	swait.ge [sflag:s29], $0x400  }
0x281: {  	[sflag:s29] =	ssyncset.done $0x0  }
0x282: {  	[sflag:s29] =	ssyncadd.s32 $0xFFFFFC00  }
0x283: {  	_ =	swait.ge [sflag:s29], $0x400  }
0x284: {  	[sflag:s29] =	ssyncset.done $0x0  }
0x285: {  	[sflag:s29] =	ssyncadd.s32 $0xFFFFFC00  }
0x286: {  	_ =	swait.ge [sflag:s29], $0x400  }
0x287: {  	[sflag:s29] =	ssyncset.done $0x0  }
0x288: {  	[sflag:s29] =	ssyncadd.s32 $0xFFFFFC00  }
0x289: {  	_ =	swait.ge [sflag:s29], $0x400  }
0x28a: {  	[sflag:s29] =	ssyncset.done $0x0  }
0x28b: {  	[sflag:s29] =	ssyncadd.s32 $0xFFFFFC00  }
0x28c: {  	_ =	swait.ge [sflag:s29], $0x400  }
0x28d: {  	[sflag:s29] =	ssyncset.done $0x0  }
0x28e: {  	[sflag:s29] =	ssyncadd.s32 $0xFFFFFC00  }
0x28f: {  	_ =	swait.ge [sflag:s29], $0x400  }
0x290: {  	[sflag:s29] =	ssyncset.done $0x0  }
0x291: {  	[sflag:s29] =	ssyncadd.s32 $0xFFFFFC00  }
0x292: {  	_ =	swait.ge [sflag:s29], $0x400  }
0x293: {  	[sflag:s29] =	ssyncset.done $0x0  }
0x294: {  	[sflag:s29] =	ssyncadd.s32 $0xFFFFFC00  }
.LBB2_12:
0x295: {  	s0 =	simm.s32 $0x56F0  }
0x296: {  	v6 =	vld [tilespmem:s0+$0xFFFFFFD0]  }
0x297: {  	v11 =	vld [tilespmem:s0+$0xFFFFFE50]  }
0x298: {  	v53 =	vmov v12;
	v12 =	vld [tilespmem:s0+$0xFFFFFE90]  }
0x299: {  	v13 =	vld [tilespmem:s0+$0xFFFFFED0]  }
0x29a: {  	s23 =	simm.s32 $0x9B28;
	v14 =	vld [tilespmem:s0+$0xFFFFFF10]  }
0x29b: {  	v15 =	vld [tilespmem:s0+$0xFFFFFF50];
	[tilespmem:s23+$0xFFFFFFD0] =	vst v6  }
0x29c: {  	[tilespmem:s23+$0xFFFFFE20] =	vst v11;
	v11 =	vld [tilespmem:s0+$0xFFFFFF90]  }
0x29d: {  	[tilespmem:s23+$0xFFFFFE68] =	vst v12;
	v12 =	vld [tilespmem:s0+$0xFFFFFE10]  }
0x29e: {  	[tilespmem:s23+$0xFFFFFEB0] =	vst v13;
	v6 =	vld [tilespmem:s0+$0xFFFFFFE0]  }
0x29f: {  	[tilespmem:s23+$0xFFFFFEF8] =	vst v14;
	v13 =	vld [tilespmem:s0+$0xFFFFFE60]  }
0x2a0: {  	[tilespmem:s23+$0xFFFFFF40] =	vst v15;
	v14 =	vld [tilespmem:s0+$0xFFFFFEA0]  }
0x2a1: {  	v15 =	vld [tilespmem:s0+$0xFFFFFEE0];
	[tilespmem:s23+$0xFFFFFF88] =	vst v11  }
0x2a2: {  	[tilespmem:s23+$0xFFFFFDD8] =	vst v12;
	v11 =	vld [tilespmem:s0+$0xFFFFFF20]  }
0x2a3: {  	[tilespmem:s23+$0xFFFFFFE0] =	vst v6;
	v12 =	vld [tilespmem:s0+$0xFFFFFE20]  }
0x2a4: {  	[tilespmem:s23+$0xFFFFFE30] =	vst v13;
	v13 =	vld [tilespmem:s0+$0xFFFFFF60]  }
0x2a5: {  	[tilespmem:s23+$0xFFFFFE78] =	vst v14;
	v14 =	vld [tilespmem:s0+$0xFFFFFFA0]  }
0x2a6: {  	[tilespmem:s23+$0xFFFFFEC0] =	vst v15;
	v15 =	vld [tilespmem:s0+$0xFFFFFE70]  }
0x2a7: {  	v6 =	vld [tilespmem:s0+$0xFFFFFFF0];
	[tilespmem:s23+$0xFFFFFF08] =	vst v11  }
0x2a8: {  	v11 =	vld [tilespmem:s0+$0xFFFFFEB0];
	[tilespmem:s23+$0xFFFFFDE8] =	vst v12  }
0x2a9: {  	[tilespmem:s23+$0xFFFFFF50] =	vst v13;
	v13 =	vld [tilespmem:s0+$0xFFFFFEF0]  }
0x2aa: {  	[tilespmem:s23+$0xFFFFFF98] =	vst v14;
	v12 =	vld [tilespmem:s0+$0xFFFFFE30]  }
0x2ab: {  	[tilespmem:s23+$0xFFFFFE40] =	vst v15;
	v15 =	vld [tilespmem:s0+$0xFFFFFF30]  }
0x2ac: {  	[tilespmem:s23+$0xFFFFFFF0] =	vst v6;
	v16 =	vld [tilespmem:s0+$0xFFFFFF70]  }
0x2ad: {  	v6 =	vld [tilespmem:s0+$0x0];
	[tilespmem:s23+$0xFFFFFE88] =	vst v11  }
0x2ae: {  	v11 =	vld [tilespmem:s0+$0xFFFFFFB0];
	[tilespmem:s23+$0xFFFFFED0] =	vst v13  }
0x2af: {  	[tilespmem:s23+$0xFFFFFDF8] =	vst v12;
	v12 =	vld [tilespmem:s0+$0xFFFFFE80]  }
0x2b0: {  	[tilespmem:s23+$0xFFFFFF18] =	vst v15;
	v17 =	vld [tilespmem:s0+$0xFFFFFE40]  }
0x2b1: {  	v14 =	vld [tilespmem:s0+$0xFFFFFEC0];
	[tilespmem:s23+$0xFFFFFF60] =	vst v16  }
0x2b2: {  	v13 =	vld [tilespmem:s0+$0xFFFFFF00];
	[tilespmem:s23+$0x0] =	vst v6  }
0x2b3: {  	v6 =	vld [tilespmem:s0+$0xFFFFFF40];
	[tilespmem:s23+$0xFFFFFFA8] =	vst v11  }
0x2b4: {  	v18 =	vld [tilespmem:s0+$0xFFFFFFC0];
	[tilespmem:s23+$0xFFFFFE50] =	vst v12  }
0x2b5: {  	v12 =	vld [tilespmem:s0+$0xFFFFFF80];
	[tilespmem:s23+$0xFFFFFE08] =	vst v17  }
0x2b6: {  	v44 =	vld [tilespmem:$0x1FF30]  }
0x2b7: {  	v56 =	vld [tilespmem:$0x1FF40]  }
0x2b8: {  	v10 =	vmov v39;
	v39 =	vld [tilespmem:$0x1FF60]  }
0x2b9: {  	v0 =	vld [tilespmem:$0x1FC20]  }
0x2ba: {  	v59 =	vmov v4;
	s26 =	simm.s32 $0x0;
	s22 =	simm.s32 $0xE0F0;
	v45 =	vmov v3;
	s0 =	simm.s32 $0x58F0;
	v50 =	vld [tilespmem:$0x1FC10]  }
.LBB2_13:
0x2bb: {  	v11 =	vld [tilespmem:s0+$0xFFFFFFD0];
	s26 =	sadd.s32 $0x8, s26;
	[tilespmem:s23+$0xFFFFFE98] =	vst v14  }
0x2bc: {  	v14 =	vld [tilespmem:s0+$0xFFFFFE50];
	p0 =	slt.u32 s26, $0x78;
	[tilespmem:s23+$0xFFFFFEE0] =	vst v13  }
0x2bd: {  	v13 =	vld [tilespmem:s0+$0xFFFFFE90];
	[tilespmem:s23+$0xFFFFFF28] =	vst v6  }
0x2be: {  	v6 =	vld [tilespmem:s0+$0xFFFFFED0];
	[tilespmem:s23+$0xFFFFFF70] =	vst v12  }
0x2bf: {  	v12 =	vld [tilespmem:s0+$0xFFFFFF10];
	[tilespmem:s23+$0xFFFFFFB8] =	vst v18;
	s23 =	sadd.s32 $0x240, s23  }
0x2c0: {  	v15 =	vld [tilespmem:s0+$0xFFFFFF50];
	[tilespmem:s23+$0xFFFFFFD0] =	vst v11  }
0x2c1: {  	[tilespmem:s23+$0xFFFFFE20] =	vst v14;
	v11 =	vld [tilespmem:s0+$0xFFFFFFE0]  }
0x2c2: {  	[tilespmem:s23+$0xFFFFFE68] =	vst v13;
	v13 =	vld [tilespmem:s0+$0xFFFFFF90]  }
0x2c3: {  	v14 =	vld [tilespmem:s0+$0xFFFFFE10];
	[tilespmem:s23+$0xFFFFFEB0] =	vst v6  }
0x2c4: {  	v6 =	vld [tilespmem:s0+$0xFFFFFE60];
	[tilespmem:s23+$0xFFFFFEF8] =	vst v12  }
0x2c5: {  	v12 =	vld [tilespmem:s0+$0xFFFFFEA0];
	[tilespmem:s23+$0xFFFFFF40] =	vst v15  }
0x2c6: {  	v15 =	vld [tilespmem:s0+$0xFFFFFEE0];
	[tilespmem:s23+$0xFFFFFFE0] =	vst v11  }
0x2c7: {  	[tilespmem:s23+$0xFFFFFF88] =	vst v13;
	v11 =	vld [tilespmem:s0+$0xFFFFFFF0]  }
0x2c8: {  	[tilespmem:s23+$0xFFFFFDD8] =	vst v14;
	v13 =	vld [tilespmem:s0+$0xFFFFFF20]  }
0x2c9: {  	v14 =	vld [tilespmem:s0+$0xFFFFFE20];
	[tilespmem:s23+$0xFFFFFE30] =	vst v6  }
0x2ca: {  	[tilespmem:s23+$0xFFFFFE78] =	vst v12;
	v6 =	vld [tilespmem:s0+$0xFFFFFF60]  }
0x2cb: {  	[tilespmem:s23+$0xFFFFFEC0] =	vst v15;
	v12 =	vld [tilespmem:s0+$0xFFFFFFA0]  }
0x2cc: {  	v15 =	vld [tilespmem:s0+$0xFFFFFE70];
	[tilespmem:s23+$0xFFFFFFF0] =	vst v11  }
0x2cd: {  	[tilespmem:s23+$0xFFFFFF08] =	vst v13;
	v11 =	vld [tilespmem:s0+$0x0]  }
0x2ce: {  	[tilespmem:s23+$0xFFFFFDE8] =	vst v14;
	v13 =	vld [tilespmem:s0+$0xFFFFFEB0]  }
0x2cf: {  	v14 =	vld [tilespmem:s0+$0xFFFFFE30];
	[tilespmem:s23+$0xFFFFFF50] =	vst v6  }
0x2d0: {  	v6 =	vld [tilespmem:s0+$0xFFFFFEF0];
	[tilespmem:s23+$0xFFFFFF98] =	vst v12  }
0x2d1: {  	[tilespmem:s23+$0xFFFFFE40] =	vst v15;
	v12 =	vld [tilespmem:s0+$0xFFFFFF30]  }
0x2d2: {  	s24 =	simm.s32 $0x0;
	v15 =	vld [tilespmem:s0+$0xFFFFFF70];
	[tilespmem:s23+$0x0] =	vst v11  }
0x2d3: {  	[tilespmem:s23+$0xFFFFFE88] =	vst v13;
	v11 =	vld [tilespmem:s0+$0xFFFFFFB0]  }
0x2d4: {  	[tilespmem:s23+$0xFFFFFDF8] =	vst v14;
	v16 =	vld [tilespmem:s0+$0xFFFFFE80]  }
0x2d5: {  	v17 =	vld [tilespmem:s0+$0xFFFFFE40];
	[tilespmem:s23+$0xFFFFFED0] =	vst v6  }
.Ltmp8:
0x2d6: {  	v14 =	vld [tilespmem:s0+$0xFFFFFEC0];
	[tilespmem:s23+$0xFFFFFF18] =	vst v12;
	(pc) =	sbr.rel @p0 .LBB2_13-.Ltmp8, $4  }
0x2d7: {  	v13 =	vld [tilespmem:s0+$0xFFFFFF00];
	[tilespmem:s23+$0xFFFFFF60] =	vst v15  }
0x2d8: {  	v6 =	vld [tilespmem:s0+$0xFFFFFF40];
	[tilespmem:s23+$0xFFFFFFA8] =	vst v11  }
0x2d9: {  	[tilespmem:s23+$0xFFFFFE50] =	vst v16;
	v12 =	vld [tilespmem:s0+$0xFFFFFF80]  }
0x2da: {  	[tilespmem:s23+$0xFFFFFE08] =	vst v17;
	v18 =	vld [tilespmem:s0+$0xFFFFFFC0];
	s0 =	sadd.s32 $0x200, s0  }
0x2db: {  	v11 =	vmov s24  }
0x2dc: {  	s0 =	simm.s32 $0x1;
	s26 =	simm.s32 $0x2;
	s24 =	simm.s32 $0x4;
	v11 =	vshrl.u32 v11, $0x3  }
0x2dd: {  	v15 =	vmov s0;
	s0 =	simm.s32 $0x3;
	v16 =	vmov s26;
	s26 =	simm.s32 $0x5;
	v19 =	vmov s24  }
0x2de: {  	v7 =	vld [tilespmem:$0x1FDD0];
	v11 =	vshll.u32 v11, v9;
	v17 =	vmov s0;
	v20 =	vmov s26  }
0x2df: {  	[tilespmem:s23+$0xFFFFFE98] =	vst v14;
	s26 =	simm.s32 $0x7;
	v15 =	vshrl.u32 v15, $0x3;
	v16 =	vshrl.u32 v16, $0x3;
	v19 =	vshrl.u32 v19, $0x3  }
0x2e0: {  	[tilespmem:s23+$0xFFFFFEE0] =	vst v13;
	v11 =	vbroadcast v11, $0x0;
	v22 =	vmov s26;
	v24 =	vshrl.u32 v17, $0x3  }
0x2e1: {  	[tilespmem:s23+$0xFFFFFF28] =	vst v6;
	v20 =	vshrl.u32 v20, $0x3;
	v14 =	vshll.u32 v16, v9;
	v6 =	vshll.u32 v19, v9  }
0x2e2: {  	[tilespmem:s23+$0xFFFFFF70] =	vst v12;
	v22 =	vshrl.u32 v22, $0x3;
	v16 =	vbroadcast v14, $0x0;
	v13 =	vshll.u32 v24, v9  }
0x2e3: {  	[tilespmem:s23+$0xFFFFFFB8] =	vst v18;
	v21 =	vadd.s32 v7, v11;
	v17 =	vshll.u32 v22, v9;
	v14 =	vbroadcast v13, $0x0  }
0x2e4: {  	v22 =	vshll.u32 v15, v9;
	v13 =	vbroadcast v6, $0x0;
	v1 =	vld [tilespmem:$0x1FD60];
	v15 =	vbroadcast v17, $0x0  }
0x2e5: {  	s24 =	simm.s32 $0x6;
	v6 =	vshll.u32 v20, v9;
	v17 =	vbroadcast v22, $0x0;
	v19 =	vadd.s32 v30, v16  }
0x2e6: {  	v23 =	vmov s24;
	v12 =	vbroadcast v6, $0x0;
	v22 =	vadd.s32 v50, v15  }
0x2e7: {  	v23 =	vshrl.u32 v23, $0x3;
	v24 =	vadd.s32 v47, v17  }
0x2e8: {  	v6 =	vshll.u32 v23, v9;
	v23 =	vadd.s32 v60, v12;
	v26 =	vadd.s32 v0, v15;
	v0 =	vld [tilespmem:$0x1FC90]  }
0x2e9: {  	v6 =	vbroadcast v6, $0x0;
	v18 =	vadd.s32 v1, v14;
	v20 =	vld.idx.msk [tilespmem:v21+s1+$0x0], $0xffff  }
0x2ea: {  	v21 =	vadd.s32 v25, v13;
	v19 =	vld.idx.msk [tilespmem:v19+s1+$0x0], $0xffff  }
0x2eb: {  	v8 =	vmov v25;
	v25 =	vadd.s32 v5, v6;
	v22 =	vld.idx.msk [tilespmem:v22+s1+$0x0], $0xffff  }
0x2ec: {  	v24 =	vld.idx.msk [tilespmem:v24+s1+$0x0], $0xffff  }
0x2ed: {  	v27 =	vadd.s32 v48, v17;
	v23 =	vld.idx.msk [tilespmem:v23+s1+$0x0], $0xffff  }
0x2ee: {  	v18 =	vld.idx.msk [tilespmem:v18+s1+$0x0], $0xffff  }
0x2ef: {  	v28 =	vadd.s32 v58, v16;
	v21 =	vld.idx.msk [tilespmem:v21+s1+$0x0], $0xffff  }
0x2f0: {  	v29 =	vadd.s32 v0, v14;
	v25 =	vld.idx.msk [tilespmem:v25+s1+$0x0], $0xffff;
	[tilespmem:s22+$0xFFFFFF90] =	vst v22  }
0x2f1: {  	[tilespmem:s22+$0xFFFFFC90] =	vst v24;
	v24 =	vld.idx.msk [tilespmem:v26+s1+$0x0], $0xffff  }
0x2f2: {  	v55 =	vmov v30;
	v30 =	vadd.s32 v10, v13;
	[tilespmem:s22+$0xFFFFFD10] =	vst v19;
	v26 =	vld.idx.msk [tilespmem:v27+s1+$0x0], $0xffff  }
0x2f3: {  	v1 =	vld [tilespmem:$0x1FED0]  }
0x2f4: {  	v27 =	vld.idx.msk [tilespmem:v28+s1+$0x0], $0xffff;
	[tilespmem:s22+$0xFFFFFD90] =	vst v18  }
0x2f5: {  	[tilespmem:s22+$0xFFFFFE10] =	vst v21;
	v29 =	vld.idx.msk [tilespmem:v29+s1+$0x0], $0xffff  }
0x2f6: {  	v22 =	vadd.s32 v44, v12;
	v18 =	vadd.s32 v49, v15;
	v49 =	vld [tilespmem:$0x1FFE0]  }
0x2f7: {  	v28 =	vadd.s32 v35, v11;
	v30 =	vld.idx.msk [tilespmem:v30+s1+$0x0], $0xffff;
	[tilespmem:s22+$0xFFFFFE90] =	vst v23  }
0x2f8: {  	v57 =	vld [tilespmem:$0x1FE70];
	[tilespmem:s22+$0xFFFFFF10] =	vst v25  }
0x2f9: {  	v0 =	vld [tilespmem:$0x1FCA0];
	[tilespmem:s22+$0xFFFFFC10] =	vst v20  }
0x2fa: {  	v20 =	vadd.s32 v42, v13;
	[tilespmem:s22+$0xFFFFFFA0] =	vst v24  }
0x2fb: {  	v22 =	vld.idx.msk [tilespmem:v22+s1+$0x0], $0xffff;
	v19 =	vadd.s32 v1, v6;
	[tilespmem:s22+$0xFFFFFCA0] =	vst v26  }
0x2fc: {  	v24 =	vld.idx.msk [tilespmem:v28+s1+$0x0], $0xffff;
	[tilespmem:s22+$0xFFFFFD20] =	vst v27  }
0x2fd: {  	v18 =	vld.idx.msk [tilespmem:v18+s1+$0x0], $0xffff;
	v21 =	vadd.s32 v49, v17;
	[tilespmem:s22+$0xFFFFFDA0] =	vst v29  }
0x2fe: {  	v23 =	vadd.s32 v57, v16;
	v1 =	vld [tilespmem:$0x1FE60];
	[tilespmem:s22+$0xFFFFFE20] =	vst v30  }
0x2ff: {  	v25 =	vadd.s32 v0, v14;
	v20 =	vld.idx.msk [tilespmem:v20+s1+$0x0], $0xffff  }
0x300: {  	[tilespmem:s22+$0xFFFFFEA0] =	vst v22;
	v19 =	vld.idx.msk [tilespmem:v19+s1+$0x0], $0xffff  }
0x301: {  	v26 =	vadd.s32 v56, v12;
	v4 =	vld [tilespmem:$0x1FE90]  }
0x302: {  	v27 =	vadd.s32 v62, v15;
	v21 =	vld.idx.msk [tilespmem:v21+s1+$0x0], $0xffff  }
0x303: {  	v23 =	vld.idx.msk [tilespmem:v23+s1+$0x0], $0xffff;
	v28 =	vadd.s32 v1, v6  }
0x304: {  	v29 =	vadd.s32 v36, v11;
	[tilespmem:s22+$0xFFFFFFB0] =	vst v18;
	v25 =	vld.idx.msk [tilespmem:v25+s1+$0x0], $0xffff  }
0x305: {  	v0 =	vld [tilespmem:$0x1FCB0];
	[tilespmem:s22+$0xFFFFFC20] =	vst v24  }
0x306: {  	v30 =	vadd.s32 v31, v17;
	v26 =	vld.idx.msk [tilespmem:v26+s1+$0x0], $0xffff;
	[tilespmem:s22+$0xFFFFFF20] =	vst v19  }
0x307: {  	v22 =	vadd.s32 v4, v16;
	v19 =	vld.idx.msk [tilespmem:v27+s1+$0x0], $0xffff;
	[tilespmem:s22+$0xFFFFFCB0] =	vst v21  }
0x308: {  	v27 =	vld.idx.msk [tilespmem:v28+s1+$0x0], $0xffff;
	[tilespmem:s22+$0xFFFFFD30] =	vst v23  }
0x309: {  	v24 =	vadd.s32 v59, v13;
	v28 =	vld.idx.msk [tilespmem:v29+s1+$0x0], $0xffff;
	[tilespmem:s22+$0xFFFFFDB0] =	vst v25  }
0x30a: {  	v18 =	vadd.s32 v0, v14;
	v0 =	vld [tilespmem:$0x1FE30]  }
0x30b: {  	v29 =	vld.idx.msk [tilespmem:v30+s1+$0x0], $0xffff;
	[tilespmem:s22+$0xFFFFFE30] =	vst v20  }
0x30c: {  	v21 =	vadd.s32 v46, v15;
	v22 =	vld.idx.msk [tilespmem:v22+s1+$0x0], $0xffff;
	[tilespmem:s22+$0xFFFFFFC0] =	vst v19  }
0x30d: {  	v23 =	vadd.s32 v39, v12;
	v59 =	vld [tilespmem:$0x1FEC0]  }
0x30e: {  	v24 =	vld.idx.msk [tilespmem:v24+s1+$0x0], $0xffff;
	[tilespmem:s22+$0xFFFFFEB0] =	vst v26  }
0x30f: {  	v30 =	vadd.s32 v37, v11;
	v25 =	vadd.s32 v0, v6;
	v0 =	vld [tilespmem:$0x1FCC0];
	[tilespmem:s22+$0xFFFFFF30] =	vst v27  }
0x310: {  	v20 =	vadd.s32 v51, v17;
	v18 =	vld.idx.msk [tilespmem:v18+s1+$0x0], $0xffff;
	[tilespmem:s22+$0xFFFFFC30] =	vst v28  }
0x311: {  	v21 =	vld.idx.msk [tilespmem:v21+s1+$0x0], $0xffff;
	[tilespmem:s22+$0xFFFFFCC0] =	vst v29  }
0x312: {  	v23 =	vld.idx.msk [tilespmem:v23+s1+$0x0], $0xffff;
	[tilespmem:s22+$0xFFFFFD40] =	vst v22;
	v19 =	vadd.s32 v59, v16  }
0x313: {  	v1 =	vld [tilespmem:$0x1FE50]  }
0x314: {  	v27 =	vadd.s32 v32, v15;
	v28 =	vld.idx.msk [tilespmem:v30+s1+$0x0], $0xffff  }
0x315: {  	v20 =	vld.idx.msk [tilespmem:v20+s1+$0x0], $0xffff  }
0x316: {  	v26 =	vadd.s32 v0, v14;
	v25 =	vld.idx.msk [tilespmem:v25+s1+$0x0], $0xffff  }
0x317: {  	v29 =	vadd.s32 v2, v13;
	[tilespmem:s22+$0xFFFFFDC0] =	vst v18;
	v19 =	vld.idx.msk [tilespmem:v19+s1+$0x0], $0xffff  }
0x318: {  	v30 =	vadd.s32 v38, v11;
	v22 =	vadd.s32 v1, v12;
	v1 =	vld [tilespmem:$0x1FE40];
	[tilespmem:s22+$0xFFFFFFD0] =	vst v21  }
0x319: {  	[tilespmem:s22+$0xFFFFFE40] =	vst v24;
	v24 =	vld.idx.msk [tilespmem:v27+s1+$0x0], $0xffff  }
0x31a: {  	v21 =	vadd.s32 v40, v17;
	v60 =	vld [tilespmem:$0x1FEE0];
	[tilespmem:s22+$0xFFFFFEC0] =	vst v23  }
0x31b: {  	[tilespmem:s22+$0xFFFFFC40] =	vst v28;
	v26 =	vld.idx.msk [tilespmem:v26+s1+$0x0], $0xffff  }
0x31c: {  	v29 =	vld.idx.msk [tilespmem:v29+s1+$0x0], $0xffff;
	[tilespmem:s22+$0xFFFFFCD0] =	vst v20  }
0x31d: {  	v23 =	vadd.s32 v33, v15;
	v28 =	vld.idx.msk [tilespmem:v30+s1+$0x0], $0xffff;
	[tilespmem:s22+$0xFFFFFF40] =	vst v25  }
0x31e: {  	v18 =	vadd.s32 v1, v6;
	v22 =	vld.idx.msk [tilespmem:v22+s1+$0x0], $0xffff;
	[tilespmem:s22+$0xFFFFFD50] =	vst v19  }
0x31f: {  	v25 =	vadd.s32 v53, v14;
	v21 =	vld.idx.msk [tilespmem:v21+s1+$0x0], $0xffff;
	[tilespmem:s22+$0xFFFFFFE0] =	vst v24  }
0x320: {  	v27 =	vadd.s32 v60, v16;
	v61 =	vld [tilespmem:$0x1FF80];
	[tilespmem:s22+$0xFFFFFDD0] =	vst v26  }
0x321: {  	v0 =	vld [tilespmem:$0x1FEB0]  }
0x322: {  	v20 =	vadd.s32 v41, v13;
	v23 =	vld.idx.msk [tilespmem:v23+s1+$0x0], $0xffff  }
0x323: {  	v19 =	vadd.s32 v45, v12;
	v18 =	vld.idx.msk [tilespmem:v18+s1+$0x0], $0xffff  }
0x324: {  	v33 =	vld.idx.msk [tilespmem:v25+s1+$0x0], $0xffff;
	[tilespmem:s22+$0xFFFFFE50] =	vst v29  }
0x325: {  	v30 =	vadd.s32 v34, v6;
	[tilespmem:s22+$0xFFFFFED0] =	vst v22;
	v27 =	vld.idx.msk [tilespmem:v27+s1+$0x0], $0xffff  }
0x326: {  	v24 =	vadd.s32 v61, v11;
	v26 =	vadd.s32 v0, v17;
	v0 =	vld [tilespmem:$0x1FC80]  }
0x327: {  	v29 =	vld.idx.msk [tilespmem:v20+s1+$0x0], $0xffff  }
0x328: {  	v3 =	vmov v35;
	v35 =	vld.idx.msk [tilespmem:v19+s1+$0x0], $0xffff  }
0x329: {  	v61 =	vld [tilespmem:$0x1FEA0];
	[tilespmem:s22+$0xFFFFFF50] =	vst v18  }
0x32a: {  	v1 =	vmov v37;
	[tilespmem:s22+$0xFFFFFC50] =	vst v28;
	v37 =	vld.idx.msk [tilespmem:v30+s1+$0x0], $0xffff  }
0x32b: {  	v20 =	vld.idx.msk [tilespmem:v24+s1+$0x0], $0xffff;
	v22 =	vadd.s32 v0, v15  }
0x32c: {  	v0 =	vld [tilespmem:$0x1FCE0];
	[tilespmem:s22+$0xFFFFFCE0] =	vst v21  }
0x32d: {  	v53 =	vmov v39;
	v39 =	vld [tilespmem:$0x1FFF0];
	[tilespmem:s22+$0xFFFFFFF0] =	vst v23  }
0x32e: {  	v62 =	vadd.s32 v61, v16;
	v19 =	vld.idx.msk [tilespmem:v26+s1+$0x0], $0xffff;
	[tilespmem:s22+$0xFFFFFD60] =	vst v27  }
0x32f: {  	v5 =	vld [tilespmem:$0x1FD50]  }
0x330: {  	v24 =	vadd.s32 v43, v13;
	v26 =	vld.idx.msk [tilespmem:v22+s1+$0x0], $0xffff  }
0x331: {  	v22 =	vld [tilespmem:$0x1FFA0];
	[tilespmem:s22+$0xFFFFFDE0] =	vst v33  }
0x332: {  	[tilespmem:s22+$0xFFFFFE60] =	vst v29  }
0x333: {  	s23 =	simm.s32 $0x9;
	v34 =	vmov v41;
	v21 =	vld.idx.msk [tilespmem:v62+s1+$0x0], $0xffff;
	[tilespmem:s22+$0xFFFFFEE0] =	vst v35  }
0x334: {  	s24 =	simm.s32 $0xA;
	v41 =	vmovc v42;
	v42 =	vmovc v56;
	v56 =	vmov v58;
	v58 =	vmov v4;
	v23 =	vmov s23;
	v4 =	vld [tilespmem:$0x1FE10]  }
0x335: {  	s26 =	simm.s32 $0x8;
	v48 =	vmovc v2;
	v2 =	vmovc v36;
	v27 =	vmov s24;
	v30 =	vshrl.u32 v23, $0x3;
	v36 =	vadd.s32 v0, v14;
	v23 =	vld.idx.msk [tilespmem:v24+s1+$0x0], $0xffff;
	[tilespmem:s22+$0xFFFFFF60] =	vst v37  }
0x336: {  	v15 =	vmov s26;
	v29 =	vshrl.u32 v27, $0x3;
	v27 =	vld [tilespmem:$0x1FE80]  }
0x337: {  	v43 =	vmovc v53;
	v15 =	vshrl.u32 v15, $0x3;
	v0 =	vmov v38;
	v38 =	vadd.s32 v39, v12;
	v53 =	vld [tilespmem:$0x1FE00]  }
0x338: {  	s26 =	simm.s32 $0xB;
	v15 =	vshll.u32 v15, v9;
	v40 =	vld [tilespmem:$0x1FCF0]  }
0x339: {  	v46 =	vmovc v31;
	v31 =	vmov s26;
	s26 =	simm.s32 $0xE;
	v15 =	vbroadcast v15, $0x0;
	v25 =	vadd.s32 v5, v6;
	v5 =	vld [tilespmem:$0x1FE20]  }
0x33a: {  	s23 =	simm.s32 $0xC;
	v32 =	vmov s26;
	v28 =	vadd.s32 v22, v11;
	v22 =	vld.idx.msk [tilespmem:v36+s1+$0x0], $0xffff  }
0x33b: {  	s24 =	simm.s32 $0xD;
	v62 =	vmovc v7;
	v18 =	vadd.s32 v7, v15;
	v7 =	vmovc v34;
	v34 =	vmov s23;
	v17 =	vadd.s32 v4, v17;
	v4 =	vld [tilespmem:$0x1FD30]  }
0x33c: {  	s0 =	simm.s32 $0xF;
	v33 =	vmov s24;
	s23 =	simm.s32 $0x10;
	v24 =	vshrl.u32 v31, $0x3;
	v31 =	vadd.s32 v27, v16;
	v27 =	vld.idx.msk [tilespmem:v38+s1+$0x0], $0xffff  }
.LBB2_15:
0x33d: {  	_ =	sdelay $0x3  }
0x33e: {  	v16 =	vmov s0;
	[tilespmem:s22+$0xFFFFFC60] =	vst v20;
	v14 =	vadd.s32 v40, v14;
	v20 =	vld.idx.msk [tilespmem:v25+s1+$0x0], $0xffff  }
0x33f: {  	v13 =	vadd.s32 v5, v13;
	[tilespmem:s22+$0x0] =	vst v26;
	v16 =	vshrl.u32 v16, $0x3;
	v28 =	vld.idx.msk [tilespmem:v28+s1+$0x0], $0xffff  }
0x340: {  	v12 =	vadd.s32 v4, v12;
	v26 =	vld.idx.msk [tilespmem:v18+s1+$0x0], $0xffff;
	v16 =	vshll.u32 v16, v9;
	[tilespmem:s22+$0xFFFFFCF0] =	vst v19  }
0x341: {  	v34 =	vshrl.u32 v34, $0x3;
	v18 =	vbroadcast v16, $0x0;
	v19 =	vshll.u32 v30, v9;
	[tilespmem:s22+$0xFFFFFD70] =	vst v21;
	v30 =	vld.idx.msk [tilespmem:v17+s1+$0x0], $0xffff  }
0x342: {  	v6 =	vadd.s32 v63, v6;
	v16 =	vshll.u32 v29, v9;
	[tilespmem:s22+$0xFFFFFDF0] =	vst v22;
	v17 =	vbroadcast v19, $0x0;
	v19 =	vld.idx.msk [tilespmem:v31+s1+$0x0], $0xffff  }
0x343: {  	[tilespmem:s22+$0xFFFFFE70] =	vst v23;
	v16 =	vbroadcast v16, $0x0;
	v21 =	vshll.u32 v24, v9;
	v22 =	vadd.s32 v50, v18;
	v24 =	vld.idx.msk [tilespmem:v14+s1+$0x0], $0xffff  }
0x344: {  	v25 =	vshrl.u32 v33, $0x3;
	[tilespmem:s22+$0xFFFFFEF0] =	vst v27;
	v14 =	vbroadcast v21, $0x0;
	v21 =	vshll.u32 v34, v9;
	v29 =	vld.idx.msk [tilespmem:v13+s1+$0x0], $0xffff  }
0x345: {  	v27 =	vadd.s32 v55, v16;
	v13 =	vbroadcast v21, $0x0;
	v21 =	vshll.u32 v25, v9;
	v25 =	vld.idx.msk [tilespmem:v12+s1+$0x0], $0xffff  }
0x346: {  	[tilespmem:s22+$0xFFFFFF70] =	vst v20;
	v12 =	vld [tilespmem:$0x1FD60]  }
0x347: {  	v11 =	vadd.s32 v53, v11;
	[tilespmem:s22+$0xFFFFFC70] =	vst v28;
	v28 =	vld.idx.msk [tilespmem:v6+s1+$0x0], $0xffff  }
0x348: {  	v22 =	vld.idx.msk [tilespmem:v22+s1+$0x0], $0xffff;
	[tilespmem:s22+$0xFFFFFD80] =	vst v19  }
0x349: {  	v23 =	vadd.s32 v47, v17;
	[tilespmem:s22+$0xFFFFFE80] =	vst v29;
	v29 =	vld [tilespmem:$0x1FF70]  }
0x34a: {  	v32 =	vshrl.u32 v32, $0x3;
	[tilespmem:s22+$0xFFFFFE00] =	vst v24;
	v24 =	vld.idx.msk [tilespmem:v27+s1+$0x0], $0xffff  }
0x34b: {  	v20 =	vadd.s32 v12, v14;
	v12 =	vbroadcast v21, $0x0;
	v21 =	vshll.u32 v32, v9;
	v27 =	vld [tilespmem:$0x1FC20]  }
0x34c: {  	v31 =	vadd.s32 v8, v13;
	v6 =	vbroadcast v21, $0x0;
	v21 =	vld.idx.msk [tilespmem:v11+s1+$0x0], $0xffff  }
0x34d: {  	[tilespmem:s22+$0xFFFFFD00] =	vst v30;
	v11 =	vmov v15;
	v15 =	vld [tilespmem:$0x1FFC0]  }
0x34e: {  	v19 =	vld.idx.msk [tilespmem:v23+s1+$0x0], $0xffff  }
0x34f: {  	[tilespmem:s22+$0xFFFFFF00] =	vst v25;
	v25 =	vadd.s32 v56, v16;
	v23 =	vld [tilespmem:$0x1FF50]  }
0x350: {  	[tilespmem:s22+$0xFFFFFF80] =	vst v28;
	v28 =	vld [tilespmem:$0x1FC90];
	v27 =	vadd.s32 v27, v18  }
0x351: {  	v30 =	vld.idx.msk [tilespmem:v31+s1+$0x0], $0xffff;
	v29 =	vadd.s32 v29, v17  }
0x352: {  	v20 =	vld.idx.msk [tilespmem:v20+s1+$0x0], $0xffff;
	[tilespmem:s22+$0xFFFFFC80] =	vst v21;
	s22 =	sadd.s32 $0x400, s22  }
0x353: {  	v15 =	vadd.s32 v15, v12;
	[tilespmem:s22+$0xFFFFFD10] =	vst v24;
	v24 =	vld [tilespmem:$0x1FED0]  }
0x354: {  	v23 =	vadd.s32 v23, v6;
	[tilespmem:s22+$0xFFFFFF90] =	vst v22;
	v25 =	vld.idx.msk [tilespmem:v25+s1+$0x0], $0xffff  }
0x355: {  	v28 =	vadd.s32 v28, v14;
	[tilespmem:s22+$0xFFFFFC90] =	vst v19;
	v22 =	vld.idx.msk [tilespmem:v27+s1+$0x0], $0xffff  }
0x356: {  	v21 =	vadd.s32 v10, v13;
	v27 =	vld.idx.msk [tilespmem:v29+s1+$0x0], $0xffff  }
0x357: {  	[tilespmem:s22+$0xFFFFFD90] =	vst v20;
	v20 =	vld [tilespmem:$0x1FC30]  }
0x358: {  	v29 =	vadd.s32 v3, v11;
	v15 =	vld.idx.msk [tilespmem:v15+s1+$0x0], $0xffff  }
0x359: {  	[tilespmem:s22+$0xFFFFFE10] =	vst v30;
	v23 =	vld.idx.msk [tilespmem:v23+s1+$0x0], $0xffff  }
0x35a: {  	v30 =	vadd.s32 v49, v17;
	[tilespmem:s22+$0xFFFFFC10] =	vst v26;
	v28 =	vld.idx.msk [tilespmem:v28+s1+$0x0], $0xffff  }
0x35b: {  	v21 =	vld.idx.msk [tilespmem:v21+s1+$0x0], $0xffff;
	[tilespmem:s22+$0xFFFFFD20] =	vst v25  }
0x35c: {  	v19 =	vadd.s32 v44, v12;
	v25 =	vld [tilespmem:$0x1FC40];
	[tilespmem:s22+$0xFFFFFFA0] =	vst v22  }
0x35d: {  	v24 =	vadd.s32 v24, v6;
	v26 =	vld.idx.msk [tilespmem:v29+s1+$0x0], $0xffff;
	[tilespmem:s22+$0xFFFFFCA0] =	vst v27  }
0x35e: {  	v20 =	vadd.s32 v20, v18;
	[tilespmem:s22+$0xFFFFFF10] =	vst v23;
	v23 =	vld [tilespmem:$0x1FCA0]  }
0x35f: {  	v22 =	vadd.s32 v41, v13;
	[tilespmem:s22+$0xFFFFFE90] =	vst v15;
	v29 =	vld.idx.msk [tilespmem:v30+s1+$0x0], $0xffff  }
0x360: {  	v15 =	vadd.s32 v57, v16;
	[tilespmem:s22+$0xFFFFFDA0] =	vst v28;
	v28 =	vld [tilespmem:$0x1FE60]  }
0x361: {  	v19 =	vld.idx.msk [tilespmem:v19+s1+$0x0], $0xffff  }
0x362: {  	[tilespmem:s22+$0xFFFFFE20] =	vst v21;
	v21 =	vadd.s32 v46, v17;
	v24 =	vld.idx.msk [tilespmem:v24+s1+$0x0], $0xffff  }
0x363: {  	v27 =	vadd.s32 v42, v12;
	v20 =	vld.idx.msk [tilespmem:v20+s1+$0x0], $0xffff  }
0x364: {  	v22 =	vld.idx.msk [tilespmem:v22+s1+$0x0], $0xffff  }
0x365: {  	v23 =	vadd.s32 v23, v14;
	v15 =	vld.idx.msk [tilespmem:v15+s1+$0x0], $0xffff  }
0x366: {  	v25 =	vadd.s32 v25, v18;
	[tilespmem:s22+$0xFFFFFCB0] =	vst v29;
	v29 =	vld [tilespmem:$0x1FC50]  }
0x367: {  	[tilespmem:s22+$0xFFFFFEA0] =	vst v19;
	v21 =	vld.idx.msk [tilespmem:v21+s1+$0x0], $0xffff  }
0x368: {  	v28 =	vadd.s32 v28, v6;
	v27 =	vld.idx.msk [tilespmem:v27+s1+$0x0], $0xffff  }
0x369: {  	v30 =	vadd.s32 v2, v11;
	[tilespmem:s22+$0xFFFFFFB0] =	vst v20;
	v20 =	vld [tilespmem:$0x1FCB0]  }
0x36a: {  	v19 =	vadd.s32 v58, v16;
	[tilespmem:s22+$0xFFFFFF20] =	vst v24;
	v23 =	vld.idx.msk [tilespmem:v23+s1+$0x0], $0xffff  }
0x36b: {  	[tilespmem:s22+$0xFFFFFE30] =	vst v22;
	v22 =	vadd.s32 v51, v17;
	v24 =	vld.idx.msk [tilespmem:v25+s1+$0x0], $0xffff  }
0x36c: {  	[tilespmem:s22+$0xFFFFFC20] =	vst v26;
	v25 =	vld [tilespmem:$0x1FF00]  }
0x36d: {  	v26 =	vld.idx.msk [tilespmem:v28+s1+$0x0], $0xffff;
	[tilespmem:s22+$0xFFFFFD30] =	vst v15;
	v15 =	vadd.s32 v43, v12  }
0x36e: {  	v28 =	vld.idx.msk [tilespmem:v30+s1+$0x0], $0xffff  }
0x36f: {  	v19 =	vld.idx.msk [tilespmem:v19+s1+$0x0], $0xffff;
	[tilespmem:s22+$0xFFFFFCC0] =	vst v21;
	v20 =	vadd.s32 v20, v14  }
0x370: {  	v29 =	vadd.s32 v29, v18;
	[tilespmem:s22+$0xFFFFFEB0] =	vst v27;
	v22 =	vld.idx.msk [tilespmem:v22+s1+$0x0], $0xffff  }
0x371: {  	[tilespmem:s22+$0xFFFFFDB0] =	vst v23;
	v23 =	vld [tilespmem:$0x1FE30]  }
0x372: {  	v30 =	vadd.s32 v1, v11;
	v15 =	vld.idx.msk [tilespmem:v15+s1+$0x0], $0xffff  }
0x373: {  	v25 =	vadd.s32 v25, v13;
	[tilespmem:s22+$0xFFFFFF30] =	vst v26;
	v26 =	vld [tilespmem:$0x1FC60]  }
0x374: {  	[tilespmem:s22+$0xFFFFFFC0] =	vst v24;
	v20 =	vld.idx.msk [tilespmem:v20+s1+$0x0], $0xffff  }
0x375: {  	v27 =	vld.idx.msk [tilespmem:v29+s1+$0x0], $0xffff  }
0x376: {  	v24 =	vadd.s32 v59, v16;
	[tilespmem:s22+$0xFFFFFC30] =	vst v28;
	v29 =	vld [tilespmem:$0x1FCC0]  }
0x377: {  	v28 =	vld.idx.msk [tilespmem:v30+s1+$0x0], $0xffff;
	v23 =	vadd.s32 v23, v6  }
0x378: {  	v25 =	vld.idx.msk [tilespmem:v25+s1+$0x0], $0xffff;
	v26 =	vadd.s32 v26, v18  }
0x379: {  	[tilespmem:s22+$0xFFFFFDC0] =	vst v20;
	v20 =	vld [tilespmem:$0x1FE40]  }
0x37a: {  	[tilespmem:s22+$0xFFFFFD40] =	vst v19;
	v19 =	vld [tilespmem:$0x1FE50];
	v30 =	vadd.s32 v0, v11  }
0x37b: {  	v21 =	vadd.s32 v48, v13;
	v24 =	vld.idx.msk [tilespmem:v24+s1+$0x0], $0xffff  }
0x37c: {  	[tilespmem:s22+$0xFFFFFFD0] =	vst v27;
	v23 =	vld.idx.msk [tilespmem:v23+s1+$0x0], $0xffff  }
0x37d: {  	[tilespmem:s22+$0xFFFFFE40] =	vst v25;
	v25 =	vld.idx.msk [tilespmem:v26+s1+$0x0], $0xffff  }
0x37e: {  	v27 =	vld [tilespmem:$0x1FFD0];
	[tilespmem:s22+$0xFFFFFC40] =	vst v28;
	v20 =	vadd.s32 v20, v6  }
0x37f: {  	v19 =	vadd.s32 v19, v12;
	v28 =	vld.idx.msk [tilespmem:v30+s1+$0x0], $0xffff  }
0x380: {  	v21 =	vld.idx.msk [tilespmem:v21+s1+$0x0], $0xffff  }
0x381: {  	v29 =	vadd.s32 v29, v14;
	[tilespmem:s22+$0xFFFFFF40] =	vst v23;
	v23 =	vld [tilespmem:$0x1FCD0]  }
0x382: {  	[tilespmem:s22+$0xFFFFFFE0] =	vst v25;
	v25 =	vld [tilespmem:$0x1FF80]  }
0x383: {  	[tilespmem:s22+$0xFFFFFEC0] =	vst v15;
	v20 =	vld.idx.msk [tilespmem:v20+s1+$0x0], $0xffff  }
0x384: {  	v27 =	vadd.s32 v27, v17;
	v15 =	vld.idx.msk [tilespmem:v19+s1+$0x0], $0xffff  }
0x385: {  	v19 =	vld [tilespmem:$0x1FC70]  }
0x386: {  	[tilespmem:s22+$0xFFFFFCD0] =	vst v22;
	v22 =	vadd.s32 v7, v13;
	v29 =	vld.idx.msk [tilespmem:v29+s1+$0x0], $0xffff  }
0x387: {  	v30 =	vld [tilespmem:$0x1FD40];
	[tilespmem:s22+$0xFFFFFD50] =	vst v24;
	v23 =	vadd.s32 v23, v14  }
0x388: {  	v25 =	vadd.s32 v25, v11;
	[tilespmem:s22+$0xFFFFFF50] =	vst v20;
	v20 =	vld [tilespmem:$0x1FCE0]  }
0x389: {  	v27 =	vld.idx.msk [tilespmem:v27+s1+$0x0], $0xffff;
	[tilespmem:s22+$0xFFFFFE50] =	vst v21  }
0x38a: {  	v19 =	vadd.s32 v19, v18;
	[tilespmem:s22+$0xFFFFFED0] =	vst v15;
	v15 =	vld [tilespmem:$0x1FC80]  }
0x38b: {  	v26 =	vadd.s32 v60, v16;
	[tilespmem:s22+$0xFFFFFDD0] =	vst v29;
	v31 =	vld.idx.msk [tilespmem:v22+s1+$0x0], $0xffff  }
0x38c: {  	v24 =	vadd.s32 v45, v12;
	[tilespmem:s22+$0xFFFFFC50] =	vst v28;
	v23 =	vld.idx.msk [tilespmem:v23+s1+$0x0], $0xffff  }
0x38d: {  	v22 =	vadd.s32 v20, v14;
	v20 =	vld.idx.msk [tilespmem:v25+s1+$0x0], $0xffff  }
0x38e: {  	v25 =	vld [tilespmem:$0x1FD20]  }
0x38f: {  	v30 =	vadd.s32 v30, v6;
	v29 =	vld.idx.msk [tilespmem:v19+s1+$0x0], $0xffff  }
0x390: {  	v26 =	vld.idx.msk [tilespmem:v26+s1+$0x0], $0xffff;
	v18 =	vadd.s32 v15, v18  }
0x391: {  	v24 =	vld.idx.msk [tilespmem:v24+s1+$0x0], $0xffff  }
0x392: {  	v19 =	vld [tilespmem:$0x1FEB0];
	[tilespmem:s22+$0xFFFFFCE0] =	vst v27  }
0x393: {  	[tilespmem:s22+$0xFFFFFDE0] =	vst v23;
	v23 =	vld [tilespmem:$0x1FE10];
	v27 =	vadd.s32 v25, v13  }
0x394: {  	v35 =	vld.idx.msk [tilespmem:v30+s1+$0x0], $0xffff;
	[tilespmem:s22+$0xFFFFFFF0] =	vst v29  }
0x395: {  	[tilespmem:s22+$0xFFFFFD60] =	vst v26;
	v26 =	vld.idx.msk [tilespmem:v18+s1+$0x0], $0xffff  }
0x396: {  	v21 =	vadd.s32 v61, v16;
	v18 =	vld [tilespmem:$0x1FFA0]  }
0x397: {  	[tilespmem:s22+$0xFFFFFE60] =	vst v31;
	v19 =	vadd.s32 v19, v17;
	v25 =	vld [tilespmem:$0x1FD50]  }
0x398: {  	s26 =	sadd.s32 $0x2, s23;
	v15 =	vmov s23;
	v17 =	vadd.s32 v23, v17;
	v23 =	vld.idx.msk [tilespmem:v27+s1+$0x0], $0xffff  }
0x399: {  	p0 =	slt.u32 s23, $0x38;
	v37 =	vmov s26;
	s26 =	sadd.s32 $0x5, s23;
	v36 =	vadd.s32 v39, v12;
	v15 =	vshrl.u32 v15, $0x3;
	v27 =	vld [tilespmem:$0x1FE80]  }
.Ltmp9:
0x39a: {  	s24 =	sadd.s32 $0x1, s23;
	v33 =	vmov s26;
	s26 =	sadd.s32 $0x6, s23;
	v15 =	vshll.u32 v15, v9;
	(pc) =	sbr.rel @p0 .LBB2_15-.Ltmp9, $4  }
0x39b: {  	v32 =	vmov s26;
	v21 =	vld.idx.msk [tilespmem:v21+s1+$0x0], $0xffff;
	v15 =	vbroadcast v15, $0x0;
	v29 =	vmov s24;
	s24 =	sadd.s32 $0x3, s23  }
0x39c: {  	[tilespmem:s22+$0xFFFFFEE0] =	vst v24;
	v38 =	vmov s24;
	s24 =	sadd.s32 $0x4, s23;
	v30 =	vshrl.u32 v29, $0x3;
	v29 =	vshrl.u32 v37, $0x3;
	v19 =	vld.idx.msk [tilespmem:v19+s1+$0x0], $0xffff  }
0x39d: {  	v34 =	vmov s24;
	v24 =	vshrl.u32 v38, $0x3;
	[tilespmem:s22+$0xFFFFFF60] =	vst v35;
	v28 =	vadd.s32 v18, v11;
	v22 =	vld.idx.msk [tilespmem:v22+s1+$0x0], $0xffff  }
0x39e: {  	s0 =	sadd.s32 $0x7, s23;
	s23 =	sadd.s32 $0x8, s23;
	v18 =	vadd.s32 v62, v15;
	v25 =	vadd.s32 v25, v6;
	v31 =	vadd.s32 v27, v16;
	v27 =	vld.idx.msk [tilespmem:v36+s1+$0x0], $0xffff  }
0x39f: {  	_ =	sdelay $0x2  }
0x3a0: {  	[tilespmem:s22+$0xFFFFFC60] =	vst v20;
	v16 =	vmov s0;
	v14 =	vadd.s32 v40, v14  }
0x3a1: {  	v13 =	vadd.s32 v5, v13;
	v16 =	vshrl.u32 v16, $0x3;
	[tilespmem:s22+$0xFFFFFD70] =	vst v21;
	v21 =	vld.idx.msk [tilespmem:v28+s1+$0x0], $0xffff  }
0x3a2: {  	v20 =	vshrl.u32 v34, $0x3;
	v28 =	vadd.s32 v4, v12;
	[tilespmem:s22+$0xFFFFFCF0] =	vst v19;
	v19 =	vld.idx.msk [tilespmem:v25+s1+$0x0], $0xffff;
	v16 =	vshll.u32 v16, v9  }
0x3a3: {  	[tilespmem:s22+$0xFFFFFE70] =	vst v23;
	v23 =	vadd.s32 v53, v11;
	v12 =	vshll.u32 v30, v9;
	v16 =	vbroadcast v16, $0x0;
	v17 =	vld.idx.msk [tilespmem:v17+s1+$0x0], $0xffff  }
0x3a4: {  	[tilespmem:s22+$0xFFFFFDF0] =	vst v22;
	v22 =	vadd.s32 v63, v6;
	v6 =	vbroadcast v12, $0x0;
	v12 =	vshll.u32 v29, v9;
	v29 =	vld.idx.msk [tilespmem:v31+s1+$0x0], $0xffff  }
0x3a5: {  	v25 =	vshrl.u32 v33, $0x3;
	[tilespmem:s22+$0xFFFFFEF0] =	vst v27;
	v11 =	vbroadcast v12, $0x0;
	v12 =	vshll.u32 v24, v9;
	v27 =	vld.idx.msk [tilespmem:v14+s1+$0x0], $0xffff  }
0x3a6: {  	[tilespmem:s22+$0x0] =	vst v26;
	v24 =	vadd.s32 v50, v16;
	v31 =	vbroadcast v12, $0x0;
	v12 =	vshll.u32 v20, v9;
	v20 =	vld.idx.msk [tilespmem:v13+s1+$0x0], $0xffff  }
0x3a7: {  	v13 =	vshll.u32 v25, v9;
	[tilespmem:s22+$0xFFFFFC70] =	vst v21;
	v25 =	vld.idx.msk [tilespmem:v28+s1+$0x0], $0xffff  }
0x3a8: {  	[tilespmem:s22+$0xFFFFFF70] =	vst v19;
	v19 =	vadd.s32 v47, v6;
	v23 =	vld.idx.msk [tilespmem:v23+s1+$0x0], $0xffff  }
0x3a9: {  	[tilespmem:s22+$0xFFFFFD00] =	vst v17;
	v22 =	vld.idx.msk [tilespmem:v22+s1+$0x0], $0xffff  }
0x3aa: {  	v62 =	vmov v40;
	v40 =	vld [tilespmem:$0x1FD60];
	[tilespmem:s22+$0xFFFFFD80] =	vst v29  }
0x3ab: {  	[tilespmem:s22+$0xFFFFFE00] =	vst v27;
	v24 =	vld.idx.msk [tilespmem:v24+s1+$0x0], $0xffff  }
0x3ac: {  	v50 =	vld [tilespmem:$0x1FFC0]  }
0x3ad: {  	[tilespmem:s22+$0xFFFFFE80] =	vst v20;
	v19 =	vld.idx.msk [tilespmem:v19+s1+$0x0], $0xffff  }
0x3ae: {  	v26 =	vshrl.u32 v32, $0x3;
	v21 =	vadd.s32 v55, v11;
	v12 =	vbroadcast v12, $0x0;
	v32 =	vld [tilespmem:$0x1FF50];
	[tilespmem:s22+$0xFFFFFF00] =	vst v25  }
0x3af: {  	v33 =	vld [tilespmem:$0x1FC20];
	[tilespmem:s22+$0xFFFFFF80] =	vst v22  }
0x3b0: {  	v14 =	vshll.u32 v26, v9;
	v13 =	vbroadcast v13, $0x0;
	v26 =	vadd.s32 v8, v12;
	[tilespmem:s22+$0xFFFFFC80] =	vst v23  }
0x3b1: {  	s0 =	sadd.s32 $0x400, s22;
	v17 =	vadd.s32 v40, v31;
	v28 =	vld [tilespmem:$0x1FF70]  }
0x3b2: {  	v14 =	vbroadcast v14, $0x0;
	[tilespmem:s0+$0xFFFFFF90] =	vst v24;
	v27 =	vadd.s32 v50, v13  }
0x3b3: {  	v21 =	vld.idx.msk [tilespmem:v21+s1+$0x0], $0xffff;
	[tilespmem:s0+$0xFFFFFC90] =	vst v19  }
0x3b4: {  	v20 =	vadd.s32 v32, v14;
	v35 =	vld [tilespmem:$0x1FC90]  }
0x3b5: {  	v23 =	vld.idx.msk [tilespmem:v26+s1+$0x0], $0xffff;
	v8 =	vadd.s32 v33, v16  }
0x3b6: {  	v17 =	vld.idx.msk [tilespmem:v17+s1+$0x0], $0xffff;
	v22 =	vadd.s32 v28, v6  }
0x3b7: {  	v25 =	vld.idx.msk [tilespmem:v27+s1+$0x0], $0xffff  }
0x3b8: {  	v18 =	vld.idx.msk [tilespmem:v18+s1+$0x0], $0xffff  }
0x3b9: {  	[tilespmem:s0+$0xFFFFFD10] =	vst v21;
	v20 =	vld.idx.msk [tilespmem:v20+s1+$0x0], $0xffff;
	v19 =	vadd.s32 v35, v31  }
0x3ba: {  	v24 =	vadd.s32 v56, v11;
	v21 =	vadd.s32 v10, v12;
	[tilespmem:s0+$0xFFFFFE10] =	vst v23;
	v10 =	vld.idx.msk [tilespmem:v8+s1+$0x0], $0xffff  }
0x3bb: {  	[tilespmem:s0+$0xFFFFFD90] =	vst v17;
	v22 =	vld.idx.msk [tilespmem:v22+s1+$0x0], $0xffff  }
0x3bc: {  	v17 =	vadd.s32 v44, v13;
	v36 =	vld [tilespmem:$0x1FC30];
	[tilespmem:s0+$0xFFFFFE90] =	vst v25  }
0x3bd: {  	v55 =	vld [tilespmem:$0x1FED0]  }
0x3be: {  	[tilespmem:s0+$0xFFFFFF10] =	vst v20;
	v20 =	vadd.s32 v3, v15;
	v19 =	vld.idx.msk [tilespmem:v19+s1+$0x0], $0xffff  }
0x3bf: {  	v24 =	vld.idx.msk [tilespmem:v24+s1+$0x0], $0xffff;
	[tilespmem:s0+$0xFFFFFFA0] =	vst v10;
	v10 =	vadd.s32 v49, v6  }
0x3c0: {  	v21 =	vld.idx.msk [tilespmem:v21+s1+$0x0], $0xffff;
	[tilespmem:s0+$0xFFFFFC10] =	vst v18  }
0x3c1: {  	v17 =	vld.idx.msk [tilespmem:v17+s1+$0x0], $0xffff;
	[tilespmem:s0+$0xFFFFFCA0] =	vst v22;
	v8 =	vadd.s32 v36, v16  }
0x3c2: {  	v37 =	vld [tilespmem:$0x1FCA0]  }
0x3c3: {  	v23 =	vadd.s32 v55, v14;
	[tilespmem:s0+$0xFFFFFDA0] =	vst v19;
	v19 =	vld.idx.msk [tilespmem:v20+s1+$0x0], $0xffff  }
0x3c4: {  	v18 =	vadd.s32 v57, v11;
	[tilespmem:s0+$0xFFFFFD20] =	vst v24;
	v27 =	vld.idx.msk [tilespmem:v10+s1+$0x0], $0xffff  }
0x3c5: {  	v20 =	vadd.s32 v42, v13;
	v38 =	vld [tilespmem:$0x1FC40];
	[tilespmem:s0+$0xFFFFFE20] =	vst v21  }
0x3c6: {  	v10 =	vadd.s32 v2, v15;
	[tilespmem:s0+$0xFFFFFEA0] =	vst v17;
	v8 =	vld.idx.msk [tilespmem:v8+s1+$0x0], $0xffff  }
0x3c7: {  	v26 =	vmov v56;
	v22 =	vadd.s32 v37, v31;
	v56 =	vld [tilespmem:$0x1FE60]  }
0x3c8: {  	v24 =	vadd.s32 v41, v12;
	v23 =	vld.idx.msk [tilespmem:v23+s1+$0x0], $0xffff  }
0x3c9: {  	v18 =	vld.idx.msk [tilespmem:v18+s1+$0x0], $0xffff  }
0x3ca: {  	v35 =	vmov v3;
	[tilespmem:s0+$0xFFFFFC20] =	vst v19;
	v20 =	vld.idx.msk [tilespmem:v20+s1+$0x0], $0xffff;
	v3 =	vadd.s32 v38, v16  }
0x3cb: {  	[tilespmem:s0+$0xFFFFFCB0] =	vst v27;
	v10 =	vld.idx.msk [tilespmem:v10+s1+$0x0], $0xffff  }
0x3cc: {  	v17 =	vadd.s32 v56, v14;
	[tilespmem:s0+$0xFFFFFFB0] =	vst v8;
	v21 =	vld.idx.msk [tilespmem:v22+s1+$0x0], $0xffff  }
0x3cd: {  	v22 =	vadd.s32 v46, v6;
	[tilespmem:s0+$0xFFFFFF20] =	vst v23;
	v23 =	vld.idx.msk [tilespmem:v24+s1+$0x0], $0xffff  }
0x3ce: {  	v40 =	vld [tilespmem:$0x1FCB0]  }
0x3cf: {  	v19 =	vadd.s32 v58, v11;
	[tilespmem:s0+$0xFFFFFD30] =	vst v18;
	v8 =	vld.idx.msk [tilespmem:v3+s1+$0x0], $0xffff  }
0x3d0: {  	v41 =	vld [tilespmem:$0x1FC50]  }
0x3d1: {  	v17 =	vld.idx.msk [tilespmem:v17+s1+$0x0], $0xffff  }
0x3d2: {  	[tilespmem:s0+$0xFFFFFDB0] =	vst v21;
	v21 =	vld.idx.msk [tilespmem:v22+s1+$0x0], $0xffff  }
0x3d3: {  	v29 =	vld [tilespmem:$0x1FF00];
	[tilespmem:s0+$0xFFFFFE30] =	vst v23  }
0x3d4: {  	v19 =	vld.idx.msk [tilespmem:v19+s1+$0x0], $0xffff;
	[tilespmem:s0+$0xFFFFFFC0] =	vst v8  }
0x3d5: {  	v32 =	vmov v46;
	v46 =	vld [tilespmem:$0x1FE30];
	[tilespmem:s0+$0xFFFFFEB0] =	vst v20  }
0x3d6: {  	v36 =	vmov v2;
	v2 =	vadd.s32 v40, v31;
	[tilespmem:s0+$0xFFFFFF30] =	vst v17  }
0x3d7: {  	v3 =	vadd.s32 v41, v16;
	[tilespmem:s0+$0xFFFFFC30] =	vst v10  }
0x3d8: {  	v22 =	vadd.s32 v43, v13;
	[tilespmem:s0+$0xFFFFFCC0] =	vst v21  }
0x3d9: {  	v25 =	vmov v57;
	v20 =	vadd.s32 v1, v15;
	v57 =	vld [tilespmem:$0x1FC60];
	[tilespmem:s0+$0xFFFFFD40] =	vst v19  }
0x3da: {  	v24 =	vmov v58;
	v18 =	vadd.s32 v29, v12;
	v58 =	vld [tilespmem:$0x1FCC0]  }
0x3db: {  	v30 =	vmov v53;
	v53 =	vmov v50;
	v17 =	vadd.s32 v51, v6;
	v50 =	vld.idx.msk [tilespmem:v2+s1+$0x0], $0xffff  }
0x3dc: {  	v3 =	vld.idx.msk [tilespmem:v3+s1+$0x0], $0xffff;
	v8 =	vadd.s32 v46, v14  }
0x3dd: {  	v21 =	vld.idx.msk [tilespmem:v22+s1+$0x0], $0xffff  }
0x3de: {  	v10 =	vadd.s32 v59, v11;
	v20 =	vld.idx.msk [tilespmem:v20+s1+$0x0], $0xffff  }
0x3df: {  	v18 =	vld.idx.msk [tilespmem:v18+s1+$0x0], $0xffff;
	v22 =	vadd.s32 v57, v16  }
0x3e0: {  	v17 =	vld.idx.msk [tilespmem:v17+s1+$0x0], $0xffff;
	[tilespmem:s0+$0xFFFFFDC0] =	vst v50  }
0x3e1: {  	v19 =	vadd.s32 v58, v31;
	[tilespmem:s0+$0xFFFFFFD0] =	vst v3;
	v8 =	vld.idx.msk [tilespmem:v8+s1+$0x0], $0xffff  }
0x3e2: {  	v50 =	vld [tilespmem:$0x1FE50]  }
0x3e3: {  	v23 =	vmov v59;
	v59 =	vadd.s32 v48, v12;
	v10 =	vld.idx.msk [tilespmem:v10+s1+$0x0], $0xffff  }
0x3e4: {  	[tilespmem:s0+$0xFFFFFE40] =	vst v18;
	v40 =	vld.idx.msk [tilespmem:v22+s1+$0x0], $0xffff  }
0x3e5: {  	v38 =	vld [tilespmem:$0x1FE40];
	[tilespmem:s0+$0xFFFFFEC0] =	vst v21  }
0x3e6: {  	v19 =	vld.idx.msk [tilespmem:v19+s1+$0x0], $0xffff;
	[tilespmem:s0+$0xFFFFFF40] =	vst v8  }
0x3e7: {  	v33 =	vadd.s32 v50, v13;
	v41 =	vld [tilespmem:$0x1FFD0]  }
0x3e8: {  	v21 =	vadd.s32 v0, v15;
	v46 =	vld.idx.msk [tilespmem:v59+s1+$0x0], $0xffff;
	[tilespmem:s0+$0xFFFFFC40] =	vst v20  }
0x3e9: {  	v57 =	vmov v48;
	v48 =	vld [tilespmem:$0x1FC70];
	[tilespmem:s0+$0xFFFFFCD0] =	vst v17  }
0x3ea: {  	v18 =	vadd.s32 v38, v14;
	[tilespmem:s0+$0xFFFFFD50] =	vst v10  }
0x3eb: {  	v17 =	vadd.s32 v60, v11;
	v58 =	vld [tilespmem:$0x1FCD0];
	[tilespmem:s0+$0xFFFFFFE0] =	vst v40  }
0x3ec: {  	[tilespmem:s0+$0xFFFFFDD0] =	vst v19;
	v3 =	vld.idx.msk [tilespmem:v33+s1+$0x0], $0xffff;
	v8 =	vadd.s32 v41, v6  }
0x3ed: {  	v20 =	vld.idx.msk [tilespmem:v21+s1+$0x0], $0xffff;
	[tilespmem:s0+$0xFFFFFE50] =	vst v46  }
0x3ee: {  	v59 =	vld [tilespmem:$0x1FD40];
	v27 =	vadd.s32 v48, v16  }
0x3ef: {  	v18 =	vld.idx.msk [tilespmem:v18+s1+$0x0], $0xffff  }
0x3f0: {  	v17 =	vld.idx.msk [tilespmem:v17+s1+$0x0], $0xffff;
	v10 =	vadd.s32 v58, v31  }
0x3f1: {  	v38 =	vmov v0;
	v0 =	vadd.s32 v7, v12;
	[tilespmem:s0+$0xFFFFFED0] =	vst v3;
	v2 =	vld.idx.msk [tilespmem:v8+s1+$0x0], $0xffff  }
0x3f2: {  	v40 =	vld [tilespmem:$0x1FF80]  }
0x3f3: {  	v19 =	vadd.s32 v45, v13;
	v48 =	vmov v60;
	v60 =	vld.idx.msk [tilespmem:v27+s1+$0x0], $0xffff  }
0x3f4: {  	v33 =	vld [tilespmem:$0x1FC80]  }
0x3f5: {  	[tilespmem:s0+$0xFFFFFC50] =	vst v20;
	v41 =	vld.idx.msk [tilespmem:v10+s1+$0x0], $0xffff  }
0x3f6: {  	v0 =	vld.idx.msk [tilespmem:v0+s1+$0x0], $0xffff;
	v4 =	vadd.s32 v59, v14;
	[tilespmem:s0+$0xFFFFFF50] =	vst v18  }
0x3f7: {  	v46 =	vld [tilespmem:$0x1FEB0];
	[tilespmem:s0+$0xFFFFFCE0] =	vst v2  }
0x3f8: {  	v18 =	vld.idx.msk [tilespmem:v19+s1+$0x0], $0xffff;
	v3 =	vadd.s32 v40, v15;
	[tilespmem:s0+$0xFFFFFFF0] =	vst v60  }
0x3f9: {  	v34 =	vmov v5;
	v27 =	vadd.s32 v33, v16;
	v5 =	vld [tilespmem:$0x1FCE0];
	[tilespmem:s0+$0xFFFFFD60] =	vst v17  }
0x3fa: {  	v59 =	vadd.s32 v61, v11;
	v61 =	vld [tilespmem:$0x1FD20];
	[tilespmem:s0+$0xFFFFFDE0] =	vst v41  }
0x3fb: {  	v4 =	vld.idx.msk [tilespmem:v4+s1+$0x0], $0xffff;
	[tilespmem:s0+$0xFFFFFE60] =	vst v0  }
0x3fc: {  	v16 =	vadd.s32 v46, v6;
	v0 =	vld [tilespmem:$0x1FD50]  }
0x3fd: {  	v3 =	vld.idx.msk [tilespmem:v3+s1+$0x0], $0xffff  }
0x3fe: {  	[tilespmem:s0+$0xFFFFFEE0] =	vst v18;
	v19 =	vld.idx.msk [tilespmem:v27+s1+$0x0], $0xffff;
	v60 =	vadd.s32 v5, v31  }
0x3ff: {  	v27 =	vld [tilespmem:$0x1FFA0];
	v17 =	vadd.s32 v61, v12  }
0x400: {  	v2 =	vld.idx.msk [tilespmem:v59+s1+$0x0], $0xffff  }
0x401: {  	v33 =	vadd.s32 v39, v13;
	[tilespmem:s0+$0xFFFFFF60] =	vst v4;
	v16 =	vld.idx.msk [tilespmem:v16+s1+$0x0], $0xffff  }
0x402: {  	v59 =	vld [tilespmem:$0x1FE10];
	v41 =	vadd.s32 v0, v14  }
0x403: {  	v46 =	vld.idx.msk [tilespmem:v60+s1+$0x0], $0xffff  }
0x404: {  	v18 =	vadd.s32 v27, v15;
	[tilespmem:s0+$0xFFFFFC60] =	vst v3;
	v60 =	vld.idx.msk [tilespmem:v17+s1+$0x0], $0xffff  }
0x405: {  	v17 =	vld [tilespmem:$0x1FE80];
	[tilespmem:s0+$0x0] =	vst v19  }
0x406: {  	v37 =	vmov v1;
	v1 =	vld.idx.msk [tilespmem:v33+s1+$0x0], $0xffff;
	[tilespmem:s0+$0xFFFFFCF0] =	vst v16  }
0x407: {  	v6 =	vadd.s32 v59, v6;
	[tilespmem:s0+$0xFFFFFD70] =	vst v2;
	v5 =	vld.idx.msk [tilespmem:v41+s1+$0x0], $0xffff  }
0x408: {  	v10 =	vadd.s32 v34, v12;
	v34 =	vld [tilespmem:$0x1FD30]  }
0x409: {  	v41 =	vadd.s32 v63, v14;
	v33 =	vld.idx.msk [tilespmem:v18+s1+$0x0], $0xffff  }
0x40a: {  	v59 =	vadd.s32 v30, v15  }
0x40b: {  	[tilespmem:s0+$0xFFFFFDF0] =	vst v46;
	v61 =	vadd.s32 v17, v11  }
0x40c: {  	v8 =	vadd.s32 v62, v31;
	v46 =	vld.idx.msk [tilespmem:v6+s1+$0x0], $0xffff;
	[tilespmem:s0+$0xFFFFFE70] =	vst v60  }
0x40d: {  	v11 =	vadd.s32 v34, v13;
	[tilespmem:s0+$0xFFFFFF70] =	vst v5;
	v62 =	vld.idx.msk [tilespmem:v10+s1+$0x0], $0xffff  }
0x40e: {  	[tilespmem:s0+$0xFFFFFC70] =	vst v33;
	v0 =	vld.idx.msk [tilespmem:v41+s1+$0x0], $0xffff  }
0x40f: {  	v3 =	vld.idx.msk [tilespmem:v59+s1+$0x0], $0xffff  }
0x410: {  	[tilespmem:s0+$0xFFFFFEF0] =	vst v1;
	v60 =	vld.idx.msk [tilespmem:v61+s1+$0x0], $0xffff  }
0x411: {  	[tilespmem:s0+$0xFFFFFD00] =	vst v46;
	v61 =	vld.idx.msk [tilespmem:v8+s1+$0x0], $0xffff  }
0x412: {  	v63 =	vld.idx.msk [tilespmem:v11+s1+$0x0], $0xffff;
	[tilespmem:s0+$0xFFFFFE80] =	vst v62  }
0x413: {  	[tilespmem:s0+$0xFFFFFF80] =	vst v0  }
0x414: {  	[tilespmem:s0+$0xFFFFFC80] =	vst v3  }
0x415: {  	[tilespmem:s0+$0xFFFFFD80] =	vst v60  }
0x416: {  	[tilespmem:s0+$0xFFFFFE00] =	vst v61  }
0x417: {  	s23 =	simm.s32 $0xDD00;
	s22 =	sadd.s32 s5, s14;
	[tilespmem:s0+$0xFFFFFF00] =	vst v63  }
0x418: {  	[hbm4b:s22+s3] =	stream.linear.scatter [tilespmem:s23], [sflag:$0x4], $0x400, $0x38;
	[tilespmem:$0xFD00] =	vst v63  }
0x419: {  	s24 =	sadd.s32 s5, s15;
	s26 =	simm.s32 $0xE100  }
0x41a: {  	[hbm4b:s24+s3] =	stream.linear.scatter [tilespmem:s26], [sflag:$0x4], $0x400, $0x38;
	[tilespmem:$0xFD00] =	vst v63  }
0x41b: {  	s22 =	sadd.s32 s5, s16;
	s23 =	simm.s32 $0xE500  }
0x41c: {  	[hbm4b:s22+s3] =	stream.linear.scatter [tilespmem:s23], [sflag:$0x4], $0x400, $0x38;
	[tilespmem:$0xFD00] =	vst v63  }
0x41d: {  	s24 =	sadd.s32 s5, s17;
	s26 =	simm.s32 $0xE900  }
0x41e: {  	[hbm4b:s24+s3] =	stream.linear.scatter [tilespmem:s26], [sflag:$0x4], $0x400, $0x38;
	[tilespmem:$0xFD00] =	vst v63  }
0x41f: {  	s22 =	sadd.s32 s5, s18;
	s23 =	simm.s32 $0xED00  }
0x420: {  	[hbm4b:s22+s3] =	stream.linear.scatter [tilespmem:s23], [sflag:$0x4], $0x400, $0x38;
	[tilespmem:$0xFD00] =	vst v63  }
0x421: {  	p0 =	seq.s32 s25, $0x18;
	s24 =	sadd.s32 s5, s19;
	s26 =	simm.s32 $0xF100  }
0x422: {  	[hbm4b:s24+s3] =	stream.linear.scatter [tilespmem:s26], [sflag:$0x4], $0x400, $0x38;
	[tilespmem:$0xFD00] =	vst v63  }
.Ltmp10:
0x423: {  	_ = 	snop;
	(pc) =	sbr.rel @p0 .LBB2_18-.Ltmp10, $4  }
0x424: {  	s22 =	sadd.s32 s5, s20;
	s23 =	simm.s32 $0xF500  }
0x425: {  	[hbm4b:s22+s3] =	stream.linear.scatter [tilespmem:s23], [sflag:$0x4], $0x400, $0x38;
	[tilespmem:$0xFD00] =	vst v63  }
0x426: {  	v58 =	vmovc v7;
	v31 =	vmovc v49;
	v49 =	vmov v42;
	v12 =	vmov v27;
	v16 =	vmov v40;
	s24 =	sadd.s32 s5, s21;
	s26 =	simm.s32 $0xF900  }
0x427: {  	v33 =	vmovc v51;
	v51 =	vmovc v43;
	v43 =	vmov v45;
	v59 =	vmov v39;
	v61 =	vmov v47;
	v63 =	vld [tilespmem:$0x1FF50];
	[hbm4b:s24+s3] =	stream.linear.scatter [tilespmem:s26], [sflag:$0x4], $0x400, $0x38  }
.Ltmp11:
0x428: {  	(pc) =	sbr.rel .LBB2_4-.Ltmp11, $4  }
0x429: {  	v39 =	vld [tilespmem:$0x1FDD0]  }
0x42a: {  	s0 =	sshrl.u32 s28, $0x2;
	s5 =	simm.s32 $0x80;
	v41 =	vld [tilespmem:$0x1FF90]  }
0x42b: {  	s22 =	simm.s32 $0x5500;
	s25 =	sadd.s32 $0x1, s25;
	v19 =	vld [tilespmem:$0x1FD60];
	s0 =	sadd.s32 $0x1D80, s0  }
0x42c: {  	v40 =	vmovc v52;
	v27 =	vmov v24;
	v45 =	vmov v23;
	v42 =	vmov v54;
	v60 =	vld [tilespmem:$0x1FE30];
	[tilespmem:s22], [sflag:$0x2] =	stream.indirect.gather [hbm4b:s4+s5], $0x40, s0, s5, $0xb8  }
.LBB2_19:
0x42d: {  	_ =	sfence.sel $0x180000  }
0x42e: {  	[bflag:$0x0] =	sbarrier.arrive $0xFFFF  }
0x42f: {  	_ =	strace $0x90000047  }
0x430: {  	s0 =	stileid.u32;
	[bflag:$0x2] =	sbarrier.arrive $0xFFFF  }
0x431: {  	p0 =	sne.s32 s0, $0x0;
	s0 =	rddreg [dreg:$0x2]  }
0x432: {  	s0 =	sadd.s32 @!p0 $0x100000, s0  }
0x433: {  	[sflag:s0] =	ssyncadd.tile.s32 @!p0 $0x1;
	_ =	shalt  }
.Lfunc_end2:
_tile_overlayer_lowered:
.L_overlay_start_2:
0x434: {  	(tag) =	ssettag $0x2  }
0x435: {  	s0 =	rddreg [dreg:$0x0];
	s2 =	stileid.u32  }
0x436: {  	s1 =	rddreg [dreg:$0x1];
	p0 =	sne.s32 s2, $0x0  }
0x437: {  	s3 =	rddreg [dreg:$0x2];
	[bflag:$0x3] =	sbarrier.arrive $0xFFFF;
	s2 =	simm.s32 @!p0 $0x1C05  }
0x438: {  	[timem:s3], [sflag:s2] =	dma.local @!p0 [hbm:s0], s1  }
0x439: {  	s0 =	simm.s32 @!p0 $0x5  }
0x43a: {  	_ =	swait.ge @!p0 [sflag:s0], s1  }
0x43b: {  	s1 =	ssub.s32 @!p0 $0x0, s1;
	[sflag:s0] =	ssyncset.done @!p0 $0x0  }
0x43c: {  	[sflag:s0] =	ssyncadd.s32 @!p0 s1  }
0x43d: {  	[bflag:$0x3] =	sbarrier.arrive $0xFFFF  }
0x43e: {  	_ =	shalt  }

</sc_bundles>
